<compile_context>
chip_gen: v7x
topology: tpu7x:2x2x1
jax: 0.10.2.dev20260603
libtpu: 0.0.44.dev20260713+nightly
codegen_flags: <defaults>
</compile_context>

<pallas_src>
import functools

import jax
import jax.numpy as jnp
from jax import lax
from jax.experimental import pallas as pl
from jax.experimental.pallas import tpu as pltpu
from jax.experimental.pallas import tpu_sc as plsc

N = 10000
D = 256
H = 128
E = 160000
NC = 2
NT = 16
NP = 10240
PT = NP // NT
EP = 163840
EPT = EP // (NC * NT)
RPT = NP // NT

@functools.cache
def _mesh():
    return plsc.VectorSubcoreMesh(core_axis_name="c", subcore_axis_name="s",
                                  num_cores=NC, num_subcores=NT)


def _fill(ref, n, val, dtype):
    v = jnp.full((16,), val, dtype)

    def body(i, _):
        ref[pl.ds(i * 16, 16)] = v
        return 0

    lax.fori_loop(0, n // 16, body, 0)


def _rsqrt16(x):
    i = lax.bitcast_convert_type(x, jnp.int32)
    i = jnp.int32(0x5F3759DF) - lax.shift_right_logical(i, 1)
    y = lax.bitcast_convert_type(i, jnp.float32)
    for _ in range(3):
        y = y * (1.5 - 0.5 * x * y * y)
    return y



_DC = 2000
_NCH = 1024


@functools.cache
def _pre():
    return pl.kernel(
        _pre_body,
        out_type=(
            jax.ShapeDtypeStruct((EP,), jnp.float32),
            jax.ShapeDtypeStruct((NP,), jnp.float32),
        ),
        mesh=_mesh(),
        compiler_params=pltpu.CompilerParams(needs_layout_passes=False),
        scratch_types=[
            pltpu.VMEM((_DC,), jnp.int32),
            pltpu.VMEM((_DC,), jnp.float32),
            pltpu.VMEM((PT,), jnp.float32),
            pltpu.VMEM((NP,), jnp.float32),
            pltpu.VMEM((_NCH,), jnp.int32),
            pltpu.VMEM((_NCH,), jnp.int32),
            pltpu.VMEM((_NCH,), jnp.float32),
            pltpu.VMEM((_NCH,), jnp.float32),
            pltpu.VMEM_SHARED((NP,), jnp.float32),
        ],
    )


def _pre_body(row_hbm, col_hbm, w_hbm, norm_hbm, dis2_hbm,
         colv, wv, slicev, fullv, nrow, ncol, nw, nout, deg_sh):
    c = lax.axis_index("c")
    s = lax.axis_index("s")

    _fill(slicev, PT, 1.0, jnp.float32)
    pltpu.sync_copy(slicev, deg_sh.at[pl.ds(s * PT, PT)])
    plsc.subcore_barrier()

    def deg_chunk(k, _):
        base = s * (E // NT) + k * _DC
        pltpu.sync_copy(col_hbm.at[pl.ds(base, _DC)], colv)
        pltpu.sync_copy(w_hbm.at[pl.ds(base, _DC)], wv)
        pltpu.sync_copy(wv, deg_sh.at[colv], add=True)
        return 0

    lax.fori_loop(0, (E // NT) // _DC, deg_chunk, 0)
    plsc.subcore_barrier()

    pltpu.sync_copy(deg_sh, fullv)

    def dis_blk(i, _):
        d = fullv[pl.ds(i * 16, 16)]
        fullv[pl.ds(i * 16, 16)] = _rsqrt16(d)
        return 0

    lax.fori_loop(0, NP // 16, dis_blk, 0)

    @pl.when(c == 0)
    def _():
        def d2_blk(i, _):
            v = fullv[pl.ds(s * PT + i * 16, 16)]
            slicev[pl.ds(i * 16, 16)] = v * v
            return 0

        lax.fori_loop(0, PT // 16, d2_blk, 0)
        pltpu.sync_copy(slicev, dis2_hbm.at[pl.ds(s * PT, PT)])

    wid = s * NC + c

    def norm_chunk(k, _):
        base = wid * EPT + k * _NCH
        pltpu.sync_copy(row_hbm.at[pl.ds(base, _NCH)], nrow)
        pltpu.sync_copy(col_hbm.at[pl.ds(base, _NCH)], ncol)
        pltpu.sync_copy(w_hbm.at[pl.ds(base, _NCH)], nw)

        def grp(j, _):
            r16 = nrow[pl.ds(j * 16, 16)]
            c16 = ncol[pl.ds(j * 16, 16)]
            w16 = nw[pl.ds(j * 16, 16)]
            dr = plsc.load_gather(fullv, [r16])
            dc = plsc.load_gather(fullv, [c16])
            nout[pl.ds(j * 16, 16)] = dr * w16 * dc
            return 0

        lax.fori_loop(0, _NCH // 16, grp, 0)
        pltpu.sync_copy(nout, norm_hbm.at[pl.ds(base, _NCH)])
        return 0

    lax.fori_loop(0, EPT // _NCH, norm_chunk, 0)



_AC = 200
_NCHUNK = (E // NT) // _AC
_ZR = 128


@functools.cache
def _agg():
    return pl.kernel(
        _agg_body,
        out_type=jax.ShapeDtypeStruct((NC * NP, H), jnp.float32),
        mesh=_mesh(),
        compiler_params=pltpu.CompilerParams(needs_layout_passes=False),
        scratch_types=[
            pltpu.VMEM((_AC,), jnp.int32),
            pltpu.VMEM((_AC,), jnp.int32),
            pltpu.VMEM((_AC,), jnp.float32),
            pltpu.VMEM((_AC, H), jnp.float32),
            pltpu.VMEM((_ZR, H), jnp.float32),
            pltpu.VMEM_SHARED((NP, H), jnp.float32),
            pltpu.SemaphoreType.DMA,
        ],
    )


def _agg_body(h_hbm, row_hbm, col_hbm, norm_hbm, out_hbm,
              rowv, colv, nrmv, buf, stage, acc, sem):
    c = lax.axis_index("c")
    s = lax.axis_index("s")

    def zfill(i, _):
        q = i // 8
        r = i % 8
        stage[q, pl.ds(r * 16, 16)] = jnp.zeros((16,), jnp.float32)
        return 0

    lax.fori_loop(0, _ZR * (H // 16), zfill, 0)
    r0 = s * RPT
    for t in range(RPT // _ZR):
        pltpu.sync_copy(stage, acc.at[pl.ds(r0 + t * _ZR, _ZR)])
    plsc.subcore_barrier()

    ooff = c * NP

    def chunk(k, _):
        base = s * (E // NT) + k * _AC
        pltpu.sync_copy(row_hbm.at[pl.ds(c * E + base, _AC)], rowv)
        pltpu.sync_copy(col_hbm.at[pl.ds(base, _AC)], colv)
        pltpu.sync_copy(norm_hbm.at[pl.ds(base, _AC)], nrmv)

        pltpu.async_copy(h_hbm.at[rowv], buf, sem).wait()

        def scale(j, _):
            idx = lax.broadcast(j, (16,))
            nv = plsc.load_gather(nrmv, [idx])
            for kk in range(H // 16):
                buf[j, pl.ds(kk * 16, 16)] = buf[j, pl.ds(kk * 16, 16)] * nv
            return 0

        lax.fori_loop(0, _AC, scale, 0)

        pltpu.sync_copy(buf, acc.at[colv], add=True)
        return 0

    lax.fori_loop(0, _NCHUNK, chunk, 0)
    plsc.subcore_barrier()

    for t in range(RPT // _ZR):
        pltpu.sync_copy(acc.at[pl.ds(r0 + t * _ZR, _ZR)], stage)
        pltpu.sync_copy(stage, out_hbm.at[pl.ds(ooff + r0 + t * _ZR, _ZR)])



_BM = 2000


def _mm_body(x_ref, w_ref, out_ref):
    h = jnp.dot(x_ref[...], w_ref[...], preferred_element_type=jnp.float32)
    out_ref[0] = h[:, :H]
    out_ref[1] = h[:, H:]


_mm0 = pl.pallas_call(
    _mm_body,
    grid=(N // _BM,),
    in_specs=[
        pl.BlockSpec((_BM, D), lambda i: (i, 0)),
        pl.BlockSpec((D, D), lambda i: (0, 0)),
    ],
    out_specs=pl.BlockSpec((2, _BM, H), lambda i: (0, i, 0)),
    out_shape=jax.ShapeDtypeStruct((2, N, H), jnp.float32),
)


def _make_stats(relu):
    def body(agg_ref, hs_ref, x0_ref, dis2_ref, b_ref, t_ref, sums_ref):
        i = pl.program_id(0)
        a = jnp.concatenate([agg_ref[0], agg_ref[1]], axis=1)
        h = jnp.concatenate([hs_ref[0], hs_ref[1]], axis=1)
        t = a + h * dis2_ref[...] + x0_ref[...] + b_ref[...]
        if relu:
            t = jnp.maximum(t, 0.0)
        t_ref[0] = t[:, :H]
        t_ref[1] = t[:, H:]
        ps = jnp.stack([jnp.sum(t, axis=0), jnp.sum(t * t, axis=0)])

        @pl.when(i == 0)
        def _():
            sums_ref[...] = ps

        @pl.when(i > 0)
        def _():
            sums_ref[...] = sums_ref[...] + ps

    return pl.pallas_call(
        body,
        grid=(N // _BM,),
        in_specs=[
            pl.BlockSpec((2, _BM, H), lambda i: (0, i, 0)),
            pl.BlockSpec((2, _BM, H), lambda i: (0, i, 0)),
            pl.BlockSpec((_BM, D), lambda i: (i, 0)),
            pl.BlockSpec((_BM, 1), lambda i: (i, 0)),
            pl.BlockSpec((1, D), lambda i: (0, 0)),
        ],
        out_specs=[
            pl.BlockSpec((2, _BM, H), lambda i: (0, i, 0)),
            pl.BlockSpec((2, D), lambda i: (0, 0)),
        ],
        out_shape=[
            jax.ShapeDtypeStruct((2, N, H), jnp.float32),
            jax.ShapeDtypeStruct((2, D), jnp.float32),
        ],
    )


def _bn_from_sums(t, sums_ref, g_ref, be_ref):
    m = sums_ref[0:1, :] * (1.0 / N)
    v = sums_ref[1:2, :] * (1.0 / N) - m * m
    inv = lax.rsqrt(v + 1e-5)
    return (t - m) * inv * g_ref[...] + be_ref[...]


def _apply_mm_body(t_ref, sums_ref, g_ref, be_ref, w_ref, out_ref):
    t = jnp.concatenate([t_ref[0], t_ref[1]], axis=1)
    xn = _bn_from_sums(t, sums_ref, g_ref, be_ref)
    h = jnp.dot(xn, w_ref[...], preferred_element_type=jnp.float32)
    out_ref[0] = h[:, :H]
    out_ref[1] = h[:, H:]


_apply_mm = pl.pallas_call(
    _apply_mm_body,
    grid=(N // _BM,),
    in_specs=[
        pl.BlockSpec((2, _BM, H), lambda i: (0, i, 0)),
        pl.BlockSpec((2, D), lambda i: (0, 0)),
        pl.BlockSpec((1, D), lambda i: (0, 0)),
        pl.BlockSpec((1, D), lambda i: (0, 0)),
        pl.BlockSpec((D, D), lambda i: (0, 0)),
    ],
    out_specs=pl.BlockSpec((2, _BM, H), lambda i: (0, i, 0)),
    out_shape=jax.ShapeDtypeStruct((2, N, H), jnp.float32),
)


def _apply_fin_body(t_ref, sums_ref, g_ref, be_ref, out_ref):
    t = jnp.concatenate([t_ref[0], t_ref[1]], axis=1)
    out_ref[...] = _bn_from_sums(t, sums_ref, g_ref, be_ref)


_apply_fin = pl.pallas_call(
    _apply_fin_body,
    grid=(N // _BM,),
    in_specs=[
        pl.BlockSpec((2, _BM, H), lambda i: (0, i, 0)),
        pl.BlockSpec((2, D), lambda i: (0, 0)),
        pl.BlockSpec((1, D), lambda i: (0, 0)),
        pl.BlockSpec((1, D), lambda i: (0, 0)),
    ],
    out_specs=pl.BlockSpec((_BM, D), lambda i: (i, 0)),
    out_shape=jax.ShapeDtypeStruct((N, D), jnp.float32),
)

_stats_relu = _make_stats(True)
_stats_lin = _make_stats(False)


def kernel(x, edge_index, edge_weight, W0, b0, g0, be0,
           W1, b1, g1, be1, W2, b2, g2, be2):
    row = edge_index[0]
    col = edge_index[1]
    pad = EP - E
    rowp = jnp.concatenate([row, jnp.zeros((pad,), jnp.int32)])
    colp = jnp.concatenate([col, jnp.zeros((pad,), jnp.int32)])
    wp = jnp.concatenate([edge_weight, jnp.zeros((pad,), jnp.float32)])

    row2 = jnp.concatenate([row, row + N])

    norm, dis2p = _pre()(rowp, colp, wp)
    dis2 = dis2p[:N].reshape(N, 1)

    hs = _mm0(x, W0)
    Ws = [W1, W2, None]
    bs = [b0, b1, b2]
    gs = [g0, g1, g2]
    bes = [be0, be1, be2]
    out = None
    for i in range(3):
        agg = _agg()(hs.reshape(NC * N, H), row2, col, norm)
        stats = _stats_relu if i != 1 else _stats_lin
        t, sums = stats(agg.reshape(2, NP, H), hs, x, dis2, bs[i].reshape(1, D))
        if i < 2:
            hs = _apply_mm(t, sums, gs[i].reshape(1, D),
                           bes[i].reshape(1, D), Ws[i])
        else:
            out = _apply_fin(t, sums, gs[i].reshape(1, D), bes[i].reshape(1, D))
    return out

# --- scband reference (transcript-rebuilt; emitter-appended) ---
"""Pipeline reference for scband-graph-encoder-61495341744483 (READ-ONLY COPY).

The authoritative reference and input builder live on the scoring server;
editing this copy changes nothing except your own understanding.
"""

import jax, jax.numpy as jnp
import numpy as np

N = 10000
D = 256
E = 160000
NUM_LAYERS = 3


def setup_inputs(seed: int = 0) -> dict:
    key = jax.random.key(seed)
    ks = jax.random.split(key, 4 + NUM_LAYERS)
    inp = {}
    inp['x'] = jax.random.normal(ks[0], (N, D), dtype=jnp.float32)
    inp['edge_index'] = jax.random.randint(ks[1], (2, E), 0, N, dtype=jnp.int32)
    inp['edge_weight'] = jax.random.uniform(ks[2], (E,), dtype=jnp.float32)
    for i in range(NUM_LAYERS):
        kw = jax.random.fold_in(ks[3], i)
        inp[f'W{i}'] = jax.random.normal(kw, (D, D), dtype=jnp.float32) * (1.0 / np.sqrt(D))
        inp[f'b{i}'] = jnp.zeros((D,), dtype=jnp.float32)
        inp[f'g{i}'] = jnp.ones((D,), dtype=jnp.float32)
        inp[f'be{i}'] = jnp.zeros((D,), dtype=jnp.float32)
    return inp


def _gcn_conv(x, edge_index, edge_weight, W, b):
    # PyG GCNConv with symmetric normalization and self-loops (fill_value=1)
    n = x.shape[0]
    loop = jnp.arange(n, dtype=edge_index.dtype)
    row = jnp.concatenate([edge_index[0], loop])
    col = jnp.concatenate([edge_index[1], loop])
    w = jnp.concatenate([edge_weight, jnp.ones((n,), edge_weight.dtype)])
    deg = jnp.zeros((n,), x.dtype).at[col].add(w)
    dis = jnp.where(deg > 0, jax.lax.rsqrt(deg), 0.0)
    norm = dis[row] * w * dis[col]
    h = x @ W
    msg = h[row] * norm[:, None]
    out = jnp.zeros_like(h).at[col].add(msg)
    return out + b


def _batch_norm(x, g, be, eps=1e-5):
    m = jnp.mean(x, axis=0)
    v = jnp.var(x, axis=0)
    return (x - m) * jax.lax.rsqrt(v + eps) * g + be


def reference(x, edge_index, edge_weight, W0, b0, g0, be0, W1, b1, g1, be1, W2, b2, g2, be2):
    Ws = [W0, W1, W2]
    bs = [b0, b1, b2]
    gs = [g0, g1, g2]
    bes = [be0, be1, be2]
    x0 = x
    h = x
    for i in range(NUM_LAYERS):
        h = _gcn_conv(h, edge_index, edge_weight, Ws[i], bs[i])
        # skip connection back to the original input features
        h = h + x0
        # activation applied except at index len-2
        if i != NUM_LAYERS - 2:
            h = jax.nn.relu(h)
        h = _batch_norm(h, gs[i], bes[i])
        # dropout is identity in eval mode (p effectively 0 for reference)
    return h

if __name__ == "__main__":
    import jax
    _d = setup_inputs()
    print(jax.jit(kernel)(*tuple(_d.values())))

</pallas_src>

<mosaic_0001>
#map = affine_map<(d0, d1) -> (0, 0)>
#map1 = affine_map<(d0, d1) -> (0)>
module attributes {stable_mosaic.version = 14 : i64} {
  func.func @_agg_body(%arg0: i32, %arg1: i32, %arg2: memref<20000x128xf32, #tpu.memory_space<hbm>>, %arg3: memref<320000xi32, #tpu.memory_space<hbm>>, %arg4: memref<160000xi32, #tpu.memory_space<hbm>>, %arg5: memref<163840xf32, #tpu.memory_space<hbm>>, %arg6: memref<20480x128xf32, #tpu.memory_space<hbm>>, %arg7: memref<200xi32, #tpu.memory_space<vmem>>, %arg8: memref<200xi32, #tpu.memory_space<vmem>>, %arg9: memref<200xf32, #tpu.memory_space<vmem>>, %arg10: memref<200x128xf32, #tpu.memory_space<vmem>>, %arg11: memref<128x128xf32, #tpu.memory_space<vmem>>, %arg12: memref<10240x128xf32, #tpu.memory_space<vmem_shared>>, %arg13: memref<!tpu.dma_semaphore, #tpu.memory_space<semaphore_mem>>) attributes {dimension_semantics = [#tpu.dimension_semantics<core_parallel>, #tpu.dimension_semantics<subcore_parallel>], iteration_bounds = array<i64: 2, 16>, scalar_prefetch = 0 : i64, scratch_operands = 7 : i64, tpu.core_type = #tpu.core_type<sc_vector_subcore>, window_params = [{transform_indices = #map}, {transform_indices = #map1}, {transform_indices = #map1}, {transform_indices = #map1}, {transform_indices = #map}]} {
    %scan3A = arith.constant 0 : i32
    %scan3A_0 = arith.constant 0 : i32
    %scan3A_1 = arith.constant 1024 : i32
    %scan3A_2 = arith.addi %scan3A_0, %scan3A_1 : i32
    %scan3A_3 = arith.constant 1 : i32
    %scan3A_4 = scf.for %scan3A_51 = %scan3A_0 to %scan3A_2 step %scan3A_3 iter_args(%scan3A_52 = %scan3A) -> (i32)  : i32 {
      %jit3A = arith.constant 8 : i32
      %div3A = arith.divsi %scan3A_51, %jit3A : i32
      %sign3A = arith.constant 0 : i32
      %sign3A_53 = arith.cmpi sgt, %scan3A_51, %sign3A : i32
      %sign3A_54 = arith.extui %sign3A_53 : i1 to i32
      %sign3A_55 = arith.constant 0 : i32
      %sign3A_56 = arith.cmpi slt, %scan3A_51, %sign3A_55 : i32
      %sign3A_57 = arith.extui %sign3A_56 : i1 to i32
      %sign3A_58 = arith.subi %sign3A_54, %sign3A_57 : i32
      %sign3A_59 = arith.constant 0 : i32
      %sign3A_60 = arith.cmpi sgt, %jit3A, %sign3A_59 : i32
      %sign3A_61 = arith.extui %sign3A_60 : i1 to i32
      %sign3A_62 = arith.constant 0 : i32
      %sign3A_63 = arith.cmpi slt, %jit3A, %sign3A_62 : i32
      %sign3A_64 = arith.extui %sign3A_63 : i1 to i32
      %sign3A_65 = arith.subi %sign3A_61, %sign3A_64 : i32
      %ne3A = arith.cmpi ne, %sign3A_58, %sign3A_65 : i32
      %rem3A = arith.remsi %scan3A_51, %jit3A : i32
      %ne3A_66 = arith.constant 0 : i32
      %ne3A_67 = arith.cmpi ne, %rem3A, %ne3A_66 : i32
      %and3A = arith.andi %ne3A, %ne3A_67 : i1
      %sub3A = arith.constant 1 : i32
      %sub3A_68 = arith.subi %div3A, %sub3A : i32
      %select_n3A = arith.select %and3A, %sub3A_68, %div3A : i32
      %jit3A_69 = arith.constant 8 : i32
      %eq3A = arith.constant 0 : i32
      %eq3A_70 = arith.cmpi eq, %jit3A_69, %eq3A : i32
      %jit3A_71 = arith.constant 1 : i32
      %select_n3A_72 = arith.select %eq3A_70, %jit3A_71, %jit3A_69 : i32
      %rem3A_73 = arith.remsi %scan3A_51, %select_n3A_72 : i32
      %ne3A_74 = arith.constant 0 : i32
      %ne3A_75 = arith.cmpi ne, %rem3A_73, %ne3A_74 : i32
      %lt3A = arith.constant 0 : i32
      %lt3A_76 = arith.cmpi slt, %rem3A_73, %lt3A : i32
      %lt3A_77 = arith.constant 0 : i32
      %lt3A_78 = arith.cmpi slt, %select_n3A_72, %lt3A_77 : i32
      %ne3A_79 = arith.xori %lt3A_76, %lt3A_78 : i1
      %and3A_80 = arith.andi %ne3A_79, %ne3A_75 : i1
      %add3A_81 = arith.addi %rem3A_73, %select_n3A_72 : i32
      %select_n3A_82 = arith.select %and3A_80, %add3A_81, %rem3A_73 : i32
      %broadcast_in_dim3A = arith.constant 0.000000e+00 : f32
      %broadcast_in_dim3A_83 = vector.broadcast %broadcast_in_dim3A : f32 to vector<16xf32>
      %mul3A_84 = arith.constant 16 : i32
      %mul3A_85 = arith.muli %select_n3A_82, %mul3A_84 : i32
      %swap3A = arith.index_cast %select_n3A : i32 to index
      %swap3A_86 = arith.index_cast %mul3A_85 : i32 to index
      %swap3A_87 = tpu.vector_load %arg11[%swap3A, %swap3A_86] {strides = array<i32>} : memref<128x128xf32, #tpu.memory_space<vmem>>, vector<16xf32>,
      tpu.vector_store %arg11[%swap3A, %swap3A_86], %broadcast_in_dim3A_83 {strides = array<i32>} : memref<128x128xf32, #tpu.memory_space<vmem>>, vector<16xf32>,
      %scan3A_88 = arith.constant 0 : i32
      scf.yield %scan3A_88 : i32
    }
    %scan3A_5 = arith.constant 1024 : i32
    %mul3A = arith.constant 640 : i32
    %mul3A_6 = arith.muli %arg1, %mul3A : i32
    %add3A = arith.constant 0 : i32
    %add3A_7 = arith.addi %mul3A_6, %add3A : i32
    "tpu.region"() ({
      %run_scoped3A = tpu.sem_alloc : memref<!tpu.dma_semaphore, #tpu.memory_space<semaphore_mem>>
      %dma_start3A = arith.constant 0 : i32
      %dma_start3A_51 = tpu.memref_slice %arg12[%add3A_7, %dma_start3A] : memref<10240x128xf32, #tpu.memory_space<vmem_shared>> -> memref<128x128xf32, #tpu.memory_space<vmem_shared>>
      %dma_start3A_52 = arith.constant 0 : i32
      %dma_start3A_53 = tpu.memref_slice %arg12[%add3A_7, %dma_start3A_52] : memref<10240x128xf32, #tpu.memory_space<vmem_shared>> -> memref<128x128xf32, #tpu.memory_space<vmem_shared>>
      tpu.enqueue_dma source(%arg11 : memref<128x128xf32, #tpu.memory_space<vmem>>) target(%dma_start3A_53 : memref<128x128xf32, #tpu.memory_space<vmem_shared>>) target_semaphore(%run_scoped3A : memref<!tpu.dma_semaphore, #tpu.memory_space<semaphore_mem>>)
      %dma_wait3A = arith.constant 0 : i32
      %dma_wait3A_54 = tpu.memref_slice %arg12[%add3A_7, %dma_wait3A] : memref<10240x128xf32, #tpu.memory_space<vmem_shared>> -> memref<128x128xf32, #tpu.memory_space<vmem_shared>>
      %dma_wait3A_55 = arith.constant 0 : i32
      %dma_wait3A_56 = tpu.memref_slice %arg12[%add3A_7, %dma_wait3A_55] : memref<10240x128xf32, #tpu.memory_space<vmem_shared>> -> memref<128x128xf32, #tpu.memory_space<vmem_shared>>
      tpu.wait_dma2 semaphore(%run_scoped3A : memref<!tpu.dma_semaphore, #tpu.memory_space<semaphore_mem>>) src(%arg11 : memref<128x128xf32, #tpu.memory_space<vmem>>) dst(%dma_wait3A_56 : memref<128x128xf32, #tpu.memory_space<vmem_shared>>)
      tpu.yield
    }) : () -> ()
    %add3A_8 = arith.constant 128 : i32
    %add3A_9 = arith.addi %mul3A_6, %add3A_8 : i32
    "tpu.region"() ({
      %run_scoped3A = tpu.sem_alloc : memref<!tpu.dma_semaphore, #tpu.memory_space<semaphore_mem>>
      %dma_start3A = arith.constant 0 : i32
      %dma_start3A_51 = tpu.memref_slice %arg12[%add3A_9, %dma_start3A] : memref<10240x128xf32, #tpu.memory_space<vmem_shared>> -> memref<128x128xf32, #tpu.memory_space<vmem_shared>>
      %dma_start3A_52 = arith.constant 0 : i32
      %dma_start3A_53 = tpu.memref_slice %arg12[%add3A_9, %dma_start3A_52] : memref<10240x128xf32, #tpu.memory_space<vmem_shared>> -> memref<128x128xf32, #tpu.memory_space<vmem_shared>>
      tpu.enqueue_dma source(%arg11 : memref<128x128xf32, #tpu.memory_space<vmem>>) target(%dma_start3A_53 : memref<128x128xf32, #tpu.memory_space<vmem_shared>>) target_semaphore(%run_scoped3A : memref<!tpu.dma_semaphore, #tpu.memory_space<semaphore_mem>>)
      %dma_wait3A = arith.constant 0 : i32
      %dma_wait3A_54 = tpu.memref_slice %arg12[%add3A_9, %dma_wait3A] : memref<10240x128xf32, #tpu.memory_space<vmem_shared>> -> memref<128x128xf32, #tpu.memory_space<vmem_shared>>
      %dma_wait3A_55 = arith.constant 0 : i32
      %dma_wait3A_56 = tpu.memref_slice %arg12[%add3A_9, %dma_wait3A_55] : memref<10240x128xf32, #tpu.memory_space<vmem_shared>> -> memref<128x128xf32, #tpu.memory_space<vmem_shared>>
      tpu.wait_dma2 semaphore(%run_scoped3A : memref<!tpu.dma_semaphore, #tpu.memory_space<semaphore_mem>>) src(%arg11 : memref<128x128xf32, #tpu.memory_space<vmem>>) dst(%dma_wait3A_56 : memref<128x128xf32, #tpu.memory_space<vmem_shared>>)
      tpu.yield
    }) : () -> ()
    %add3A_10 = arith.constant 256 : i32
    %add3A_11 = arith.addi %mul3A_6, %add3A_10 : i32
    "tpu.region"() ({
      %run_scoped3A = tpu.sem_alloc : memref<!tpu.dma_semaphore, #tpu.memory_space<semaphore_mem>>
      %dma_start3A = arith.constant 0 : i32
      %dma_start3A_51 = tpu.memref_slice %arg12[%add3A_11, %dma_start3A] : memref<10240x128xf32, #tpu.memory_space<vmem_shared>> -> memref<128x128xf32, #tpu.memory_space<vmem_shared>>
      %dma_start3A_52 = arith.constant 0 : i32
      %dma_start3A_53 = tpu.memref_slice %arg12[%add3A_11, %dma_start3A_52] : memref<10240x128xf32, #tpu.memory_space<vmem_shared>> -> memref<128x128xf32, #tpu.memory_space<vmem_shared>>
      tpu.enqueue_dma source(%arg11 : memref<128x128xf32, #tpu.memory_space<vmem>>) target(%dma_start3A_53 : memref<128x128xf32, #tpu.memory_space<vmem_shared>>) target_semaphore(%run_scoped3A : memref<!tpu.dma_semaphore, #tpu.memory_space<semaphore_mem>>)
      %dma_wait3A = arith.constant 0 : i32
      %dma_wait3A_54 = tpu.memref_slice %arg12[%add3A_11, %dma_wait3A] : memref<10240x128xf32, #tpu.memory_space<vmem_shared>> -> memref<128x128xf32, #tpu.memory_space<vmem_shared>>
      %dma_wait3A_55 = arith.constant 0 : i32
      %dma_wait3A_56 = tpu.memref_slice %arg12[%add3A_11, %dma_wait3A_55] : memref<10240x128xf32, #tpu.memory_space<vmem_shared>> -> memref<128x128xf32, #tpu.memory_space<vmem_shared>>
      tpu.wait_dma2 semaphore(%run_scoped3A : memref<!tpu.dma_semaphore, #tpu.memory_space<semaphore_mem>>) src(%arg11 : memref<128x128xf32, #tpu.memory_space<vmem>>) dst(%dma_wait3A_56 : memref<128x128xf32, #tpu.memory_space<vmem_shared>>)
      tpu.yield
    }) : () -> ()
    %add3A_12 = arith.constant 384 : i32
    %add3A_13 = arith.addi %mul3A_6, %add3A_12 : i32
    "tpu.region"() ({
      %run_scoped3A = tpu.sem_alloc : memref<!tpu.dma_semaphore, #tpu.memory_space<semaphore_mem>>
      %dma_start3A = arith.constant 0 : i32
      %dma_start3A_51 = tpu.memref_slice %arg12[%add3A_13, %dma_start3A] : memref<10240x128xf32, #tpu.memory_space<vmem_shared>> -> memref<128x128xf32, #tpu.memory_space<vmem_shared>>
      %dma_start3A_52 = arith.constant 0 : i32
      %dma_start3A_53 = tpu.memref_slice %arg12[%add3A_13, %dma_start3A_52] : memref<10240x128xf32, #tpu.memory_space<vmem_shared>> -> memref<128x128xf32, #tpu.memory_space<vmem_shared>>
      tpu.enqueue_dma source(%arg11 : memref<128x128xf32, #tpu.memory_space<vmem>>) target(%dma_start3A_53 : memref<128x128xf32, #tpu.memory_space<vmem_shared>>) target_semaphore(%run_scoped3A : memref<!tpu.dma_semaphore, #tpu.memory_space<semaphore_mem>>)
      %dma_wait3A = arith.constant 0 : i32
      %dma_wait3A_54 = tpu.memref_slice %arg12[%add3A_13, %dma_wait3A] : memref<10240x128xf32, #tpu.memory_space<vmem_shared>> -> memref<128x128xf32, #tpu.memory_space<vmem_shared>>
      %dma_wait3A_55 = arith.constant 0 : i32
      %dma_wait3A_56 = tpu.memref_slice %arg12[%add3A_13, %dma_wait3A_55] : memref<10240x128xf32, #tpu.memory_space<vmem_shared>> -> memref<128x128xf32, #tpu.memory_space<vmem_shared>>
      tpu.wait_dma2 semaphore(%run_scoped3A : memref<!tpu.dma_semaphore, #tpu.memory_space<semaphore_mem>>) src(%arg11 : memref<128x128xf32, #tpu.memory_space<vmem>>) dst(%dma_wait3A_56 : memref<128x128xf32, #tpu.memory_space<vmem_shared>>)
      tpu.yield
    }) : () -> ()
    %add3A_14 = arith.constant 512 : i32
    %add3A_15 = arith.addi %mul3A_6, %add3A_14 : i32
    "tpu.region"() ({
      %run_scoped3A = tpu.sem_alloc : memref<!tpu.dma_semaphore, #tpu.memory_space<semaphore_mem>>
      %dma_start3A = arith.constant 0 : i32
      %dma_start3A_51 = tpu.memref_slice %arg12[%add3A_15, %dma_start3A] : memref<10240x128xf32, #tpu.memory_space<vmem_shared>> -> memref<128x128xf32, #tpu.memory_space<vmem_shared>>
      %dma_start3A_52 = arith.constant 0 : i32
      %dma_start3A_53 = tpu.memref_slice %arg12[%add3A_15, %dma_start3A_52] : memref<10240x128xf32, #tpu.memory_space<vmem_shared>> -> memref<128x128xf32, #tpu.memory_space<vmem_shared>>
      tpu.enqueue_dma source(%arg11 : memref<128x128xf32, #tpu.memory_space<vmem>>) target(%dma_start3A_53 : memref<128x128xf32, #tpu.memory_space<vmem_shared>>) target_semaphore(%run_scoped3A : memref<!tpu.dma_semaphore, #tpu.memory_space<semaphore_mem>>)
      %dma_wait3A = arith.constant 0 : i32
      %dma_wait3A_54 = tpu.memref_slice %arg12[%add3A_15, %dma_wait3A] : memref<10240x128xf32, #tpu.memory_space<vmem_shared>> -> memref<128x128xf32, #tpu.memory_space<vmem_shared>>
      %dma_wait3A_55 = arith.constant 0 : i32
      %dma_wait3A_56 = tpu.memref_slice %arg12[%add3A_15, %dma_wait3A_55] : memref<10240x128xf32, #tpu.memory_space<vmem_shared>> -> memref<128x128xf32, #tpu.memory_space<vmem_shared>>
      tpu.wait_dma2 semaphore(%run_scoped3A : memref<!tpu.dma_semaphore, #tpu.memory_space<semaphore_mem>>) src(%arg11 : memref<128x128xf32, #tpu.memory_space<vmem>>) dst(%dma_wait3A_56 : memref<128x128xf32, #tpu.memory_space<vmem_shared>>)
      tpu.yield
    }) : () -> ()
    %barrier3A = arith.constant 0 : index
    tpu.barrier barrier_id(%barrier3A)
    %mul3A_16 = arith.constant 10240 : i32
    %mul3A_17 = arith.muli %arg0, %mul3A_16 : i32
    %scan3A_18 = arith.constant 0 : i32
    %scan3A_19 = arith.constant 0 : i32
    %scan3A_20 = arith.constant 50 : i32
    %scan3A_21 = arith.addi %scan3A_19, %scan3A_20 : i32
    %scan3A_22 = arith.constant 1 : i32
    %scan3A_23 = scf.for %scan3A_51 = %scan3A_19 to %scan3A_21 step %scan3A_22 iter_args(%scan3A_52 = %scan3A_18) -> (i32)  : i32 {
      %mul3A_53 = arith.constant 10000 : i32
      %mul3A_54 = arith.muli %arg1, %mul3A_53 : i32
      %mul3A_55 = arith.constant 200 : i32
      %mul3A_56 = arith.muli %scan3A_51, %mul3A_55 : i32
      %add3A_57 = arith.addi %mul3A_54, %mul3A_56 : i32
      %mul3A_58 = arith.constant 160000 : i32
      %mul3A_59 = arith.muli %arg0, %mul3A_58 : i32
      %add3A_60 = arith.addi %mul3A_59, %add3A_57 : i32
      "tpu.region"() ({
        %run_scoped3A = tpu.sem_alloc : memref<!tpu.dma_semaphore, #tpu.memory_space<semaphore_mem>>
        %dma_start3A_73 = tpu.memref_slice %arg3[%add3A_60] : memref<320000xi32, #tpu.memory_space<hbm>> -> memref<200xi32, #tpu.memory_space<hbm>>
        %dma_start3A_74 = tpu.memref_slice %arg3[%add3A_60] : memref<320000xi32, #tpu.memory_space<hbm>> -> memref<200xi32, #tpu.memory_space<hbm>>
        tpu.enqueue_dma source(%dma_start3A_74 : memref<200xi32, #tpu.memory_space<hbm>>) target(%arg7 : memref<200xi32, #tpu.memory_space<vmem>>) target_semaphore(%run_scoped3A : memref<!tpu.dma_semaphore, #tpu.memory_space<semaphore_mem>>)
        %dma_wait3A_75 = tpu.memref_slice %arg3[%add3A_60] : memref<320000xi32, #tpu.memory_space<hbm>> -> memref<200xi32, #tpu.memory_space<hbm>>
        %dma_wait3A_76 = tpu.memref_slice %arg3[%add3A_60] : memref<320000xi32, #tpu.memory_space<hbm>> -> memref<200xi32, #tpu.memory_space<hbm>>
        tpu.wait_dma2 semaphore(%run_scoped3A : memref<!tpu.dma_semaphore, #tpu.memory_space<semaphore_mem>>) src(%dma_wait3A_76 : memref<200xi32, #tpu.memory_space<hbm>>) dst(%arg7 : memref<200xi32, #tpu.memory_space<vmem>>)
        tpu.yield
      }) : () -> ()
      "tpu.region"() ({
        %run_scoped3A = tpu.sem_alloc : memref<!tpu.dma_semaphore, #tpu.memory_space<semaphore_mem>>
        %dma_start3A_73 = tpu.memref_slice %arg4[%add3A_57] : memref<160000xi32, #tpu.memory_space<hbm>> -> memref<200xi32, #tpu.memory_space<hbm>>
        %dma_start3A_74 = tpu.memref_slice %arg4[%add3A_57] : memref<160000xi32, #tpu.memory_space<hbm>> -> memref<200xi32, #tpu.memory_space<hbm>>
        tpu.enqueue_dma source(%dma_start3A_74 : memref<200xi32, #tpu.memory_space<hbm>>) target(%arg8 : memref<200xi32, #tpu.memory_space<vmem>>) target_semaphore(%run_scoped3A : memref<!tpu.dma_semaphore, #tpu.memory_space<semaphore_mem>>)
        %dma_wait3A_75 = tpu.memref_slice %arg4[%add3A_57] : memref<160000xi32, #tpu.memory_space<hbm>> -> memref<200xi32, #tpu.memory_space<hbm>>
        %dma_wait3A_76 = tpu.memref_slice %arg4[%add3A_57] : memref<160000xi32, #tpu.memory_space<hbm>> -> memref<200xi32, #tpu.memory_space<hbm>>
        tpu.wait_dma2 semaphore(%run_scoped3A : memref<!tpu.dma_semaphore, #tpu.memory_space<semaphore_mem>>) src(%dma_wait3A_76 : memref<200xi32, #tpu.memory_space<hbm>>) dst(%arg8 : memref<200xi32, #tpu.memory_space<vmem>>)
        tpu.yield
      }) : () -> ()
      "tpu.region"() ({
        %run_scoped3A = tpu.sem_alloc : memref<!tpu.dma_semaphore, #tpu.memory_space<semaphore_mem>>
        %dma_start3A_73 = tpu.memref_slice %arg5[%add3A_57] : memref<163840xf32, #tpu.memory_space<hbm>> -> memref<200xf32, #tpu.memory_space<hbm>>
        %dma_start3A_74 = tpu.memref_slice %arg5[%add3A_57] : memref<163840xf32, #tpu.memory_space<hbm>> -> memref<200xf32, #tpu.memory_space<hbm>>
        tpu.enqueue_dma source(%dma_start3A_74 : memref<200xf32, #tpu.memory_space<hbm>>) target(%arg9 : memref<200xf32, #tpu.memory_space<vmem>>) target_semaphore(%run_scoped3A : memref<!tpu.dma_semaphore, #tpu.memory_space<semaphore_mem>>)
        %dma_wait3A_75 = tpu.memref_slice %arg5[%add3A_57] : memref<163840xf32, #tpu.memory_space<hbm>> -> memref<200xf32, #tpu.memory_space<hbm>>
        %dma_wait3A_76 = tpu.memref_slice %arg5[%add3A_57] : memref<163840xf32, #tpu.memory_space<hbm>> -> memref<200xf32, #tpu.memory_space<hbm>>
        tpu.wait_dma2 semaphore(%run_scoped3A : memref<!tpu.dma_semaphore, #tpu.memory_space<semaphore_mem>>) src(%dma_wait3A_76 : memref<200xf32, #tpu.memory_space<hbm>>) dst(%arg9 : memref<200xf32, #tpu.memory_space<vmem>>)
        tpu.yield
      }) : () -> ()
      %dma_start3A = arith.constant 0 : i32
      %dma_start3A_61 = arith.constant 0 : i32
      %dma_start3A_62 = tpu.memref_slice %arg2[%dma_start3A, %dma_start3A_61] : memref<20000x128xf32, #tpu.memory_space<hbm>> -> memref<20000x128xf32, #tpu.memory_space<hbm>>
      tpu.enqueue_indirect_dma source(%dma_start3A_62 : memref<20000x128xf32, #tpu.memory_space<hbm>>) target(%arg10 : memref<200x128xf32, #tpu.memory_space<vmem>>) offsets(%arg7 : memref<200xi32, #tpu.memory_space<vmem>>) semaphore(%arg13 : memref<!tpu.dma_semaphore, #tpu.memory_space<semaphore_mem>>)
      %dma_wait3A = arith.constant 0 : i32
      %dma_wait3A_63 = arith.constant 0 : i32
      %dma_wait3A_64 = tpu.memref_slice %arg2[%dma_wait3A, %dma_wait3A_63] : memref<20000x128xf32, #tpu.memory_space<hbm>> -> memref<20000x128xf32, #tpu.memory_space<hbm>>
      tpu.wait_indirect_dma semaphore(%arg13 : memref<!tpu.dma_semaphore, #tpu.memory_space<semaphore_mem>>) src(%dma_wait3A_64 : memref<20000x128xf32, #tpu.memory_space<hbm>>) dst(%arg10 : memref<200x128xf32, #tpu.memory_space<vmem>>)
      %scan3A_65 = arith.constant 0 : i32
      %scan3A_66 = arith.constant 0 : i32
      %scan3A_67 = arith.constant 200 : i32
      %scan3A_68 = arith.addi %scan3A_66, %scan3A_67 : i32
      %scan3A_69 = arith.constant 1 : i32
      %scan3A_70 = scf.for %scan3A_73 = %scan3A_66 to %scan3A_68 step %scan3A_69 iter_args(%scan3A_74 = %scan3A_65) -> (i32)  : i32 {
        %broadcast_in_dim3A = vector.broadcast %scan3A_73 : i32 to vector<16xi32>
        %gather3A = tpu.vector_load_idx %arg9[%broadcast_in_dim3A] : memref<200xf32, #tpu.memory_space<vmem>>[vector<16xi32>], vector<16xf32>,
        %get3A = arith.index_cast %scan3A_73 : i32 to index
        %get3A_75 = arith.constant 0 : index
        %get3A_76 = tpu.vector_load %arg10[%get3A, %get3A_75] {strides = array<i32>} : memref<200x128xf32, #tpu.memory_space<vmem>>, vector<16xf32>,
        %mul3A_77 = arith.mulf %get3A_76, %gather3A : vector<16xf32>
        %swap3A = arith.index_cast %scan3A_73 : i32 to index
        %swap3A_78 = arith.constant 0 : index
        %swap3A_79 = tpu.vector_load %arg10[%swap3A, %swap3A_78] {strides = array<i32>} : memref<200x128xf32, #tpu.memory_space<vmem>>, vector<16xf32>,
        tpu.vector_store %arg10[%swap3A, %swap3A_78], %mul3A_77 {strides = array<i32>} : memref<200x128xf32, #tpu.memory_space<vmem>>, vector<16xf32>,
        %get3A_80 = arith.index_cast %scan3A_73 : i32 to index
        %get3A_81 = arith.constant 16 : index
        %get3A_82 = tpu.vector_load %arg10[%get3A_80, %get3A_81] {strides = array<i32>} : memref<200x128xf32, #tpu.memory_space<vmem>>, vector<16xf32>,
        %mul3A_83 = arith.mulf %get3A_82, %gather3A : vector<16xf32>
        %swap3A_84 = arith.index_cast %scan3A_73 : i32 to index
        %swap3A_85 = arith.constant 16 : index
        %swap3A_86 = tpu.vector_load %arg10[%swap3A_84, %swap3A_85] {strides = array<i32>} : memref<200x128xf32, #tpu.memory_space<vmem>>, vector<16xf32>,
        tpu.vector_store %arg10[%swap3A_84, %swap3A_85], %mul3A_83 {strides = array<i32>} : memref<200x128xf32, #tpu.memory_space<vmem>>, vector<16xf32>,
        %get3A_87 = arith.index_cast %scan3A_73 : i32 to index
        %get3A_88 = arith.constant 32 : index
        %get3A_89 = tpu.vector_load %arg10[%get3A_87, %get3A_88] {strides = array<i32>} : memref<200x128xf32, #tpu.memory_space<vmem>>, vector<16xf32>,
        %mul3A_90 = arith.mulf %get3A_89, %gather3A : vector<16xf32>
        %swap3A_91 = arith.index_cast %scan3A_73 : i32 to index
        %swap3A_92 = arith.constant 32 : index
        %swap3A_93 = tpu.vector_load %arg10[%swap3A_91, %swap3A_92] {strides = array<i32>} : memref<200x128xf32, #tpu.memory_space<vmem>>, vector<16xf32>,
        tpu.vector_store %arg10[%swap3A_91, %swap3A_92], %mul3A_90 {strides = array<i32>} : memref<200x128xf32, #tpu.memory_space<vmem>>, vector<16xf32>,
        %get3A_94 = arith.index_cast %scan3A_73 : i32 to index
        %get3A_95 = arith.constant 48 : index
        %get3A_96 = tpu.vector_load %arg10[%get3A_94, %get3A_95] {strides = array<i32>} : memref<200x128xf32, #tpu.memory_space<vmem>>, vector<16xf32>,
        %mul3A_97 = arith.mulf %get3A_96, %gather3A : vector<16xf32>
        %swap3A_98 = arith.index_cast %scan3A_73 : i32 to index
        %swap3A_99 = arith.constant 48 : index
        %swap3A_100 = tpu.vector_load %arg10[%swap3A_98, %swap3A_99] {strides = array<i32>} : memref<200x128xf32, #tpu.memory_space<vmem>>, vector<16xf32>,
        tpu.vector_store %arg10[%swap3A_98, %swap3A_99], %mul3A_97 {strides = array<i32>} : memref<200x128xf32, #tpu.memory_space<vmem>>, vector<16xf32>,
        %get3A_101 = arith.index_cast %scan3A_73 : i32 to index
        %get3A_102 = arith.constant 64 : index
        %get3A_103 = tpu.vector_load %arg10[%get3A_101, %get3A_102] {strides = array<i32>} : memref<200x128xf32, #tpu.memory_space<vmem>>, vector<16xf32>,
        %mul3A_104 = arith.mulf %get3A_103, %gather3A : vector<16xf32>
        %swap3A_105 = arith.index_cast %scan3A_73 : i32 to index
        %swap3A_106 = arith.constant 64 : index
        %swap3A_107 = tpu.vector_load %arg10[%swap3A_105, %swap3A_106] {strides = array<i32>} : memref<200x128xf32, #tpu.memory_space<vmem>>, vector<16xf32>,
        tpu.vector_store %arg10[%swap3A_105, %swap3A_106], %mul3A_104 {strides = array<i32>} : memref<200x128xf32, #tpu.memory_space<vmem>>, vector<16xf32>,
        %get3A_108 = arith.index_cast %scan3A_73 : i32 to index
        %get3A_109 = arith.constant 80 : index
        %get3A_110 = tpu.vector_load %arg10[%get3A_108, %get3A_109] {strides = array<i32>} : memref<200x128xf32, #tpu.memory_space<vmem>>, vector<16xf32>,
        %mul3A_111 = arith.mulf %get3A_110, %gather3A : vector<16xf32>
        %swap3A_112 = arith.index_cast %scan3A_73 : i32 to index
        %swap3A_113 = arith.constant 80 : index
        %swap3A_114 = tpu.vector_load %arg10[%swap3A_112, %swap3A_113] {strides = array<i32>} : memref<200x128xf32, #tpu.memory_space<vmem>>, vector<16xf32>,
        tpu.vector_store %arg10[%swap3A_112, %swap3A_113], %mul3A_111 {strides = array<i32>} : memref<200x128xf32, #tpu.memory_space<vmem>>, vector<16xf32>,
        %get3A_115 = arith.index_cast %scan3A_73 : i32 to index
        %get3A_116 = arith.constant 96 : index
        %get3A_117 = tpu.vector_load %arg10[%get3A_115, %get3A_116] {strides = array<i32>} : memref<200x128xf32, #tpu.memory_space<vmem>>, vector<16xf32>,
        %mul3A_118 = arith.mulf %get3A_117, %gather3A : vector<16xf32>
        %swap3A_119 = arith.index_cast %scan3A_73 : i32 to index
        %swap3A_120 = arith.constant 96 : index
        %swap3A_121 = tpu.vector_load %arg10[%swap3A_119, %swap3A_120] {strides = array<i32>} : memref<200x128xf32, #tpu.memory_space<vmem>>, vector<16xf32>,
        tpu.vector_store %arg10[%swap3A_119, %swap3A_120], %mul3A_118 {strides = array<i32>} : memref<200x128xf32, #tpu.memory_space<vmem>>, vector<16xf32>,
        %get3A_122 = arith.index_cast %scan3A_73 : i32 to index
        %get3A_123 = arith.constant 112 : index
        %get3A_124 = tpu.vector_load %arg10[%get3A_122, %get3A_123] {strides = array<i32>} : memref<200x128xf32, #tpu.memory_space<vmem>>, vector<16xf32>,
        %mul3A_125 = arith.mulf %get3A_124, %gather3A : vector<16xf32>
        %swap3A_126 = arith.index_cast %scan3A_73 : i32 to index
        %swap3A_127 = arith.constant 112 : index
        %swap3A_128 = tpu.vector_load %arg10[%swap3A_126, %swap3A_127] {strides = array<i32>} : memref<200x128xf32, #tpu.memory_space<vmem>>, vector<16xf32>,
        tpu.vector_store %arg10[%swap3A_126, %swap3A_127], %mul3A_125 {strides = array<i32>} : memref<200x128xf32, #tpu.memory_space<vmem>>, vector<16xf32>,
        %scan3A_129 = arith.constant 0 : i32
        scf.yield %scan3A_129 : i32
      }
      %scan3A_71 = arith.constant 200 : i32
      "tpu.region"() ({
        %run_scoped3A = tpu.sem_alloc : memref<!tpu.dma_semaphore, #tpu.memory_space<semaphore_mem>>
        %dma_start3A_73 = arith.constant 0 : i32
        %dma_start3A_74 = arith.constant 0 : i32
        %dma_start3A_75 = tpu.memref_slice %arg12[%dma_start3A_73, %dma_start3A_74] : memref<10240x128xf32, #tpu.memory_space<vmem_shared>> -> memref<10240x128xf32, #tpu.memory_space<vmem_shared>>
        tpu.enqueue_indirect_dma source(%arg10 : memref<200x128xf32, #tpu.memory_space<vmem>>) target(%dma_start3A_75 : memref<10240x128xf32, #tpu.memory_space<vmem_shared>>) offsets(%arg8 : memref<200xi32, #tpu.memory_space<vmem>>) semaphore(%run_scoped3A : memref<!tpu.dma_semaphore, #tpu.memory_space<semaphore_mem>>) {add = true}
        %dma_wait3A_76 = arith.constant 0 : i32
        %dma_wait3A_77 = arith.constant 0 : i32
        %dma_wait3A_78 = tpu.memref_slice %arg12[%dma_wait3A_76, %dma_wait3A_77] : memref<10240x128xf32, #tpu.memory_space<vmem_shared>> -> memref<10240x128xf32, #tpu.memory_space<vmem_shared>>
        tpu.wait_indirect_dma semaphore(%run_scoped3A : memref<!tpu.dma_semaphore, #tpu.memory_space<semaphore_mem>>) src(%arg10 : memref<200x128xf32, #tpu.memory_space<vmem>>) dst(%dma_wait3A_78 : memref<10240x128xf32, #tpu.memory_space<vmem_shared>>)
        tpu.yield
      }) : () -> ()
      %scan3A_72 = arith.constant 0 : i32
      scf.yield %scan3A_72 : i32
    }
    %scan3A_24 = arith.constant 50 : i32
    %barrier3A_25 = arith.constant 0 : index
    tpu.barrier barrier_id(%barrier3A_25)
    %add3A_26 = arith.constant 0 : i32
    %add3A_27 = arith.addi %mul3A_6, %add3A_26 : i32
    "tpu.region"() ({
      %run_scoped3A = tpu.sem_alloc : memref<!tpu.dma_semaphore, #tpu.memory_space<semaphore_mem>>
      %dma_start3A = arith.constant 0 : i32
      %dma_start3A_51 = tpu.memref_slice %arg12[%add3A_27, %dma_start3A] : memref<10240x128xf32, #tpu.memory_space<vmem_shared>> -> memref<128x128xf32, #tpu.memory_space<vmem_shared>>
      %dma_start3A_52 = arith.constant 0 : i32
      %dma_start3A_53 = tpu.memref_slice %arg12[%add3A_27, %dma_start3A_52] : memref<10240x128xf32, #tpu.memory_space<vmem_shared>> -> memref<128x128xf32, #tpu.memory_space<vmem_shared>>
      tpu.enqueue_dma source(%dma_start3A_53 : memref<128x128xf32, #tpu.memory_space<vmem_shared>>) target(%arg11 : memref<128x128xf32, #tpu.memory_space<vmem>>) target_semaphore(%run_scoped3A : memref<!tpu.dma_semaphore, #tpu.memory_space<semaphore_mem>>)
      %dma_wait3A = arith.constant 0 : i32
      %dma_wait3A_54 = tpu.memref_slice %arg12[%add3A_27, %dma_wait3A] : memref<10240x128xf32, #tpu.memory_space<vmem_shared>> -> memref<128x128xf32, #tpu.memory_space<vmem_shared>>
      %dma_wait3A_55 = arith.constant 0 : i32
      %dma_wait3A_56 = tpu.memref_slice %arg12[%add3A_27, %dma_wait3A_55] : memref<10240x128xf32, #tpu.memory_space<vmem_shared>> -> memref<128x128xf32, #tpu.memory_space<vmem_shared>>
      tpu.wait_dma2 semaphore(%run_scoped3A : memref<!tpu.dma_semaphore, #tpu.memory_space<semaphore_mem>>) src(%dma_wait3A_56 : memref<128x128xf32, #tpu.memory_space<vmem_shared>>) dst(%arg11 : memref<128x128xf32, #tpu.memory_space<vmem>>)
      tpu.yield
    }) : () -> ()
    %add3A_28 = arith.addi %mul3A_17, %mul3A_6 : i32
    %add3A_29 = arith.constant 0 : i32
    %add3A_30 = arith.addi %add3A_28, %add3A_29 : i32
    "tpu.region"() ({
      %run_scoped3A = tpu.sem_alloc : memref<!tpu.dma_semaphore, #tpu.memory_space<semaphore_mem>>
      %dma_start3A = arith.constant 0 : i32
      %dma_start3A_51 = tpu.memref_slice %arg6[%add3A_30, %dma_start3A] : memref<20480x128xf32, #tpu.memory_space<hbm>> -> memref<128x128xf32, #tpu.memory_space<hbm>>
      %dma_start3A_52 = arith.constant 0 : i32
      %dma_start3A_53 = tpu.memref_slice %arg6[%add3A_30, %dma_start3A_52] : memref<20480x128xf32, #tpu.memory_space<hbm>> -> memref<128x128xf32, #tpu.memory_space<hbm>>
      tpu.enqueue_dma source(%arg11 : memref<128x128xf32, #tpu.memory_space<vmem>>) target(%dma_start3A_53 : memref<128x128xf32, #tpu.memory_space<hbm>>) target_semaphore(%run_scoped3A : memref<!tpu.dma_semaphore, #tpu.memory_space<semaphore_mem>>)
      %dma_wait3A = arith.constant 0 : i32
      %dma_wait3A_54 = tpu.memref_slice %arg6[%add3A_30, %dma_wait3A] : memref<20480x128xf32, #tpu.memory_space<hbm>> -> memref<128x128xf32, #tpu.memory_space<hbm>>
      %dma_wait3A_55 = arith.constant 0 : i32
      %dma_wait3A_56 = tpu.memref_slice %arg6[%add3A_30, %dma_wait3A_55] : memref<20480x128xf32, #tpu.memory_space<hbm>> -> memref<128x128xf32, #tpu.memory_space<hbm>>
      tpu.wait_dma2 semaphore(%run_scoped3A : memref<!tpu.dma_semaphore, #tpu.memory_space<semaphore_mem>>) src(%arg11 : memref<128x128xf32, #tpu.memory_space<vmem>>) dst(%dma_wait3A_56 : memref<128x128xf32, #tpu.memory_space<hbm>>)
      tpu.yield
    }) : () -> ()
    %add3A_31 = arith.constant 128 : i32
    %add3A_32 = arith.addi %mul3A_6, %add3A_31 : i32
    "tpu.region"() ({
      %run_scoped3A = tpu.sem_alloc : memref<!tpu.dma_semaphore, #tpu.memory_space<semaphore_mem>>
      %dma_start3A = arith.constant 0 : i32
      %dma_start3A_51 = tpu.memref_slice %arg12[%add3A_32, %dma_start3A] : memref<10240x128xf32, #tpu.memory_space<vmem_shared>> -> memref<128x128xf32, #tpu.memory_space<vmem_shared>>
      %dma_start3A_52 = arith.constant 0 : i32
      %dma_start3A_53 = tpu.memref_slice %arg12[%add3A_32, %dma_start3A_52] : memref<10240x128xf32, #tpu.memory_space<vmem_shared>> -> memref<128x128xf32, #tpu.memory_space<vmem_shared>>
      tpu.enqueue_dma source(%dma_start3A_53 : memref<128x128xf32, #tpu.memory_space<vmem_shared>>) target(%arg11 : memref<128x128xf32, #tpu.memory_space<vmem>>) target_semaphore(%run_scoped3A : memref<!tpu.dma_semaphore, #tpu.memory_space<semaphore_mem>>)
      %dma_wait3A = arith.constant 0 : i32
      %dma_wait3A_54 = tpu.memref_slice %arg12[%add3A_32, %dma_wait3A] : memref<10240x128xf32, #tpu.memory_space<vmem_shared>> -> memref<128x128xf32, #tpu.memory_space<vmem_shared>>
      %dma_wait3A_55 = arith.constant 0 : i32
      %dma_wait3A_56 = tpu.memref_slice %arg12[%add3A_32, %dma_wait3A_55] : memref<10240x128xf32, #tpu.memory_space<vmem_shared>> -> memref<128x128xf32, #tpu.memory_space<vmem_shared>>
      tpu.wait_dma2 semaphore(%run_scoped3A : memref<!tpu.dma_semaphore, #tpu.memory_space<semaphore_mem>>) src(%dma_wait3A_56 : memref<128x128xf32, #tpu.memory_space<vmem_shared>>) dst(%arg11 : memref<128x128xf32, #tpu.memory_space<vmem>>)
      tpu.yield
    }) : () -> ()
    %add3A_33 = arith.addi %mul3A_17, %mul3A_6 : i32
    %add3A_34 = arith.constant 128 : i32
    %add3A_35 = arith.addi %add3A_33, %add3A_34 : i32
    "tpu.region"() ({
      %run_scoped3A = tpu.sem_alloc : memref<!tpu.dma_semaphore, #tpu.memory_space<semaphore_mem>>
      %dma_start3A = arith.constant 0 : i32
      %dma_start3A_51 = tpu.memref_slice %arg6[%add3A_35, %dma_start3A] : memref<20480x128xf32, #tpu.memory_space<hbm>> -> memref<128x128xf32, #tpu.memory_space<hbm>>
      %dma_start3A_52 = arith.constant 0 : i32
      %dma_start3A_53 = tpu.memref_slice %arg6[%add3A_35, %dma_start3A_52] : memref<20480x128xf32, #tpu.memory_space<hbm>> -> memref<128x128xf32, #tpu.memory_space<hbm>>
      tpu.enqueue_dma source(%arg11 : memref<128x128xf32, #tpu.memory_space<vmem>>) target(%dma_start3A_53 : memref<128x128xf32, #tpu.memory_space<hbm>>) target_semaphore(%run_scoped3A : memref<!tpu.dma_semaphore, #tpu.memory_space<semaphore_mem>>)
      %dma_wait3A = arith.constant 0 : i32
      %dma_wait3A_54 = tpu.memref_slice %arg6[%add3A_35, %dma_wait3A] : memref<20480x128xf32, #tpu.memory_space<hbm>> -> memref<128x128xf32, #tpu.memory_space<hbm>>
      %dma_wait3A_55 = arith.constant 0 : i32
      %dma_wait3A_56 = tpu.memref_slice %arg6[%add3A_35, %dma_wait3A_55] : memref<20480x128xf32, #tpu.memory_space<hbm>> -> memref<128x128xf32, #tpu.memory_space<hbm>>
      tpu.wait_dma2 semaphore(%run_scoped3A : memref<!tpu.dma_semaphore, #tpu.memory_space<semaphore_mem>>) src(%arg11 : memref<128x128xf32, #tpu.memory_space<vmem>>) dst(%dma_wait3A_56 : memref<128x128xf32, #tpu.memory_space<hbm>>)
      tpu.yield
    }) : () -> ()
    %add3A_36 = arith.constant 256 : i32
    %add3A_37 = arith.addi %mul3A_6, %add3A_36 : i32
    "tpu.region"() ({
      %run_scoped3A = tpu.sem_alloc : memref<!tpu.dma_semaphore, #tpu.memory_space<semaphore_mem>>
      %dma_start3A = arith.constant 0 : i32
      %dma_start3A_51 = tpu.memref_slice %arg12[%add3A_37, %dma_start3A] : memref<10240x128xf32, #tpu.memory_space<vmem_shared>> -> memref<128x128xf32, #tpu.memory_space<vmem_shared>>
      %dma_start3A_52 = arith.constant 0 : i32
      %dma_start3A_53 = tpu.memref_slice %arg12[%add3A_37, %dma_start3A_52] : memref<10240x128xf32, #tpu.memory_space<vmem_shared>> -> memref<128x128xf32, #tpu.memory_space<vmem_shared>>
      tpu.enqueue_dma source(%dma_start3A_53 : memref<128x128xf32, #tpu.memory_space<vmem_shared>>) target(%arg11 : memref<128x128xf32, #tpu.memory_space<vmem>>) target_semaphore(%run_scoped3A : memref<!tpu.dma_semaphore, #tpu.memory_space<semaphore_mem>>)
      %dma_wait3A = arith.constant 0 : i32
      %dma_wait3A_54 = tpu.memref_slice %arg12[%add3A_37, %dma_wait3A] : memref<10240x128xf32, #tpu.memory_space<vmem_shared>> -> memref<128x128xf32, #tpu.memory_space<vmem_shared>>
      %dma_wait3A_55 = arith.constant 0 : i32
      %dma_wait3A_56 = tpu.memref_slice %arg12[%add3A_37, %dma_wait3A_55] : memref<10240x128xf32, #tpu.memory_space<vmem_shared>> -> memref<128x128xf32, #tpu.memory_space<vmem_shared>>
      tpu.wait_dma2 semaphore(%run_scoped3A : memref<!tpu.dma_semaphore, #tpu.memory_space<semaphore_mem>>) src(%dma_wait3A_56 : memref<128x128xf32, #tpu.memory_space<vmem_shared>>) dst(%arg11 : memref<128x128xf32, #tpu.memory_space<vmem>>)
      tpu.yield
    }) : () -> ()
    %add3A_38 = arith.addi %mul3A_17, %mul3A_6 : i32
    %add3A_39 = arith.constant 256 : i32
    %add3A_40 = arith.addi %add3A_38, %add3A_39 : i32
    "tpu.region"() ({
      %run_scoped3A = tpu.sem_alloc : memref<!tpu.dma_semaphore, #tpu.memory_space<semaphore_mem>>
      %dma_start3A = arith.constant 0 : i32
      %dma_start3A_51 = tpu.memref_slice %arg6[%add3A_40, %dma_start3A] : memref<20480x128xf32, #tpu.memory_space<hbm>> -> memref<128x128xf32, #tpu.memory_space<hbm>>
      %dma_start3A_52 = arith.constant 0 : i32
      %dma_start3A_53 = tpu.memref_slice %arg6[%add3A_40, %dma_start3A_52] : memref<20480x128xf32, #tpu.memory_space<hbm>> -> memref<128x128xf32, #tpu.memory_space<hbm>>
      tpu.enqueue_dma source(%arg11 : memref<128x128xf32, #tpu.memory_space<vmem>>) target(%dma_start3A_53 : memref<128x128xf32, #tpu.memory_space<hbm>>) target_semaphore(%run_scoped3A : memref<!tpu.dma_semaphore, #tpu.memory_space<semaphore_mem>>)
      %dma_wait3A = arith.constant 0 : i32
      %dma_wait3A_54 = tpu.memref_slice %arg6[%add3A_40, %dma_wait3A] : memref<20480x128xf32, #tpu.memory_space<hbm>> -> memref<128x128xf32, #tpu.memory_space<hbm>>
      %dma_wait3A_55 = arith.constant 0 : i32
      %dma_wait3A_56 = tpu.memref_slice %arg6[%add3A_40, %dma_wait3A_55] : memref<20480x128xf32, #tpu.memory_space<hbm>> -> memref<128x128xf32, #tpu.memory_space<hbm>>
      tpu.wait_dma2 semaphore(%run_scoped3A : memref<!tpu.dma_semaphore, #tpu.memory_space<semaphore_mem>>) src(%arg11 : memref<128x128xf32, #tpu.memory_space<vmem>>) dst(%dma_wait3A_56 : memref<128x128xf32, #tpu.memory_space<hbm>>)
      tpu.yield
    }) : () -> ()
    %add3A_41 = arith.constant 384 : i32
    %add3A_42 = arith.addi %mul3A_6, %add3A_41 : i32
    "tpu.region"() ({
      %run_scoped3A = tpu.sem_alloc : memref<!tpu.dma_semaphore, #tpu.memory_space<semaphore_mem>>
      %dma_start3A = arith.constant 0 : i32
      %dma_start3A_51 = tpu.memref_slice %arg12[%add3A_42, %dma_start3A] : memref<10240x128xf32, #tpu.memory_space<vmem_shared>> -> memref<128x128xf32, #tpu.memory_space<vmem_shared>>
      %dma_start3A_52 = arith.constant 0 : i32
      %dma_start3A_53 = tpu.memref_slice %arg12[%add3A_42, %dma_start3A_52] : memref<10240x128xf32, #tpu.memory_space<vmem_shared>> -> memref<128x128xf32, #tpu.memory_space<vmem_shared>>
      tpu.enqueue_dma source(%dma_start3A_53 : memref<128x128xf32, #tpu.memory_space<vmem_shared>>) target(%arg11 : memref<128x128xf32, #tpu.memory_space<vmem>>) target_semaphore(%run_scoped3A : memref<!tpu.dma_semaphore, #tpu.memory_space<semaphore_mem>>)
      %dma_wait3A = arith.constant 0 : i32
      %dma_wait3A_54 = tpu.memref_slice %arg12[%add3A_42, %dma_wait3A] : memref<10240x128xf32, #tpu.memory_space<vmem_shared>> -> memref<128x128xf32, #tpu.memory_space<vmem_shared>>
      %dma_wait3A_55 = arith.constant 0 : i32
      %dma_wait3A_56 = tpu.memref_slice %arg12[%add3A_42, %dma_wait3A_55] : memref<10240x128xf32, #tpu.memory_space<vmem_shared>> -> memref<128x128xf32, #tpu.memory_space<vmem_shared>>
      tpu.wait_dma2 semaphore(%run_scoped3A : memref<!tpu.dma_semaphore, #tpu.memory_space<semaphore_mem>>) src(%dma_wait3A_56 : memref<128x128xf32, #tpu.memory_space<vmem_shared>>) dst(%arg11 : memref<128x128xf32, #tpu.memory_space<vmem>>)
      tpu.yield
    }) : () -> ()
    %add3A_43 = arith.addi %mul3A_17, %mul3A_6 : i32
    %add3A_44 = arith.constant 384 : i32
    %add3A_45 = arith.addi %add3A_43, %add3A_44 : i32
    "tpu.region"() ({
      %run_scoped3A = tpu.sem_alloc : memref<!tpu.dma_semaphore, #tpu.memory_space<semaphore_mem>>
      %dma_start3A = arith.constant 0 : i32
      %dma_start3A_51 = tpu.memref_slice %arg6[%add3A_45, %dma_start3A] : memref<20480x128xf32, #tpu.memory_space<hbm>> -> memref<128x128xf32, #tpu.memory_space<hbm>>
      %dma_start3A_52 = arith.constant 0 : i32
      %dma_start3A_53 = tpu.memref_slice %arg6[%add3A_45, %dma_start3A_52] : memref<20480x128xf32, #tpu.memory_space<hbm>> -> memref<128x128xf32, #tpu.memory_space<hbm>>
      tpu.enqueue_dma source(%arg11 : memref<128x128xf32, #tpu.memory_space<vmem>>) target(%dma_start3A_53 : memref<128x128xf32, #tpu.memory_space<hbm>>) target_semaphore(%run_scoped3A : memref<!tpu.dma_semaphore, #tpu.memory_space<semaphore_mem>>)
      %dma_wait3A = arith.constant 0 : i32
      %dma_wait3A_54 = tpu.memref_slice %arg6[%add3A_45, %dma_wait3A] : memref<20480x128xf32, #tpu.memory_space<hbm>> -> memref<128x128xf32, #tpu.memory_space<hbm>>
      %dma_wait3A_55 = arith.constant 0 : i32
      %dma_wait3A_56 = tpu.memref_slice %arg6[%add3A_45, %dma_wait3A_55] : memref<20480x128xf32, #tpu.memory_space<hbm>> -> memref<128x128xf32, #tpu.memory_space<hbm>>
      tpu.wait_dma2 semaphore(%run_scoped3A : memref<!tpu.dma_semaphore, #tpu.memory_space<semaphore_mem>>) src(%arg11 : memref<128x128xf32, #tpu.memory_space<vmem>>) dst(%dma_wait3A_56 : memref<128x128xf32, #tpu.memory_space<hbm>>)
      tpu.yield
    }) : () -> ()
    %add3A_46 = arith.constant 512 : i32
    %add3A_47 = arith.addi %mul3A_6, %add3A_46 : i32
    "tpu.region"() ({
      %run_scoped3A = tpu.sem_alloc : memref<!tpu.dma_semaphore, #tpu.memory_space<semaphore_mem>>
      %dma_start3A = arith.constant 0 : i32
      %dma_start3A_51 = tpu.memref_slice %arg12[%add3A_47, %dma_start3A] : memref<10240x128xf32, #tpu.memory_space<vmem_shared>> -> memref<128x128xf32, #tpu.memory_space<vmem_shared>>
      %dma_start3A_52 = arith.constant 0 : i32
      %dma_start3A_53 = tpu.memref_slice %arg12[%add3A_47, %dma_start3A_52] : memref<10240x128xf32, #tpu.memory_space<vmem_shared>> -> memref<128x128xf32, #tpu.memory_space<vmem_shared>>
      tpu.enqueue_dma source(%dma_start3A_53 : memref<128x128xf32, #tpu.memory_space<vmem_shared>>) target(%arg11 : memref<128x128xf32, #tpu.memory_space<vmem>>) target_semaphore(%run_scoped3A : memref<!tpu.dma_semaphore, #tpu.memory_space<semaphore_mem>>)
      %dma_wait3A = arith.constant 0 : i32
      %dma_wait3A_54 = tpu.memref_slice %arg12[%add3A_47, %dma_wait3A] : memref<10240x128xf32, #tpu.memory_space<vmem_shared>> -> memref<128x128xf32, #tpu.memory_space<vmem_shared>>
      %dma_wait3A_55 = arith.constant 0 : i32
      %dma_wait3A_56 = tpu.memref_slice %arg12[%add3A_47, %dma_wait3A_55] : memref<10240x128xf32, #tpu.memory_space<vmem_shared>> -> memref<128x128xf32, #tpu.memory_space<vmem_shared>>
      tpu.wait_dma2 semaphore(%run_scoped3A : memref<!tpu.dma_semaphore, #tpu.memory_space<semaphore_mem>>) src(%dma_wait3A_56 : memref<128x128xf32, #tpu.memory_space<vmem_shared>>) dst(%arg11 : memref<128x128xf32, #tpu.memory_space<vmem>>)
      tpu.yield
    }) : () -> ()
    %add3A_48 = arith.addi %mul3A_17, %mul3A_6 : i32
    %add3A_49 = arith.constant 512 : i32
    %add3A_50 = arith.addi %add3A_48, %add3A_49 : i32
    "tpu.region"() ({
      %run_scoped3A = tpu.sem_alloc : memref<!tpu.dma_semaphore, #tpu.memory_space<semaphore_mem>>
      %dma_start3A = arith.constant 0 : i32
      %dma_start3A_51 = tpu.memref_slice %arg6[%add3A_50, %dma_start3A] : memref<20480x128xf32, #tpu.memory_space<hbm>> -> memref<128x128xf32, #tpu.memory_space<hbm>>
      %dma_start3A_52 = arith.constant 0 : i32
      %dma_start3A_53 = tpu.memref_slice %arg6[%add3A_50, %dma_start3A_52] : memref<20480x128xf32, #tpu.memory_space<hbm>> -> memref<128x128xf32, #tpu.memory_space<hbm>>
      tpu.enqueue_dma source(%arg11 : memref<128x128xf32, #tpu.memory_space<vmem>>) target(%dma_start3A_53 : memref<128x128xf32, #tpu.memory_space<hbm>>) target_semaphore(%run_scoped3A : memref<!tpu.dma_semaphore, #tpu.memory_space<semaphore_mem>>)
      %dma_wait3A = arith.constant 0 : i32
      %dma_wait3A_54 = tpu.memref_slice %arg6[%add3A_50, %dma_wait3A] : memref<20480x128xf32, #tpu.memory_space<hbm>> -> memref<128x128xf32, #tpu.memory_space<hbm>>
      %dma_wait3A_55 = arith.constant 0 : i32
      %dma_wait3A_56 = tpu.memref_slice %arg6[%add3A_50, %dma_wait3A_55] : memref<20480x128xf32, #tpu.memory_space<hbm>> -> memref<128x128xf32, #tpu.memory_space<hbm>>
      tpu.wait_dma2 semaphore(%run_scoped3A : memref<!tpu.dma_semaphore, #tpu.memory_space<semaphore_mem>>) src(%arg11 : memref<128x128xf32, #tpu.memory_space<vmem>>) dst(%dma_wait3A_56 : memref<128x128xf32, #tpu.memory_space<hbm>>)
      tpu.yield
    }) : () -> ()
    return
  }
}

#map = affine_map<(d0, d1) -> (0)>
module attributes {stable_mosaic.version = 14 : i64} {
  func.func @_pre_body(%arg0: i32, %arg1: i32, %arg2: memref<163840xi32, #tpu.memory_space<hbm>>, %arg3: memref<163840xi32, #tpu.memory_space<hbm>>, %arg4: memref<163840xf32, #tpu.memory_space<hbm>>, %arg5: memref<163840xf32, #tpu.memory_space<hbm>>, %arg6: memref<10240xf32, #tpu.memory_space<hbm>>, %arg7: memref<2000xi32, #tpu.memory_space<vmem>>, %arg8: memref<2000xf32, #tpu.memory_space<vmem>>, %arg9: memref<640xf32, #tpu.memory_space<vmem>>, %arg10: memref<10240xf32, #tpu.memory_space<vmem>>, %arg11: memref<1024xi32, #tpu.memory_space<vmem>>, %arg12: memref<1024xi32, #tpu.memory_space<vmem>>, %arg13: memref<1024xf32, #tpu.memory_space<vmem>>, %arg14: memref<1024xf32, #tpu.memory_space<vmem>>, %arg15: memref<10240xf32, #tpu.memory_space<vmem_shared>>) attributes {dimension_semantics = [#tpu.dimension_semantics<core_parallel>, #tpu.dimension_semantics<subcore_parallel>], iteration_bounds = array<i64: 2, 16>, scalar_prefetch = 0 : i64, scratch_operands = 9 : i64, tpu.core_type = #tpu.core_type<sc_vector_subcore>, window_params = [{transform_indices = #map}, {transform_indices = #map}, {transform_indices = #map}, {transform_indices = #map}, {transform_indices = #map}]} {
    %broadcast_in_dim3A = arith.constant 1.000000e+00 : f32
    %broadcast_in_dim3A_0 = vector.broadcast %broadcast_in_dim3A : f32 to vector<16xf32>
    %scan3A = arith.constant 0 : i32
    %scan3A_1 = arith.constant 0 : i32
    %scan3A_2 = arith.constant 40 : i32
    %scan3A_3 = arith.addi %scan3A_1, %scan3A_2 : i32
    %scan3A_4 = arith.constant 1 : i32
    %scan3A_5 = scf.for %scan3A_34 = %scan3A_1 to %scan3A_3 step %scan3A_4 iter_args(%scan3A_35 = %scan3A) -> (i32)  : i32 {
      %mul3A_36 = arith.constant 16 : i32
      %mul3A_37 = arith.muli %scan3A_34, %mul3A_36 : i32
      %swap3A = arith.index_cast %mul3A_37 : i32 to index
      %swap3A_38 = tpu.vector_load %arg9[%swap3A] {strides = array<i32>} : memref<640xf32, #tpu.memory_space<vmem>>, vector<16xf32>,
      tpu.vector_store %arg9[%swap3A], %broadcast_in_dim3A_0 {strides = array<i32>} : memref<640xf32, #tpu.memory_space<vmem>>, vector<16xf32>,
      %scan3A_39 = arith.constant 0 : i32
      scf.yield %scan3A_39 : i32
    }
    %scan3A_6 = arith.constant 40 : i32
    %mul3A = arith.constant 640 : i32
    %mul3A_7 = arith.muli %arg1, %mul3A : i32
    "tpu.region"() ({
      %run_scoped3A = tpu.sem_alloc : memref<!tpu.dma_semaphore, #tpu.memory_space<semaphore_mem>>
      %dma_start3A = tpu.memref_slice %arg15[%mul3A_7] : memref<10240xf32, #tpu.memory_space<vmem_shared>> -> memref<640xf32, #tpu.memory_space<vmem_shared>>
      %dma_start3A_34 = tpu.memref_slice %arg15[%mul3A_7] : memref<10240xf32, #tpu.memory_space<vmem_shared>> -> memref<640xf32, #tpu.memory_space<vmem_shared>>
      tpu.enqueue_dma source(%arg9 : memref<640xf32, #tpu.memory_space<vmem>>) target(%dma_start3A_34 : memref<640xf32, #tpu.memory_space<vmem_shared>>) target_semaphore(%run_scoped3A : memref<!tpu.dma_semaphore, #tpu.memory_space<semaphore_mem>>)
      %dma_wait3A = tpu.memref_slice %arg15[%mul3A_7] : memref<10240xf32, #tpu.memory_space<vmem_shared>> -> memref<640xf32, #tpu.memory_space<vmem_shared>>
      %dma_wait3A_35 = tpu.memref_slice %arg15[%mul3A_7] : memref<10240xf32, #tpu.memory_space<vmem_shared>> -> memref<640xf32, #tpu.memory_space<vmem_shared>>
      tpu.wait_dma2 semaphore(%run_scoped3A : memref<!tpu.dma_semaphore, #tpu.memory_space<semaphore_mem>>) src(%arg9 : memref<640xf32, #tpu.memory_space<vmem>>) dst(%dma_wait3A_35 : memref<640xf32, #tpu.memory_space<vmem_shared>>)
      tpu.yield
    }) : () -> ()
    %barrier3A = arith.constant 0 : index
    tpu.barrier barrier_id(%barrier3A)
    %scan3A_8 = arith.constant 0 : i32
    %scan3A_9 = arith.constant 0 : i32
    %scan3A_10 = arith.constant 5 : i32
    %scan3A_11 = arith.addi %scan3A_9, %scan3A_10 : i32
    %scan3A_12 = arith.constant 1 : i32
    %scan3A_13 = scf.for %scan3A_34 = %scan3A_9 to %scan3A_11 step %scan3A_12 iter_args(%scan3A_35 = %scan3A_8) -> (i32)  : i32 {
      %mul3A_36 = arith.constant 10000 : i32
      %mul3A_37 = arith.muli %arg1, %mul3A_36 : i32
      %mul3A_38 = arith.constant 2000 : i32
      %mul3A_39 = arith.muli %scan3A_34, %mul3A_38 : i32
      %add3A_40 = arith.addi %mul3A_37, %mul3A_39 : i32
      "tpu.region"() ({
        %run_scoped3A = tpu.sem_alloc : memref<!tpu.dma_semaphore, #tpu.memory_space<semaphore_mem>>
        %dma_start3A = tpu.memref_slice %arg3[%add3A_40] : memref<163840xi32, #tpu.memory_space<hbm>> -> memref<2000xi32, #tpu.memory_space<hbm>>
        %dma_start3A_42 = tpu.memref_slice %arg3[%add3A_40] : memref<163840xi32, #tpu.memory_space<hbm>> -> memref<2000xi32, #tpu.memory_space<hbm>>
        tpu.enqueue_dma source(%dma_start3A_42 : memref<2000xi32, #tpu.memory_space<hbm>>) target(%arg7 : memref<2000xi32, #tpu.memory_space<vmem>>) target_semaphore(%run_scoped3A : memref<!tpu.dma_semaphore, #tpu.memory_space<semaphore_mem>>)
        %dma_wait3A = tpu.memref_slice %arg3[%add3A_40] : memref<163840xi32, #tpu.memory_space<hbm>> -> memref<2000xi32, #tpu.memory_space<hbm>>
        %dma_wait3A_43 = tpu.memref_slice %arg3[%add3A_40] : memref<163840xi32, #tpu.memory_space<hbm>> -> memref<2000xi32, #tpu.memory_space<hbm>>
        tpu.wait_dma2 semaphore(%run_scoped3A : memref<!tpu.dma_semaphore, #tpu.memory_space<semaphore_mem>>) src(%dma_wait3A_43 : memref<2000xi32, #tpu.memory_space<hbm>>) dst(%arg7 : memref<2000xi32, #tpu.memory_space<vmem>>)
        tpu.yield
      }) : () -> ()
      "tpu.region"() ({
        %run_scoped3A = tpu.sem_alloc : memref<!tpu.dma_semaphore, #tpu.memory_space<semaphore_mem>>
        %dma_start3A = tpu.memref_slice %arg4[%add3A_40] : memref<163840xf32, #tpu.memory_space<hbm>> -> memref<2000xf32, #tpu.memory_space<hbm>>
        %dma_start3A_42 = tpu.memref_slice %arg4[%add3A_40] : memref<163840xf32, #tpu.memory_space<hbm>> -> memref<2000xf32, #tpu.memory_space<hbm>>
        tpu.enqueue_dma source(%dma_start3A_42 : memref<2000xf32, #tpu.memory_space<hbm>>) target(%arg8 : memref<2000xf32, #tpu.memory_space<vmem>>) target_semaphore(%run_scoped3A : memref<!tpu.dma_semaphore, #tpu.memory_space<semaphore_mem>>)
        %dma_wait3A = tpu.memref_slice %arg4[%add3A_40] : memref<163840xf32, #tpu.memory_space<hbm>> -> memref<2000xf32, #tpu.memory_space<hbm>>
        %dma_wait3A_43 = tpu.memref_slice %arg4[%add3A_40] : memref<163840xf32, #tpu.memory_space<hbm>> -> memref<2000xf32, #tpu.memory_space<hbm>>
        tpu.wait_dma2 semaphore(%run_scoped3A : memref<!tpu.dma_semaphore, #tpu.memory_space<semaphore_mem>>) src(%dma_wait3A_43 : memref<2000xf32, #tpu.memory_space<hbm>>) dst(%arg8 : memref<2000xf32, #tpu.memory_space<vmem>>)
        tpu.yield
      }) : () -> ()
      "tpu.region"() ({
        %run_scoped3A = tpu.sem_alloc : memref<!tpu.dma_semaphore, #tpu.memory_space<semaphore_mem>>
        %dma_start3A = arith.constant 0 : i32
        %dma_start3A_42 = tpu.memref_slice %arg15[%dma_start3A] : memref<10240xf32, #tpu.memory_space<vmem_shared>> -> memref<10240xf32, #tpu.memory_space<vmem_shared>>
        tpu.enqueue_indirect_dma source(%arg8 : memref<2000xf32, #tpu.memory_space<vmem>>) target(%dma_start3A_42 : memref<10240xf32, #tpu.memory_space<vmem_shared>>) offsets(%arg7 : memref<2000xi32, #tpu.memory_space<vmem>>) semaphore(%run_scoped3A : memref<!tpu.dma_semaphore, #tpu.memory_space<semaphore_mem>>) {add = true}
        %dma_wait3A = arith.constant 0 : i32
        %dma_wait3A_43 = tpu.memref_slice %arg15[%dma_wait3A] : memref<10240xf32, #tpu.memory_space<vmem_shared>> -> memref<10240xf32, #tpu.memory_space<vmem_shared>>
        tpu.wait_indirect_dma semaphore(%run_scoped3A : memref<!tpu.dma_semaphore, #tpu.memory_space<semaphore_mem>>) src(%arg8 : memref<2000xf32, #tpu.memory_space<vmem>>) dst(%dma_wait3A_43 : memref<10240xf32, #tpu.memory_space<vmem_shared>>)
        tpu.yield
      }) : () -> ()
      %scan3A_41 = arith.constant 0 : i32
      scf.yield %scan3A_41 : i32
    }
    %scan3A_14 = arith.constant 5 : i32
    %barrier3A_15 = arith.constant 0 : index
    tpu.barrier barrier_id(%barrier3A_15)
    "tpu.region"() ({
      %run_scoped3A = tpu.sem_alloc : memref<!tpu.dma_semaphore, #tpu.memory_space<semaphore_mem>>
      tpu.enqueue_dma source(%arg15 : memref<10240xf32, #tpu.memory_space<vmem_shared>>) target(%arg10 : memref<10240xf32, #tpu.memory_space<vmem>>) target_semaphore(%run_scoped3A : memref<!tpu.dma_semaphore, #tpu.memory_space<semaphore_mem>>)
      tpu.wait_dma2 semaphore(%run_scoped3A : memref<!tpu.dma_semaphore, #tpu.memory_space<semaphore_mem>>) src(%arg15 : memref<10240xf32, #tpu.memory_space<vmem_shared>>) dst(%arg10 : memref<10240xf32, #tpu.memory_space<vmem>>)
      tpu.yield
    }) : () -> ()
    %scan3A_16 = arith.constant 0 : i32
    %scan3A_17 = arith.constant 0 : i32
    %scan3A_18 = arith.constant 640 : i32
    %scan3A_19 = arith.addi %scan3A_17, %scan3A_18 : i32
    %scan3A_20 = arith.constant 1 : i32
    %scan3A_21 = scf.for %scan3A_34 = %scan3A_17 to %scan3A_19 step %scan3A_20 iter_args(%scan3A_35 = %scan3A_16) -> (i32)  : i32 {
      %mul3A_36 = arith.constant 16 : i32
      %mul3A_37 = arith.muli %scan3A_34, %mul3A_36 : i32
      %get3A = arith.index_cast %mul3A_37 : i32 to index
      %get3A_38 = tpu.vector_load %arg10[%get3A] {strides = array<i32>} : memref<10240xf32, #tpu.memory_space<vmem>>, vector<16xf32>,
      %bitcast_convert_type3A = tpu.bitcast %get3A_38 : vector<16xf32> -> vector<16xi32>
      %shift_right_logical3A = arith.constant 1 : i32
      %shift_right_logical3A_39 = vector.broadcast %shift_right_logical3A : i32 to vector<16xi32>
      %shift_right_logical3A_40 = arith.shrui %bitcast_convert_type3A, %shift_right_logical3A_39 : vector<16xi32>
      %sub3A = arith.constant 1597463007 : i32
      %sub3A_41 = vector.broadcast %sub3A : i32 to vector<16xi32>
      %sub3A_42 = arith.subi %sub3A_41, %shift_right_logical3A_40 : vector<16xi32>
      %bitcast_convert_type3A_43 = tpu.bitcast %sub3A_42 : vector<16xi32> -> vector<16xf32>
      %mul3A_44 = arith.constant 5.000000e-01 : f32
      %mul3A_45 = vector.broadcast %mul3A_44 : f32 to vector<16xf32>
      %mul3A_46 = arith.mulf %mul3A_45, %get3A_38 : vector<16xf32>
      %mul3A_47 = arith.mulf %mul3A_46, %bitcast_convert_type3A_43 : vector<16xf32>
      %mul3A_48 = arith.mulf %mul3A_47, %bitcast_convert_type3A_43 : vector<16xf32>
      %sub3A_49 = arith.constant 1.500000e+00 : f32
      %sub3A_50 = vector.broadcast %sub3A_49 : f32 to vector<16xf32>
      %sub3A_51 = arith.subf %sub3A_50, %mul3A_48 : vector<16xf32>
      %mul3A_52 = arith.mulf %bitcast_convert_type3A_43, %sub3A_51 : vector<16xf32>
      %mul3A_53 = arith.constant 5.000000e-01 : f32
      %mul3A_54 = vector.broadcast %mul3A_53 : f32 to vector<16xf32>
      %mul3A_55 = arith.mulf %mul3A_54, %get3A_38 : vector<16xf32>
      %mul3A_56 = arith.mulf %mul3A_55, %mul3A_52 : vector<16xf32>
      %mul3A_57 = arith.mulf %mul3A_56, %mul3A_52 : vector<16xf32>
      %sub3A_58 = arith.constant 1.500000e+00 : f32
      %sub3A_59 = vector.broadcast %sub3A_58 : f32 to vector<16xf32>
      %sub3A_60 = arith.subf %sub3A_59, %mul3A_57 : vector<16xf32>
      %mul3A_61 = arith.mulf %mul3A_52, %sub3A_60 : vector<16xf32>
      %mul3A_62 = arith.constant 5.000000e-01 : f32
      %mul3A_63 = vector.broadcast %mul3A_62 : f32 to vector<16xf32>
      %mul3A_64 = arith.mulf %mul3A_63, %get3A_38 : vector<16xf32>
      %mul3A_65 = arith.mulf %mul3A_64, %mul3A_61 : vector<16xf32>
      %mul3A_66 = arith.mulf %mul3A_65, %mul3A_61 : vector<16xf32>
      %sub3A_67 = arith.constant 1.500000e+00 : f32
      %sub3A_68 = vector.broadcast %sub3A_67 : f32 to vector<16xf32>
      %sub3A_69 = arith.subf %sub3A_68, %mul3A_66 : vector<16xf32>
      %mul3A_70 = arith.mulf %mul3A_61, %sub3A_69 : vector<16xf32>
      %mul3A_71 = arith.constant 16 : i32
      %mul3A_72 = arith.muli %scan3A_34, %mul3A_71 : i32
      %swap3A = arith.index_cast %mul3A_72 : i32 to index
      %swap3A_73 = tpu.vector_load %arg10[%swap3A] {strides = array<i32>} : memref<10240xf32, #tpu.memory_space<vmem>>, vector<16xf32>,
      tpu.vector_store %arg10[%swap3A], %mul3A_70 {strides = array<i32>} : memref<10240xf32, #tpu.memory_space<vmem>>, vector<16xf32>,
      %scan3A_74 = arith.constant 0 : i32
      scf.yield %scan3A_74 : i32
    }
    %scan3A_22 = arith.constant 640 : i32
    %eq3A = arith.constant 0 : i32
    %eq3A_23 = arith.cmpi eq, %arg0, %eq3A : i32
    %convert_element_type3A = arith.extui %eq3A_23 : i1 to i32
    %cond3A = arith.constant 0 : i32
    %cond3A_24 = arith.cmpi ne, %convert_element_type3A, %cond3A : i32
    scf.if %cond3A_24 {
      %scan3A_34 = arith.constant 0 : i32
      %scan3A_35 = arith.constant 0 : i32
      %scan3A_36 = arith.constant 40 : i32
      %scan3A_37 = arith.addi %scan3A_35, %scan3A_36 : i32
      %scan3A_38 = arith.constant 1 : i32
      %scan3A_39 = scf.for %scan3A_43 = %scan3A_35 to %scan3A_37 step %scan3A_38 iter_args(%scan3A_44 = %scan3A_34) -> (i32)  : i32 {
        %mul3A_45 = arith.constant 640 : i32
        %mul3A_46 = arith.muli %arg1, %mul3A_45 : i32
        %mul3A_47 = arith.constant 16 : i32
        %mul3A_48 = arith.muli %scan3A_43, %mul3A_47 : i32
        %add3A_49 = arith.addi %mul3A_46, %mul3A_48 : i32
        %get3A = arith.index_cast %add3A_49 : i32 to index
        %get3A_50 = tpu.vector_load %arg10[%get3A] {strides = array<i32>} : memref<10240xf32, #tpu.memory_space<vmem>>, vector<16xf32>,
        %mul3A_51 = arith.mulf %get3A_50, %get3A_50 : vector<16xf32>
        %mul3A_52 = arith.constant 16 : i32
        %mul3A_53 = arith.muli %scan3A_43, %mul3A_52 : i32
        %swap3A = arith.index_cast %mul3A_53 : i32 to index
        %swap3A_54 = tpu.vector_load %arg9[%swap3A] {strides = array<i32>} : memref<640xf32, #tpu.memory_space<vmem>>, vector<16xf32>,
        tpu.vector_store %arg9[%swap3A], %mul3A_51 {strides = array<i32>} : memref<640xf32, #tpu.memory_space<vmem>>, vector<16xf32>,
        %scan3A_55 = arith.constant 0 : i32
        scf.yield %scan3A_55 : i32
      }
      %scan3A_40 = arith.constant 40 : i32
      %mul3A_41 = arith.constant 640 : i32
      %mul3A_42 = arith.muli %arg1, %mul3A_41 : i32
      "tpu.region"() ({
        %run_scoped3A = tpu.sem_alloc : memref<!tpu.dma_semaphore, #tpu.memory_space<semaphore_mem>>
        %dma_start3A = tpu.memref_slice %arg6[%mul3A_42] : memref<10240xf32, #tpu.memory_space<hbm>> -> memref<640xf32, #tpu.memory_space<hbm>>
        %dma_start3A_43 = tpu.memref_slice %arg6[%mul3A_42] : memref<10240xf32, #tpu.memory_space<hbm>> -> memref<640xf32, #tpu.memory_space<hbm>>
        tpu.enqueue_dma source(%arg9 : memref<640xf32, #tpu.memory_space<vmem>>) target(%dma_start3A_43 : memref<640xf32, #tpu.memory_space<hbm>>) target_semaphore(%run_scoped3A : memref<!tpu.dma_semaphore, #tpu.memory_space<semaphore_mem>>)
        %dma_wait3A = tpu.memref_slice %arg6[%mul3A_42] : memref<10240xf32, #tpu.memory_space<hbm>> -> memref<640xf32, #tpu.memory_space<hbm>>
        %dma_wait3A_44 = tpu.memref_slice %arg6[%mul3A_42] : memref<10240xf32, #tpu.memory_space<hbm>> -> memref<640xf32, #tpu.memory_space<hbm>>
        tpu.wait_dma2 semaphore(%run_scoped3A : memref<!tpu.dma_semaphore, #tpu.memory_space<semaphore_mem>>) src(%arg9 : memref<640xf32, #tpu.memory_space<vmem>>) dst(%dma_wait3A_44 : memref<640xf32, #tpu.memory_space<hbm>>)
        tpu.yield
      }) : () -> ()
    } else {
    }
    %mul3A_25 = arith.constant 2 : i32
    %mul3A_26 = arith.muli %arg1, %mul3A_25 : i32
    %add3A = arith.addi %mul3A_26, %arg0 : i32
    %scan3A_27 = arith.constant 0 : i32
    %scan3A_28 = arith.constant 0 : i32
    %scan3A_29 = arith.constant 5 : i32
    %scan3A_30 = arith.addi %scan3A_28, %scan3A_29 : i32
    %scan3A_31 = arith.constant 1 : i32
    %scan3A_32 = scf.for %scan3A_34 = %scan3A_28 to %scan3A_30 step %scan3A_31 iter_args(%scan3A_35 = %scan3A_27) -> (i32)  : i32 {
      %mul3A_36 = arith.constant 5120 : i32
      %mul3A_37 = arith.muli %add3A, %mul3A_36 : i32
      %mul3A_38 = arith.constant 1024 : i32
      %mul3A_39 = arith.muli %scan3A_34, %mul3A_38 : i32
      %add3A_40 = arith.addi %mul3A_37, %mul3A_39 : i32
      "tpu.region"() ({
        %run_scoped3A = tpu.sem_alloc : memref<!tpu.dma_semaphore, #tpu.memory_space<semaphore_mem>>
        %dma_start3A = tpu.memref_slice %arg2[%add3A_40] : memref<163840xi32, #tpu.memory_space<hbm>> -> memref<1024xi32, #tpu.memory_space<hbm>>
        %dma_start3A_49 = tpu.memref_slice %arg2[%add3A_40] : memref<163840xi32, #tpu.memory_space<hbm>> -> memref<1024xi32, #tpu.memory_space<hbm>>
        tpu.enqueue_dma source(%dma_start3A_49 : memref<1024xi32, #tpu.memory_space<hbm>>) target(%arg11 : memref<1024xi32, #tpu.memory_space<vmem>>) target_semaphore(%run_scoped3A : memref<!tpu.dma_semaphore, #tpu.memory_space<semaphore_mem>>)
        %dma_wait3A = tpu.memref_slice %arg2[%add3A_40] : memref<163840xi32, #tpu.memory_space<hbm>> -> memref<1024xi32, #tpu.memory_space<hbm>>
        %dma_wait3A_50 = tpu.memref_slice %arg2[%add3A_40] : memref<163840xi32, #tpu.memory_space<hbm>> -> memref<1024xi32, #tpu.memory_space<hbm>>
        tpu.wait_dma2 semaphore(%run_scoped3A : memref<!tpu.dma_semaphore, #tpu.memory_space<semaphore_mem>>) src(%dma_wait3A_50 : memref<1024xi32, #tpu.memory_space<hbm>>) dst(%arg11 : memref<1024xi32, #tpu.memory_space<vmem>>)
        tpu.yield
      }) : () -> ()
      "tpu.region"() ({
        %run_scoped3A = tpu.sem_alloc : memref<!tpu.dma_semaphore, #tpu.memory_space<semaphore_mem>>
        %dma_start3A = tpu.memref_slice %arg3[%add3A_40] : memref<163840xi32, #tpu.memory_space<hbm>> -> memref<1024xi32, #tpu.memory_space<hbm>>
        %dma_start3A_49 = tpu.memref_slice %arg3[%add3A_40] : memref<163840xi32, #tpu.memory_space<hbm>> -> memref<1024xi32, #tpu.memory_space<hbm>>
        tpu.enqueue_dma source(%dma_start3A_49 : memref<1024xi32, #tpu.memory_space<hbm>>) target(%arg12 : memref<1024xi32, #tpu.memory_space<vmem>>) target_semaphore(%run_scoped3A : memref<!tpu.dma_semaphore, #tpu.memory_space<semaphore_mem>>)
        %dma_wait3A = tpu.memref_slice %arg3[%add3A_40] : memref<163840xi32, #tpu.memory_space<hbm>> -> memref<1024xi32, #tpu.memory_space<hbm>>
        %dma_wait3A_50 = tpu.memref_slice %arg3[%add3A_40] : memref<163840xi32, #tpu.memory_space<hbm>> -> memref<1024xi32, #tpu.memory_space<hbm>>
        tpu.wait_dma2 semaphore(%run_scoped3A : memref<!tpu.dma_semaphore, #tpu.memory_space<semaphore_mem>>) src(%dma_wait3A_50 : memref<1024xi32, #tpu.memory_space<hbm>>) dst(%arg12 : memref<1024xi32, #tpu.memory_space<vmem>>)
        tpu.yield
      }) : () -> ()
      "tpu.region"() ({
        %run_scoped3A = tpu.sem_alloc : memref<!tpu.dma_semaphore, #tpu.memory_space<semaphore_mem>>
        %dma_start3A = tpu.memref_slice %arg4[%add3A_40] : memref<163840xf32, #tpu.memory_space<hbm>> -> memref<1024xf32, #tpu.memory_space<hbm>>
        %dma_start3A_49 = tpu.memref_slice %arg4[%add3A_40] : memref<163840xf32, #tpu.memory_space<hbm>> -> memref<1024xf32, #tpu.memory_space<hbm>>
        tpu.enqueue_dma source(%dma_start3A_49 : memref<1024xf32, #tpu.memory_space<hbm>>) target(%arg13 : memref<1024xf32, #tpu.memory_space<vmem>>) target_semaphore(%run_scoped3A : memref<!tpu.dma_semaphore, #tpu.memory_space<semaphore_mem>>)
        %dma_wait3A = tpu.memref_slice %arg4[%add3A_40] : memref<163840xf32, #tpu.memory_space<hbm>> -> memref<1024xf32, #tpu.memory_space<hbm>>
        %dma_wait3A_50 = tpu.memref_slice %arg4[%add3A_40] : memref<163840xf32, #tpu.memory_space<hbm>> -> memref<1024xf32, #tpu.memory_space<hbm>>
        tpu.wait_dma2 semaphore(%run_scoped3A : memref<!tpu.dma_semaphore, #tpu.memory_space<semaphore_mem>>) src(%dma_wait3A_50 : memref<1024xf32, #tpu.memory_space<hbm>>) dst(%arg13 : memref<1024xf32, #tpu.memory_space<vmem>>)
        tpu.yield
      }) : () -> ()
      %scan3A_41 = arith.constant 0 : i32
      %scan3A_42 = arith.constant 0 : i32
      %scan3A_43 = arith.constant 64 : i32
      %scan3A_44 = arith.addi %scan3A_42, %scan3A_43 : i32
      %scan3A_45 = arith.constant 1 : i32
      %scan3A_46 = scf.for %scan3A_49 = %scan3A_42 to %scan3A_44 step %scan3A_45 iter_args(%scan3A_50 = %scan3A_41) -> (i32)  : i32 {
        %mul3A_51 = arith.constant 16 : i32
        %mul3A_52 = arith.muli %scan3A_49, %mul3A_51 : i32
        %get3A = arith.index_cast %mul3A_52 : i32 to index
        %get3A_53 = tpu.vector_load %arg11[%get3A] {strides = array<i32>} : memref<1024xi32, #tpu.memory_space<vmem>>, vector<16xi32>,
        %mul3A_54 = arith.constant 16 : i32
        %mul3A_55 = arith.muli %scan3A_49, %mul3A_54 : i32
        %get3A_56 = arith.index_cast %mul3A_55 : i32 to index
        %get3A_57 = tpu.vector_load %arg12[%get3A_56] {strides = array<i32>} : memref<1024xi32, #tpu.memory_space<vmem>>, vector<16xi32>,
        %mul3A_58 = arith.constant 16 : i32
        %mul3A_59 = arith.muli %scan3A_49, %mul3A_58 : i32
        %get3A_60 = arith.index_cast %mul3A_59 : i32 to index
        %get3A_61 = tpu.vector_load %arg13[%get3A_60] {strides = array<i32>} : memref<1024xf32, #tpu.memory_space<vmem>>, vector<16xf32>,
        %gather3A = tpu.vector_load_idx %arg10[%get3A_53] : memref<10240xf32, #tpu.memory_space<vmem>>[vector<16xi32>], vector<16xf32>,
        %gather3A_62 = tpu.vector_load_idx %arg10[%get3A_57] : memref<10240xf32, #tpu.memory_space<vmem>>[vector<16xi32>], vector<16xf32>,
        %mul3A_63 = arith.mulf %gather3A, %get3A_61 : vector<16xf32>
        %mul3A_64 = arith.mulf %mul3A_63, %gather3A_62 : vector<16xf32>
        %mul3A_65 = arith.constant 16 : i32
        %mul3A_66 = arith.muli %scan3A_49, %mul3A_65 : i32
        %swap3A = arith.index_cast %mul3A_66 : i32 to index
        %swap3A_67 = tpu.vector_load %arg14[%swap3A] {strides = array<i32>} : memref<1024xf32, #tpu.memory_space<vmem>>, vector<16xf32>,
        tpu.vector_store %arg14[%swap3A], %mul3A_64 {strides = array<i32>} : memref<1024xf32, #tpu.memory_space<vmem>>, vector<16xf32>,
        %scan3A_68 = arith.constant 0 : i32
        scf.yield %scan3A_68 : i32
      }
      %scan3A_47 = arith.constant 64 : i32
      "tpu.region"() ({
        %run_scoped3A = tpu.sem_alloc : memref<!tpu.dma_semaphore, #tpu.memory_space<semaphore_mem>>
        %dma_start3A = tpu.memref_slice %arg5[%add3A_40] : memref<163840xf32, #tpu.memory_space<hbm>> -> memref<1024xf32, #tpu.memory_space<hbm>>
        %dma_start3A_49 = tpu.memref_slice %arg5[%add3A_40] : memref<163840xf32, #tpu.memory_space<hbm>> -> memref<1024xf32, #tpu.memory_space<hbm>>
        tpu.enqueue_dma source(%arg14 : memref<1024xf32, #tpu.memory_space<vmem>>) target(%dma_start3A_49 : memref<1024xf32, #tpu.memory_space<hbm>>) target_semaphore(%run_scoped3A : memref<!tpu.dma_semaphore, #tpu.memory_space<semaphore_mem>>)
        %dma_wait3A = tpu.memref_slice %arg5[%add3A_40] : memref<163840xf32, #tpu.memory_space<hbm>> -> memref<1024xf32, #tpu.memory_space<hbm>>
        %dma_wait3A_50 = tpu.memref_slice %arg5[%add3A_40] : memref<163840xf32, #tpu.memory_space<hbm>> -> memref<1024xf32, #tpu.memory_space<hbm>>
        tpu.wait_dma2 semaphore(%run_scoped3A : memref<!tpu.dma_semaphore, #tpu.memory_space<semaphore_mem>>) src(%arg14 : memref<1024xf32, #tpu.memory_space<vmem>>) dst(%dma_wait3A_50 : memref<1024xf32, #tpu.memory_space<hbm>>)
        tpu.yield
      }) : () -> ()
      %scan3A_48 = arith.constant 0 : i32
      scf.yield %scan3A_48 : i32
    }
    %scan3A_33 = arith.constant 5 : i32
    return
  }
}

#map = affine_map<(d0, d1) -> (0, 0)>
#map1 = affine_map<(d0, d1) -> (0)>
module attributes {stable_mosaic.version = 14 : i64} {
  func.func @_agg_body(%arg0: i32, %arg1: i32, %arg2: memref<20000x128xf32, #tpu.memory_space<hbm>>, %arg3: memref<320000xi32, #tpu.memory_space<hbm>>, %arg4: memref<160000xi32, #tpu.memory_space<hbm>>, %arg5: memref<163840xf32, #tpu.memory_space<hbm>>, %arg6: memref<20480x128xf32, #tpu.memory_space<hbm>>, %arg7: memref<200xi32, #tpu.memory_space<vmem>>, %arg8: memref<200xi32, #tpu.memory_space<vmem>>, %arg9: memref<200xf32, #tpu.memory_space<vmem>>, %arg10: memref<200x128xf32, #tpu.memory_space<vmem>>, %arg11: memref<128x128xf32, #tpu.memory_space<vmem>>, %arg12: memref<10240x128xf32, #tpu.memory_space<vmem_shared>>, %arg13: memref<!tpu.dma_semaphore, #tpu.memory_space<semaphore_mem>>) attributes {dimension_semantics = [#tpu.dimension_semantics<core_parallel>, #tpu.dimension_semantics<subcore_parallel>], iteration_bounds = array<i64: 2, 16>, scalar_prefetch = 0 : i64, scratch_operands = 7 : i64, tpu.core_type = #tpu.core_type<sc_vector_subcore>, window_params = [{transform_indices = #map}, {transform_indices = #map1}, {transform_indices = #map1}, {transform_indices = #map1}, {transform_indices = #map}]} {
    %scan3A = arith.constant 0 : i32
    %scan3A_0 = arith.constant 0 : i32
    %scan3A_1 = arith.constant 1024 : i32
    %scan3A_2 = arith.addi %scan3A_0, %scan3A_1 : i32
    %scan3A_3 = arith.constant 1 : i32
    %scan3A_4 = scf.for %scan3A_51 = %scan3A_0 to %scan3A_2 step %scan3A_3 iter_args(%scan3A_52 = %scan3A) -> (i32)  : i32 {
      %jit3A = arith.constant 8 : i32
      %div3A = arith.divsi %scan3A_51, %jit3A : i32
      %sign3A = arith.constant 0 : i32
      %sign3A_53 = arith.cmpi sgt, %scan3A_51, %sign3A : i32
      %sign3A_54 = arith.extui %sign3A_53 : i1 to i32
      %sign3A_55 = arith.constant 0 : i32
      %sign3A_56 = arith.cmpi slt, %scan3A_51, %sign3A_55 : i32
      %sign3A_57 = arith.extui %sign3A_56 : i1 to i32
      %sign3A_58 = arith.subi %sign3A_54, %sign3A_57 : i32
      %sign3A_59 = arith.constant 0 : i32
      %sign3A_60 = arith.cmpi sgt, %jit3A, %sign3A_59 : i32
      %sign3A_61 = arith.extui %sign3A_60 : i1 to i32
      %sign3A_62 = arith.constant 0 : i32
      %sign3A_63 = arith.cmpi slt, %jit3A, %sign3A_62 : i32
      %sign3A_64 = arith.extui %sign3A_63 : i1 to i32
      %sign3A_65 = arith.subi %sign3A_61, %sign3A_64 : i32
      %ne3A = arith.cmpi ne, %sign3A_58, %sign3A_65 : i32
      %rem3A = arith.remsi %scan3A_51, %jit3A : i32
      %ne3A_66 = arith.constant 0 : i32
      %ne3A_67 = arith.cmpi ne, %rem3A, %ne3A_66 : i32
      %and3A = arith.andi %ne3A, %ne3A_67 : i1
      %sub3A = arith.constant 1 : i32
      %sub3A_68 = arith.subi %div3A, %sub3A : i32
      %select_n3A = arith.select %and3A, %sub3A_68, %div3A : i32
      %jit3A_69 = arith.constant 8 : i32
      %eq3A = arith.constant 0 : i32
      %eq3A_70 = arith.cmpi eq, %jit3A_69, %eq3A : i32
      %jit3A_71 = arith.constant 1 : i32
      %select_n3A_72 = arith.select %eq3A_70, %jit3A_71, %jit3A_69 : i32
      %rem3A_73 = arith.remsi %scan3A_51, %select_n3A_72 : i32
      %ne3A_74 = arith.constant 0 : i32
      %ne3A_75 = arith.cmpi ne, %rem3A_73, %ne3A_74 : i32
      %lt3A = arith.constant 0 : i32
      %lt3A_76 = arith.cmpi slt, %rem3A_73, %lt3A : i32
      %lt3A_77 = arith.constant 0 : i32
      %lt3A_78 = arith.cmpi slt, %select_n3A_72, %lt3A_77 : i32
      %ne3A_79 = arith.xori %lt3A_76, %lt3A_78 : i1
      %and3A_80 = arith.andi %ne3A_79, %ne3A_75 : i1
      %add3A_81 = arith.addi %rem3A_73, %select_n3A_72 : i32
      %select_n3A_82 = arith.select %and3A_80, %add3A_81, %rem3A_73 : i32
      %broadcast_in_dim3A = arith.constant 0.000000e+00 : f32
      %broadcast_in_dim3A_83 = vector.broadcast %broadcast_in_dim3A : f32 to vector<16xf32>
      %mul3A_84 = arith.constant 16 : i32
      %mul3A_85 = arith.muli %select_n3A_82, %mul3A_84 : i32
      %swap3A = arith.index_cast %select_n3A : i32 to index
      %swap3A_86 = arith.index_cast %mul3A_85 : i32 to index
      %swap3A_87 = tpu.vector_load %arg11[%swap3A, %swap3A_86] {strides = array<i32>} : memref<128x128xf32, #tpu.memory_space<vmem>>, vector<16xf32>,
      tpu.vector_store %arg11[%swap3A, %swap3A_86], %broadcast_in_dim3A_83 {strides = array<i32>} : memref<128x128xf32, #tpu.memory_space<vmem>>, vector<16xf32>,
      %scan3A_88 = arith.constant 0 : i32
      scf.yield %scan3A_88 : i32
    }
    %scan3A_5 = arith.constant 1024 : i32
    %mul3A = arith.constant 640 : i32
    %mul3A_6 = arith.muli %arg1, %mul3A : i32
    %add3A = arith.constant 0 : i32
    %add3A_7 = arith.addi %mul3A_6, %add3A : i32
    "tpu.region"() ({
      %run_scoped3A = tpu.sem_alloc : memref<!tpu.dma_semaphore, #tpu.memory_space<semaphore_mem>>
      %dma_start3A = arith.constant 0 : i32
      %dma_start3A_51 = tpu.memref_slice %arg12[%add3A_7, %dma_start3A] : memref<10240x128xf32, #tpu.memory_space<vmem_shared>> -> memref<128x128xf32, #tpu.memory_space<vmem_shared>>
      %dma_start3A_52 = arith.constant 0 : i32
      %dma_start3A_53 = tpu.memref_slice %arg12[%add3A_7, %dma_start3A_52] : memref<10240x128xf32, #tpu.memory_space<vmem_shared>> -> memref<128x128xf32, #tpu.memory_space<vmem_shared>>
      tpu.enqueue_dma source(%arg11 : memref<128x128xf32, #tpu.memory_space<vmem>>) target(%dma_start3A_53 : memref<128x128xf32, #tpu.memory_space<vmem_shared>>) target_semaphore(%run_scoped3A : memref<!tpu.dma_semaphore, #tpu.memory_space<semaphore_mem>>)
      %dma_wait3A = arith.constant 0 : i32
      %dma_wait3A_54 = tpu.memref_slice %arg12[%add3A_7, %dma_wait3A] : memref<10240x128xf32, #tpu.memory_space<vmem_shared>> -> memref<128x128xf32, #tpu.memory_space<vmem_shared>>
      %dma_wait3A_55 = arith.constant 0 : i32
      %dma_wait3A_56 = tpu.memref_slice %arg12[%add3A_7, %dma_wait3A_55] : memref<10240x128xf32, #tpu.memory_space<vmem_shared>> -> memref<128x128xf32, #tpu.memory_space<vmem_shared>>
      tpu.wait_dma2 semaphore(%run_scoped3A : memref<!tpu.dma_semaphore, #tpu.memory_space<semaphore_mem>>) src(%arg11 : memref<128x128xf32, #tpu.memory_space<vmem>>) dst(%dma_wait3A_56 : memref<128x128xf32, #tpu.memory_space<vmem_shared>>)
      tpu.yield
    }) : () -> ()
    %add3A_8 = arith.constant 128 : i32
    %add3A_9 = arith.addi %mul3A_6, %add3A_8 : i32
    "tpu.region"() ({
      %run_scoped3A = tpu.sem_alloc : memref<!tpu.dma_semaphore, #tpu.memory_space<semaphore_mem>>
      %dma_start3A = arith.constant 0 : i32
      %dma_start3A_51 = tpu.memref_slice %arg12[%add3A_9, %dma_start3A] : memref<10240x128xf32, #tpu.memory_space<vmem_shared>> -> memref<128x128xf32, #tpu.memory_space<vmem_shared>>
      %dma_start3A_52 = arith.constant 0 : i32
      %dma_start3A_53 = tpu.memref_slice %arg12[%add3A_9, %dma_start3A_52] : memref<10240x128xf32, #tpu.memory_space<vmem_shared>> -> memref<128x128xf32, #tpu.memory_space<vmem_shared>>
      tpu.enqueue_dma source(%arg11 : memref<128x128xf32, #tpu.memory_space<vmem>>) target(%dma_start3A_53 : memref<128x128xf32, #tpu.memory_space<vmem_shared>>) target_semaphore(%run_scoped3A : memref<!tpu.dma_semaphore, #tpu.memory_space<semaphore_mem>>)
      %dma_wait3A = arith.constant 0 : i32
      %dma_wait3A_54 = tpu.memref_slice %arg12[%add3A_9, %dma_wait3A] : memref<10240x128xf32, #tpu.memory_space<vmem_shared>> -> memref<128x128xf32, #tpu.memory_space<vmem_shared>>
      %dma_wait3A_55 = arith.constant 0 : i32
      %dma_wait3A_56 = tpu.memref_slice %arg12[%add3A_9, %dma_wait3A_55] : memref<10240x128xf32, #tpu.memory_space<vmem_shared>> -> memref<128x128xf32, #tpu.memory_space<vmem_shared>>
      tpu.wait_dma2 semaphore(%run_scoped3A : memref<!tpu.dma_semaphore, #tpu.memory_space<semaphore_mem>>) src(%arg11 : memref<128x128xf32, #tpu.memory_space<vmem>>) dst(%dma_wait3A_56 : memref<128x128xf32, #tpu.memory_space<vmem_shared>>)
      tpu.yield
    }) : () -> ()
    %add3A_10 = arith.constant 256 : i32
    %add3A_11 = arith.addi %mul3A_6, %add3A_10 : i32
    "tpu.region"() ({
      %run_scoped3A = tpu.sem_alloc : memref<!tpu.dma_semaphore, #tpu.memory_space<semaphore_mem>>
      %dma_start3A = arith.constant 0 : i32
      %dma_start3A_51 = tpu.memref_slice %arg12[%add3A_11, %dma_start3A] : memref<10240x128xf32, #tpu.memory_space<vmem_shared>> -> memref<128x128xf32, #tpu.memory_space<vmem_shared>>
      %dma_start3A_52 = arith.constant 0 : i32
      %dma_start3A_53 = tpu.memref_slice %arg12[%add3A_11, %dma_start3A_52] : memref<10240x128xf32, #tpu.memory_space<vmem_shared>> -> memref<128x128xf32, #tpu.memory_space<vmem_shared>>
      tpu.enqueue_dma source(%arg11 : memref<128x128xf32, #tpu.memory_space<vmem>>) target(%dma_start3A_53 : memref<128x128xf32, #tpu.memory_space<vmem_shared>>) target_semaphore(%run_scoped3A : memref<!tpu.dma_semaphore, #tpu.memory_space<semaphore_mem>>)
      %dma_wait3A = arith.constant 0 : i32
      %dma_wait3A_54 = tpu.memref_slice %arg12[%add3A_11, %dma_wait3A] : memref<10240x128xf32, #tpu.memory_space<vmem_shared>> -> memref<128x128xf32, #tpu.memory_space<vmem_shared>>
      %dma_wait3A_55 = arith.constant 0 : i32
      %dma_wait3A_56 = tpu.memref_slice %arg12[%add3A_11, %dma_wait3A_55] : memref<10240x128xf32, #tpu.memory_space<vmem_shared>> -> memref<128x128xf32, #tpu.memory_space<vmem_shared>>
      tpu.wait_dma2 semaphore(%run_scoped3A : memref<!tpu.dma_semaphore, #tpu.memory_space<semaphore_mem>>) src(%arg11 : memref<128x128xf32, #tpu.memory_space<vmem>>) dst(%dma_wait3A_56 : memref<128x128xf32, #tpu.memory_space<vmem_shared>>)
      tpu.yield
    }) : () -> ()
    %add3A_12 = arith.constant 384 : i32
    %add3A_13 = arith.addi %mul3A_6, %add3A_12 : i32
    "tpu.region"() ({
      %run_scoped3A = tpu.sem_alloc : memref<!tpu.dma_semaphore, #tpu.memory_space<semaphore_mem>>
      %dma_start3A = arith.constant 0 : i32
      %dma_start3A_51 = tpu.memref_slice %arg12[%add3A_13, %dma_start3A] : memref<10240x128xf32, #tpu.memory_space<vmem_shared>> -> memref<128x128xf32, #tpu.memory_space<vmem_shared>>
      %dma_start3A_52 = arith.constant 0 : i32
      %dma_start3A_53 = tpu.memref_slice %arg12[%add3A_13, %dma_start3A_52] : memref<10240x128xf32, #tpu.memory_space<vmem_shared>> -> memref<128x128xf32, #tpu.memory_space<vmem_shared>>
      tpu.enqueue_dma source(%arg11 : memref<128x128xf32, #tpu.memory_space<vmem>>) target(%dma_start3A_53 : memref<128x128xf32, #tpu.memory_space<vmem_shared>>) target_semaphore(%run_scoped3A : memref<!tpu.dma_semaphore, #tpu.memory_space<semaphore_mem>>)
      %dma_wait3A = arith.constant 0 : i32
      %dma_wait3A_54 = tpu.memref_slice %arg12[%add3A_13, %dma_wait3A] : memref<10240x128xf32, #tpu.memory_space<vmem_shared>> -> memref<128x128xf32, #tpu.memory_space<vmem_shared>>
      %dma_wait3A_55 = arith.constant 0 : i32
      %dma_wait3A_56 = tpu.memref_slice %arg12[%add3A_13, %dma_wait3A_55] : memref<10240x128xf32, #tpu.memory_space<vmem_shared>> -> memref<128x128xf32, #tpu.memory_space<vmem_shared>>
      tpu.wait_dma2 semaphore(%run_scoped3A : memref<!tpu.dma_semaphore, #tpu.memory_space<semaphore_mem>>) src(%arg11 : memref<128x128xf32, #tpu.memory_space<vmem>>) dst(%dma_wait3A_56 : memref<128x128xf32, #tpu.memory_space<vmem_shared>>)
      tpu.yield
    }) : () -> ()
    %add3A_14 = arith.constant 512 : i32
    %add3A_15 = arith.addi %mul3A_6, %add3A_14 : i32
    "tpu.region"() ({
      %run_scoped3A = tpu.sem_alloc : memref<!tpu.dma_semaphore, #tpu.memory_space<semaphore_mem>>
      %dma_start3A = arith.constant 0 : i32
      %dma_start3A_51 = tpu.memref_slice %arg12[%add3A_15, %dma_start3A] : memref<10240x128xf32, #tpu.memory_space<vmem_shared>> -> memref<128x128xf32, #tpu.memory_space<vmem_shared>>
      %dma_start3A_52 = arith.constant 0 : i32
      %dma_start3A_53 = tpu.memref_slice %arg12[%add3A_15, %dma_start3A_52] : memref<10240x128xf32, #tpu.memory_space<vmem_shared>> -> memref<128x128xf32, #tpu.memory_space<vmem_shared>>
      tpu.enqueue_dma source(%arg11 : memref<128x128xf32, #tpu.memory_space<vmem>>) target(%dma_start3A_53 : memref<128x128xf32, #tpu.memory_space<vmem_shared>>) target_semaphore(%run_scoped3A : memref<!tpu.dma_semaphore, #tpu.memory_space<semaphore_mem>>)
      %dma_wait3A = arith.constant 0 : i32
      %dma_wait3A_54 = tpu.memref_slice %arg12[%add3A_15, %dma_wait3A] : memref<10240x128xf32, #tpu.memory_space<vmem_shared>> -> memref<128x128xf32, #tpu.memory_space<vmem_shared>>
      %dma_wait3A_55 = arith.constant 0 : i32
      %dma_wait3A_56 = tpu.memref_slice %arg12[%add3A_15, %dma_wait3A_55] : memref<10240x128xf32, #tpu.memory_space<vmem_shared>> -> memref<128x128xf32, #tpu.memory_space<vmem_shared>>
      tpu.wait_dma2 semaphore(%run_scoped3A : memref<!tpu.dma_semaphore, #tpu.memory_space<semaphore_mem>>) src(%arg11 : memref<128x128xf32, #tpu.memory_space<vmem>>) dst(%dma_wait3A_56 : memref<128x128xf32, #tpu.memory_space<vmem_shared>>)
      tpu.yield
    }) : () -> ()
    %barrier3A = arith.constant 0 : index
    tpu.barrier barrier_id(%barrier3A)
    %mul3A_16 = arith.constant 10240 : i32
    %mul3A_17 = arith.muli %arg0, %mul3A_16 : i32
    %scan3A_18 = arith.constant 0 : i32
    %scan3A_19 = arith.constant 0 : i32
    %scan3A_20 = arith.constant 50 : i32
    %scan3A_21 = arith.addi %scan3A_19, %scan3A_20 : i32
    %scan3A_22 = arith.constant 1 : i32
    %scan3A_23 = scf.for %scan3A_51 = %scan3A_19 to %scan3A_21 step %scan3A_22 iter_args(%scan3A_52 = %scan3A_18) -> (i32)  : i32 {
      %mul3A_53 = arith.constant 10000 : i32
      %mul3A_54 = arith.muli %arg1, %mul3A_53 : i32
      %mul3A_55 = arith.constant 200 : i32
      %mul3A_56 = arith.muli %scan3A_51, %mul3A_55 : i32
      %add3A_57 = arith.addi %mul3A_54, %mul3A_56 : i32
      %mul3A_58 = arith.constant 160000 : i32
      %mul3A_59 = arith.muli %arg0, %mul3A_58 : i32
      %add3A_60 = arith.addi %mul3A_59, %add3A_57 : i32
      "tpu.region"() ({
        %run_scoped3A = tpu.sem_alloc : memref<!tpu.dma_semaphore, #tpu.memory_space<semaphore_mem>>
        %dma_start3A_73 = tpu.memref_slice %arg3[%add3A_60] : memref<320000xi32, #tpu.memory_space<hbm>> -> memref<200xi32, #tpu.memory_space<hbm>>
        %dma_start3A_74 = tpu.memref_slice %arg3[%add3A_60] : memref<320000xi32, #tpu.memory_space<hbm>> -> memref<200xi32, #tpu.memory_space<hbm>>
        tpu.enqueue_dma source(%dma_start3A_74 : memref<200xi32, #tpu.memory_space<hbm>>) target(%arg7 : memref<200xi32, #tpu.memory_space<vmem>>) target_semaphore(%run_scoped3A : memref<!tpu.dma_semaphore, #tpu.memory_space<semaphore_mem>>)
        %dma_wait3A_75 = tpu.memref_slice %arg3[%add3A_60] : memref<320000xi32, #tpu.memory_space<hbm>> -> memref<200xi32, #tpu.memory_space<hbm>>
        %dma_wait3A_76 = tpu.memref_slice %arg3[%add3A_60] : memref<320000xi32, #tpu.memory_space<hbm>> -> memref<200xi32, #tpu.memory_space<hbm>>
        tpu.wait_dma2 semaphore(%run_scoped3A : memref<!tpu.dma_semaphore, #tpu.memory_space<semaphore_mem>>) src(%dma_wait3A_76 : memref<200xi32, #tpu.memory_space<hbm>>) dst(%arg7 : memref<200xi32, #tpu.memory_space<vmem>>)
        tpu.yield
      }) : () -> ()
      "tpu.region"() ({
        %run_scoped3A = tpu.sem_alloc : memref<!tpu.dma_semaphore, #tpu.memory_space<semaphore_mem>>
        %dma_start3A_73 = tpu.memref_slice %arg4[%add3A_57] : memref<160000xi32, #tpu.memory_space<hbm>> -> memref<200xi32, #tpu.memory_space<hbm>>
        %dma_start3A_74 = tpu.memref_slice %arg4[%add3A_57] : memref<160000xi32, #tpu.memory_space<hbm>> -> memref<200xi32, #tpu.memory_space<hbm>>
        tpu.enqueue_dma source(%dma_start3A_74 : memref<200xi32, #tpu.memory_space<hbm>>) target(%arg8 : memref<200xi32, #tpu.memory_space<vmem>>) target_semaphore(%run_scoped3A : memref<!tpu.dma_semaphore, #tpu.memory_space<semaphore_mem>>)
        %dma_wait3A_75 = tpu.memref_slice %arg4[%add3A_57] : memref<160000xi32, #tpu.memory_space<hbm>> -> memref<200xi32, #tpu.memory_space<hbm>>
        %dma_wait3A_76 = tpu.memref_slice %arg4[%add3A_57] : memref<160000xi32, #tpu.memory_space<hbm>> -> memref<200xi32, #tpu.memory_space<hbm>>
        tpu.wait_dma2 semaphore(%run_scoped3A : memref<!tpu.dma_semaphore, #tpu.memory_space<semaphore_mem>>) src(%dma_wait3A_76 : memref<200xi32, #tpu.memory_space<hbm>>) dst(%arg8 : memref<200xi32, #tpu.memory_space<vmem>>)
        tpu.yield
      }) : () -> ()
      "tpu.region"() ({
        %run_scoped3A = tpu.sem_alloc : memref<!tpu.dma_semaphore, #tpu.memory_space<semaphore_mem>>
        %dma_start3A_73 = tpu.memref_slice %arg5[%add3A_57] : memref<163840xf32, #tpu.memory_space<hbm>> -> memref<200xf32, #tpu.memory_space<hbm>>
        %dma_start3A_74 = tpu.memref_slice %arg5[%add3A_57] : memref<163840xf32, #tpu.memory_space<hbm>> -> memref<200xf32, #tpu.memory_space<hbm>>
        tpu.enqueue_dma source(%dma_start3A_74 : memref<200xf32, #tpu.memory_space<hbm>>) target(%arg9 : memref<200xf32, #tpu.memory_space<vmem>>) target_semaphore(%run_scoped3A : memref<!tpu.dma_semaphore, #tpu.memory_space<semaphore_mem>>)
        %dma_wait3A_75 = tpu.memref_slice %arg5[%add3A_57] : memref<163840xf32, #tpu.memory_space<hbm>> -> memref<200xf32, #tpu.memory_space<hbm>>
        %dma_wait3A_76 = tpu.memref_slice %arg5[%add3A_57] : memref<163840xf32, #tpu.memory_space<hbm>> -> memref<200xf32, #tpu.memory_space<hbm>>
        tpu.wait_dma2 semaphore(%run_scoped3A : memref<!tpu.dma_semaphore, #tpu.memory_space<semaphore_mem>>) src(%dma_wait3A_76 : memref<200xf32, #tpu.memory_space<hbm>>) dst(%arg9 : memref<200xf32, #tpu.memory_space<vmem>>)
        tpu.yield
      }) : () -> ()
      %dma_start3A = arith.constant 0 : i32
      %dma_start3A_61 = arith.constant 0 : i32
      %dma_start3A_62 = tpu.memref_slice %arg2[%dma_start3A, %dma_start3A_61] : memref<20000x128xf32, #tpu.memory_space<hbm>> -> memref<20000x128xf32, #tpu.memory_space<hbm>>
      tpu.enqueue_indirect_dma source(%dma_start3A_62 : memref<20000x128xf32, #tpu.memory_space<hbm>>) target(%arg10 : memref<200x128xf32, #tpu.memory_space<vmem>>) offsets(%arg7 : memref<200xi32, #tpu.memory_space<vmem>>) semaphore(%arg13 : memref<!tpu.dma_semaphore, #tpu.memory_space<semaphore_mem>>)
      %dma_wait3A = arith.constant 0 : i32
      %dma_wait3A_63 = arith.constant 0 : i32
      %dma_wait3A_64 = tpu.memref_slice %arg2[%dma_wait3A, %dma_wait3A_63] : memref<20000x128xf32, #tpu.memory_space<hbm>> -> memref<20000x128xf32, #tpu.memory_space<hbm>>
      tpu.wait_indirect_dma semaphore(%arg13 : memref<!tpu.dma_semaphore, #tpu.memory_space<semaphore_mem>>) src(%dma_wait3A_64 : memref<20000x128xf32, #tpu.memory_space<hbm>>) dst(%arg10 : memref<200x128xf32, #tpu.memory_space<vmem>>)
      %scan3A_65 = arith.constant 0 : i32
      %scan3A_66 = arith.constant 0 : i32
      %scan3A_67 = arith.constant 200 : i32
      %scan3A_68 = arith.addi %scan3A_66, %scan3A_67 : i32
      %scan3A_69 = arith.constant 1 : i32
      %scan3A_70 = scf.for %scan3A_73 = %scan3A_66 to %scan3A_68 step %scan3A_69 iter_args(%scan3A_74 = %scan3A_65) -> (i32)  : i32 {
        %broadcast_in_dim3A = vector.broadcast %scan3A_73 : i32 to vector<16xi32>
        %gather3A = tpu.vector_load_idx %arg9[%broadcast_in_dim3A] : memref<200xf32, #tpu.memory_space<vmem>>[vector<16xi32>], vector<16xf32>,
        %get3A = arith.index_cast %scan3A_73 : i32 to index
        %get3A_75 = arith.constant 0 : index
        %get3A_76 = tpu.vector_load %arg10[%get3A, %get3A_75] {strides = array<i32>} : memref<200x128xf32, #tpu.memory_space<vmem>>, vector<16xf32>,
        %mul3A_77 = arith.mulf %get3A_76, %gather3A : vector<16xf32>
        %swap3A = arith.index_cast %scan3A_73 : i32 to index
        %swap3A_78 = arith.constant 0 : index
        %swap3A_79 = tpu.vector_load %arg10[%swap3A, %swap3A_78] {strides = array<i32>} : memref<200x128xf32, #tpu.memory_space<vmem>>, vector<16xf32>,
        tpu.vector_store %arg10[%swap3A, %swap3A_78], %mul3A_77 {strides = array<i32>} : memref<200x128xf32, #tpu.memory_space<vmem>>, vector<16xf32>,
        %get3A_80 = arith.index_cast %scan3A_73 : i32 to index
        %get3A_81 = arith.constant 16 : index
        %get3A_82 = tpu.vector_load %arg10[%get3A_80, %get3A_81] {strides = array<i32>} : memref<200x128xf32, #tpu.memory_space<vmem>>, vector<16xf32>,
        %mul3A_83 = arith.mulf %get3A_82, %gather3A : vector<16xf32>
        %swap3A_84 = arith.index_cast %scan3A_73 : i32 to index
        %swap3A_85 = arith.constant 16 : index
        %swap3A_86 = tpu.vector_load %arg10[%swap3A_84, %swap3A_85] {strides = array<i32>} : memref<200x128xf32, #tpu.memory_space<vmem>>, vector<16xf32>,
        tpu.vector_store %arg10[%swap3A_84, %swap3A_85], %mul3A_83 {strides = array<i32>} : memref<200x128xf32, #tpu.memory_space<vmem>>, vector<16xf32>,
        %get3A_87 = arith.index_cast %scan3A_73 : i32 to index
        %get3A_88 = arith.constant 32 : index
        %get3A_89 = tpu.vector_load %arg10[%get3A_87, %get3A_88] {strides = array<i32>} : memref<200x128xf32, #tpu.memory_space<vmem>>, vector<16xf32>,
        %mul3A_90 = arith.mulf %get3A_89, %gather3A : vector<16xf32>
        %swap3A_91 = arith.index_cast %scan3A_73 : i32 to index
        %swap3A_92 = arith.constant 32 : index
        %swap3A_93 = tpu.vector_load %arg10[%swap3A_91, %swap3A_92] {strides = array<i32>} : memref<200x128xf32, #tpu.memory_space<vmem>>, vector<16xf32>,
        tpu.vector_store %arg10[%swap3A_91, %swap3A_92], %mul3A_90 {strides = array<i32>} : memref<200x128xf32, #tpu.memory_space<vmem>>, vector<16xf32>,
        %get3A_94 = arith.index_cast %scan3A_73 : i32 to index
        %get3A_95 = arith.constant 48 : index
        %get3A_96 = tpu.vector_load %arg10[%get3A_94, %get3A_95] {strides = array<i32>} : memref<200x128xf32, #tpu.memory_space<vmem>>, vector<16xf32>,
        %mul3A_97 = arith.mulf %get3A_96, %gather3A : vector<16xf32>
        %swap3A_98 = arith.index_cast %scan3A_73 : i32 to index
        %swap3A_99 = arith.constant 48 : index
        %swap3A_100 = tpu.vector_load %arg10[%swap3A_98, %swap3A_99] {strides = array<i32>} : memref<200x128xf32, #tpu.memory_space<vmem>>, vector<16xf32>,
        tpu.vector_store %arg10[%swap3A_98, %swap3A_99], %mul3A_97 {strides = array<i32>} : memref<200x128xf32, #tpu.memory_space<vmem>>, vector<16xf32>,
        %get3A_101 = arith.index_cast %scan3A_73 : i32 to index
        %get3A_102 = arith.constant 64 : index
        %get3A_103 = tpu.vector_load %arg10[%get3A_101, %get3A_102] {strides = array<i32>} : memref<200x128xf32, #tpu.memory_space<vmem>>, vector<16xf32>,
        %mul3A_104 = arith.mulf %get3A_103, %gather3A : vector<16xf32>
        %swap3A_105 = arith.index_cast %scan3A_73 : i32 to index
        %swap3A_106 = arith.constant 64 : index
        %swap3A_107 = tpu.vector_load %arg10[%swap3A_105, %swap3A_106] {strides = array<i32>} : memref<200x128xf32, #tpu.memory_space<vmem>>, vector<16xf32>,
        tpu.vector_store %arg10[%swap3A_105, %swap3A_106], %mul3A_104 {strides = array<i32>} : memref<200x128xf32, #tpu.memory_space<vmem>>, vector<16xf32>,
        %get3A_108 = arith.index_cast %scan3A_73 : i32 to index
        %get3A_109 = arith.constant 80 : index
        %get3A_110 = tpu.vector_load %arg10[%get3A_108, %get3A_109] {strides = array<i32>} : memref<200x128xf32, #tpu.memory_space<vmem>>, vector<16xf32>,
        %mul3A_111 = arith.mulf %get3A_110, %gather3A : vector<16xf32>
        %swap3A_112 = arith.index_cast %scan3A_73 : i32 to index
        %swap3A_113 = arith.constant 80 : index
        %swap3A_114 = tpu.vector_load %arg10[%swap3A_112, %swap3A_113] {strides = array<i32>} : memref<200x128xf32, #tpu.memory_space<vmem>>, vector<16xf32>,
        tpu.vector_store %arg10[%swap3A_112, %swap3A_113], %mul3A_111 {strides = array<i32>} : memref<200x128xf32, #tpu.memory_space<vmem>>, vector<16xf32>,
        %get3A_115 = arith.index_cast %scan3A_73 : i32 to index
        %get3A_116 = arith.constant 96 : index
        %get3A_117 = tpu.vector_load %arg10[%get3A_115, %get3A_116] {strides = array<i32>} : memref<200x128xf32, #tpu.memory_space<vmem>>, vector<16xf32>,
        %mul3A_118 = arith.mulf %get3A_117, %gather3A : vector<16xf32>
        %swap3A_119 = arith.index_cast %scan3A_73 : i32 to index
        %swap3A_120 = arith.constant 96 : index
        %swap3A_121 = tpu.vector_load %arg10[%swap3A_119, %swap3A_120] {strides = array<i32>} : memref<200x128xf32, #tpu.memory_space<vmem>>, vector<16xf32>,
        tpu.vector_store %arg10[%swap3A_119, %swap3A_120], %mul3A_118 {strides = array<i32>} : memref<200x128xf32, #tpu.memory_space<vmem>>, vector<16xf32>,
        %get3A_122 = arith.index_cast %scan3A_73 : i32 to index
        %get3A_123 = arith.constant 112 : index
        %get3A_124 = tpu.vector_load %arg10[%get3A_122, %get3A_123] {strides = array<i32>} : memref<200x128xf32, #tpu.memory_space<vmem>>, vector<16xf32>,
        %mul3A_125 = arith.mulf %get3A_124, %gather3A : vector<16xf32>
        %swap3A_126 = arith.index_cast %scan3A_73 : i32 to index
        %swap3A_127 = arith.constant 112 : index
        %swap3A_128 = tpu.vector_load %arg10[%swap3A_126, %swap3A_127] {strides = array<i32>} : memref<200x128xf32, #tpu.memory_space<vmem>>, vector<16xf32>,
        tpu.vector_store %arg10[%swap3A_126, %swap3A_127], %mul3A_125 {strides = array<i32>} : memref<200x128xf32, #tpu.memory_space<vmem>>, vector<16xf32>,
        %scan3A_129 = arith.constant 0 : i32
        scf.yield %scan3A_129 : i32
      }
      %scan3A_71 = arith.constant 200 : i32
      "tpu.region"() ({
        %run_scoped3A = tpu.sem_alloc : memref<!tpu.dma_semaphore, #tpu.memory_space<semaphore_mem>>
        %dma_start3A_73 = arith.constant 0 : i32
        %dma_start3A_74 = arith.constant 0 : i32
        %dma_start3A_75 = tpu.memref_slice %arg12[%dma_start3A_73, %dma_start3A_74] : memref<10240x128xf32, #tpu.memory_space<vmem_shared>> -> memref<10240x128xf32, #tpu.memory_space<vmem_shared>>
        tpu.enqueue_indirect_dma source(%arg10 : memref<200x128xf32, #tpu.memory_space<vmem>>) target(%dma_start3A_75 : memref<10240x128xf32, #tpu.memory_space<vmem_shared>>) offsets(%arg8 : memref<200xi32, #tpu.memory_space<vmem>>) semaphore(%run_scoped3A : memref<!tpu.dma_semaphore, #tpu.memory_space<semaphore_mem>>) {add = true}
        %dma_wait3A_76 = arith.constant 0 : i32
        %dma_wait3A_77 = arith.constant 0 : i32
        %dma_wait3A_78 = tpu.memref_slice %arg12[%dma_wait3A_76, %dma_wait3A_77] : memref<10240x128xf32, #tpu.memory_space<vmem_shared>> -> memref<10240x128xf32, #tpu.memory_space<vmem_shared>>
        tpu.wait_indirect_dma semaphore(%run_scoped3A : memref<!tpu.dma_semaphore, #tpu.memory_space<semaphore_mem>>) src(%arg10 : memref<200x128xf32, #tpu.memory_space<vmem>>) dst(%dma_wait3A_78 : memref<10240x128xf32, #tpu.memory_space<vmem_shared>>)
        tpu.yield
      }) : () -> ()
      %scan3A_72 = arith.constant 0 : i32
      scf.yield %scan3A_72 : i32
    }
    %scan3A_24 = arith.constant 50 : i32
    %barrier3A_25 = arith.constant 0 : index
    tpu.barrier barrier_id(%barrier3A_25)
    %add3A_26 = arith.constant 0 : i32
    %add3A_27 = arith.addi %mul3A_6, %add3A_26 : i32
    "tpu.region"() ({
      %run_scoped3A = tpu.sem_alloc : memref<!tpu.dma_semaphore, #tpu.memory_space<semaphore_mem>>
      %dma_start3A = arith.constant 0 : i32
      %dma_start3A_51 = tpu.memref_slice %arg12[%add3A_27, %dma_start3A] : memref<10240x128xf32, #tpu.memory_space<vmem_shared>> -> memref<128x128xf32, #tpu.memory_space<vmem_shared>>
      %dma_start3A_52 = arith.constant 0 : i32
      %dma_start3A_53 = tpu.memref_slice %arg12[%add3A_27, %dma_start3A_52] : memref<10240x128xf32, #tpu.memory_space<vmem_shared>> -> memref<128x128xf32, #tpu.memory_space<vmem_shared>>
      tpu.enqueue_dma source(%dma_start3A_53 : memref<128x128xf32, #tpu.memory_space<vmem_shared>>) target(%arg11 : memref<128x128xf32, #tpu.memory_space<vmem>>) target_semaphore(%run_scoped3A : memref<!tpu.dma_semaphore, #tpu.memory_space<semaphore_mem>>)
      %dma_wait3A = arith.constant 0 : i32
      %dma_wait3A_54 = tpu.memref_slice %arg12[%add3A_27, %dma_wait3A] : memref<10240x128xf32, #tpu.memory_space<vmem_shared>> -> memref<128x128xf32, #tpu.memory_space<vmem_shared>>
      %dma_wait3A_55 = arith.constant 0 : i32
      %dma_wait3A_56 = tpu.memref_slice %arg12[%add3A_27, %dma_wait3A_55] : memref<10240x128xf32, #tpu.memory_space<vmem_shared>> -> memref<128x128xf32, #tpu.memory_space<vmem_shared>>
      tpu.wait_dma2 semaphore(%run_scoped3A : memref<!tpu.dma_semaphore, #tpu.memory_space<semaphore_mem>>) src(%dma_wait3A_56 : memref<128x128xf32, #tpu.memory_space<vmem_shared>>) dst(%arg11 : memref<128x128xf32, #tpu.memory_space<vmem>>)
      tpu.yield
    }) : () -> ()
    %add3A_28 = arith.addi %mul3A_17, %mul3A_6 : i32
    %add3A_29 = arith.constant 0 : i32
    %add3A_30 = arith.addi %add3A_28, %add3A_29 : i32
    "tpu.region"() ({
      %run_scoped3A = tpu.sem_alloc : memref<!tpu.dma_semaphore, #tpu.memory_space<semaphore_mem>>
      %dma_start3A = arith.constant 0 : i32
      %dma_start3A_51 = tpu.memref_slice %arg6[%add3A_30, %dma_start3A] : memref<20480x128xf32, #tpu.memory_space<hbm>> -> memref<128x128xf32, #tpu.memory_space<hbm>>
      %dma_start3A_52 = arith.constant 0 : i32
      %dma_start3A_53 = tpu.memref_slice %arg6[%add3A_30, %dma_start3A_52] : memref<20480x128xf32, #tpu.memory_space<hbm>> -> memref<128x128xf32, #tpu.memory_space<hbm>>
      tpu.enqueue_dma source(%arg11 : memref<128x128xf32, #tpu.memory_space<vmem>>) target(%dma_start3A_53 : memref<128x128xf32, #tpu.memory_space<hbm>>) target_semaphore(%run_scoped3A : memref<!tpu.dma_semaphore, #tpu.memory_space<semaphore_mem>>)
      %dma_wait3A = arith.constant 0 : i32
      %dma_wait3A_54 = tpu.memref_slice %arg6[%add3A_30, %dma_wait3A] : memref<20480x128xf32, #tpu.memory_space<hbm>> -> memref<128x128xf32, #tpu.memory_space<hbm>>
      %dma_wait3A_55 = arith.constant 0 : i32
      %dma_wait3A_56 = tpu.memref_slice %arg6[%add3A_30, %dma_wait3A_55] : memref<20480x128xf32, #tpu.memory_space<hbm>> -> memref<128x128xf32, #tpu.memory_space<hbm>>
      tpu.wait_dma2 semaphore(%run_scoped3A : memref<!tpu.dma_semaphore, #tpu.memory_space<semaphore_mem>>) src(%arg11 : memref<128x128xf32, #tpu.memory_space<vmem>>) dst(%dma_wait3A_56 : memref<128x128xf32, #tpu.memory_space<hbm>>)
      tpu.yield
    }) : () -> ()
    %add3A_31 = arith.constant 128 : i32
    %add3A_32 = arith.addi %mul3A_6, %add3A_31 : i32
    "tpu.region"() ({
      %run_scoped3A = tpu.sem_alloc : memref<!tpu.dma_semaphore, #tpu.memory_space<semaphore_mem>>
      %dma_start3A = arith.constant 0 : i32
      %dma_start3A_51 = tpu.memref_slice %arg12[%add3A_32, %dma_start3A] : memref<10240x128xf32, #tpu.memory_space<vmem_shared>> -> memref<128x128xf32, #tpu.memory_space<vmem_shared>>
      %dma_start3A_52 = arith.constant 0 : i32
      %dma_start3A_53 = tpu.memref_slice %arg12[%add3A_32, %dma_start3A_52] : memref<10240x128xf32, #tpu.memory_space<vmem_shared>> -> memref<128x128xf32, #tpu.memory_space<vmem_shared>>
      tpu.enqueue_dma source(%dma_start3A_53 : memref<128x128xf32, #tpu.memory_space<vmem_shared>>) target(%arg11 : memref<128x128xf32, #tpu.memory_space<vmem>>) target_semaphore(%run_scoped3A : memref<!tpu.dma_semaphore, #tpu.memory_space<semaphore_mem>>)
      %dma_wait3A = arith.constant 0 : i32
      %dma_wait3A_54 = tpu.memref_slice %arg12[%add3A_32, %dma_wait3A] : memref<10240x128xf32, #tpu.memory_space<vmem_shared>> -> memref<128x128xf32, #tpu.memory_space<vmem_shared>>
      %dma_wait3A_55 = arith.constant 0 : i32
      %dma_wait3A_56 = tpu.memref_slice %arg12[%add3A_32, %dma_wait3A_55] : memref<10240x128xf32, #tpu.memory_space<vmem_shared>> -> memref<128x128xf32, #tpu.memory_space<vmem_shared>>
      tpu.wait_dma2 semaphore(%run_scoped3A : memref<!tpu.dma_semaphore, #tpu.memory_space<semaphore_mem>>) src(%dma_wait3A_56 : memref<128x128xf32, #tpu.memory_space<vmem_shared>>) dst(%arg11 : memref<128x128xf32, #tpu.memory_space<vmem>>)
      tpu.yield
    }) : () -> ()
    %add3A_33 = arith.addi %mul3A_17, %mul3A_6 : i32
    %add3A_34 = arith.constant 128 : i32
    %add3A_35 = arith.addi %add3A_33, %add3A_34 : i32
    "tpu.region"() ({
      %run_scoped3A = tpu.sem_alloc : memref<!tpu.dma_semaphore, #tpu.memory_space<semaphore_mem>>
      %dma_start3A = arith.constant 0 : i32
      %dma_start3A_51 = tpu.memref_slice %arg6[%add3A_35, %dma_start3A] : memref<20480x128xf32, #tpu.memory_space<hbm>> -> memref<128x128xf32, #tpu.memory_space<hbm>>
      %dma_start3A_52 = arith.constant 0 : i32
      %dma_start3A_53 = tpu.memref_slice %arg6[%add3A_35, %dma_start3A_52] : memref<20480x128xf32, #tpu.memory_space<hbm>> -> memref<128x128xf32, #tpu.memory_space<hbm>>
      tpu.enqueue_dma source(%arg11 : memref<128x128xf32, #tpu.memory_space<vmem>>) target(%dma_start3A_53 : memref<128x128xf32, #tpu.memory_space<hbm>>) target_semaphore(%run_scoped3A : memref<!tpu.dma_semaphore, #tpu.memory_space<semaphore_mem>>)
      %dma_wait3A = arith.constant 0 : i32
      %dma_wait3A_54 = tpu.memref_slice %arg6[%add3A_35, %dma_wait3A] : memref<20480x128xf32, #tpu.memory_space<hbm>> -> memref<128x128xf32, #tpu.memory_space<hbm>>
      %dma_wait3A_55 = arith.constant 0 : i32
      %dma_wait3A_56 = tpu.memref_slice %arg6[%add3A_35, %dma_wait3A_55] : memref<20480x128xf32, #tpu.memory_space<hbm>> -> memref<128x128xf32, #tpu.memory_space<hbm>>
      tpu.wait_dma2 semaphore(%run_scoped3A : memref<!tpu.dma_semaphore, #tpu.memory_space<semaphore_mem>>) src(%arg11 : memref<128x128xf32, #tpu.memory_space<vmem>>) dst(%dma_wait3A_56 : memref<128x128xf32, #tpu.memory_space<hbm>>)
      tpu.yield
    }) : () -> ()
    %add3A_36 = arith.constant 256 : i32
    %add3A_37 = arith.addi %mul3A_6, %add3A_36 : i32
    "tpu.region"() ({
      %run_scoped3A = tpu.sem_alloc : memref<!tpu.dma_semaphore, #tpu.memory_space<semaphore_mem>>
      %dma_start3A = arith.constant 0 : i32
      %dma_start3A_51 = tpu.memref_slice %arg12[%add3A_37, %dma_start3A] : memref<10240x128xf32, #tpu.memory_space<vmem_shared>> -> memref<128x128xf32, #tpu.memory_space<vmem_shared>>
      %dma_start3A_52 = arith.constant 0 : i32
      %dma_start3A_53 = tpu.memref_slice %arg12[%add3A_37, %dma_start3A_52] : memref<10240x128xf32, #tpu.memory_space<vmem_shared>> -> memref<128x128xf32, #tpu.memory_space<vmem_shared>>
      tpu.enqueue_dma source(%dma_start3A_53 : memref<128x128xf32, #tpu.memory_space<vmem_shared>>) target(%arg11 : memref<128x128xf32, #tpu.memory_space<vmem>>) target_semaphore(%run_scoped3A : memref<!tpu.dma_semaphore, #tpu.memory_space<semaphore_mem>>)
      %dma_wait3A = arith.constant 0 : i32
      %dma_wait3A_54 = tpu.memref_slice %arg12[%add3A_37, %dma_wait3A] : memref<10240x128xf32, #tpu.memory_space<vmem_shared>> -> memref<128x128xf32, #tpu.memory_space<vmem_shared>>
      %dma_wait3A_55 = arith.constant 0 : i32
      %dma_wait3A_56 = tpu.memref_slice %arg12[%add3A_37, %dma_wait3A_55] : memref<10240x128xf32, #tpu.memory_space<vmem_shared>> -> memref<128x128xf32, #tpu.memory_space<vmem_shared>>
      tpu.wait_dma2 semaphore(%run_scoped3A : memref<!tpu.dma_semaphore, #tpu.memory_space<semaphore_mem>>) src(%dma_wait3A_56 : memref<128x128xf32, #tpu.memory_space<vmem_shared>>) dst(%arg11 : memref<128x128xf32, #tpu.memory_space<vmem>>)
      tpu.yield
    }) : () -> ()
    %add3A_38 = arith.addi %mul3A_17, %mul3A_6 : i32
    %add3A_39 = arith.constant 256 : i32
    %add3A_40 = arith.addi %add3A_38, %add3A_39 : i32
    "tpu.region"() ({
      %run_scoped3A = tpu.sem_alloc : memref<!tpu.dma_semaphore, #tpu.memory_space<semaphore_mem>>
      %dma_start3A = arith.constant 0 : i32
      %dma_start3A_51 = tpu.memref_slice %arg6[%add3A_40, %dma_start3A] : memref<20480x128xf32, #tpu.memory_space<hbm>> -> memref<128x128xf32, #tpu.memory_space<hbm>>
      %dma_start3A_52 = arith.constant 0 : i32
      %dma_start3A_53 = tpu.memref_slice %arg6[%add3A_40, %dma_start3A_52] : memref<20480x128xf32, #tpu.memory_space<hbm>> -> memref<128x128xf32, #tpu.memory_space<hbm>>
      tpu.enqueue_dma source(%arg11 : memref<128x128xf32, #tpu.memory_space<vmem>>) target(%dma_start3A_53 : memref<128x128xf32, #tpu.memory_space<hbm>>) target_semaphore(%run_scoped3A : memref<!tpu.dma_semaphore, #tpu.memory_space<semaphore_mem>>)
      %dma_wait3A = arith.constant 0 : i32
      %dma_wait3A_54 = tpu.memref_slice %arg6[%add3A_40, %dma_wait3A] : memref<20480x128xf32, #tpu.memory_space<hbm>> -> memref<128x128xf32, #tpu.memory_space<hbm>>
      %dma_wait3A_55 = arith.constant 0 : i32
      %dma_wait3A_56 = tpu.memref_slice %arg6[%add3A_40, %dma_wait3A_55] : memref<20480x128xf32, #tpu.memory_space<hbm>> -> memref<128x128xf32, #tpu.memory_space<hbm>>
      tpu.wait_dma2 semaphore(%run_scoped3A : memref<!tpu.dma_semaphore, #tpu.memory_space<semaphore_mem>>) src(%arg11 : memref<128x128xf32, #tpu.memory_space<vmem>>) dst(%dma_wait3A_56 : memref<128x128xf32, #tpu.memory_space<hbm>>)
      tpu.yield
    }) : () -> ()
    %add3A_41 = arith.constant 384 : i32
    %add3A_42 = arith.addi %mul3A_6, %add3A_41 : i32
    "tpu.region"() ({
      %run_scoped3A = tpu.sem_alloc : memref<!tpu.dma_semaphore, #tpu.memory_space<semaphore_mem>>
      %dma_start3A = arith.constant 0 : i32
      %dma_start3A_51 = tpu.memref_slice %arg12[%add3A_42, %dma_start3A] : memref<10240x128xf32, #tpu.memory_space<vmem_shared>> -> memref<128x128xf32, #tpu.memory_space<vmem_shared>>
      %dma_start3A_52 = arith.constant 0 : i32
      %dma_start3A_53 = tpu.memref_slice %arg12[%add3A_42, %dma_start3A_52] : memref<10240x128xf32, #tpu.memory_space<vmem_shared>> -> memref<128x128xf32, #tpu.memory_space<vmem_shared>>
      tpu.enqueue_dma source(%dma_start3A_53 : memref<128x128xf32, #tpu.memory_space<vmem_shared>>) target(%arg11 : memref<128x128xf32, #tpu.memory_space<vmem>>) target_semaphore(%run_scoped3A : memref<!tpu.dma_semaphore, #tpu.memory_space<semaphore_mem>>)
      %dma_wait3A = arith.constant 0 : i32
      %dma_wait3A_54 = tpu.memref_slice %arg12[%add3A_42, %dma_wait3A] : memref<10240x128xf32, #tpu.memory_space<vmem_shared>> -> memref<128x128xf32, #tpu.memory_space<vmem_shared>>
      %dma_wait3A_55 = arith.constant 0 : i32
      %dma_wait3A_56 = tpu.memref_slice %arg12[%add3A_42, %dma_wait3A_55] : memref<10240x128xf32, #tpu.memory_space<vmem_shared>> -> memref<128x128xf32, #tpu.memory_space<vmem_shared>>
      tpu.wait_dma2 semaphore(%run_scoped3A : memref<!tpu.dma_semaphore, #tpu.memory_space<semaphore_mem>>) src(%dma_wait3A_56 : memref<128x128xf32, #tpu.memory_space<vmem_shared>>) dst(%arg11 : memref<128x128xf32, #tpu.memory_space<vmem>>)
      tpu.yield
    }) : () -> ()
    %add3A_43 = arith.addi %mul3A_17, %mul3A_6 : i32
    %add3A_44 = arith.constant 384 : i32
    %add3A_45 = arith.addi %add3A_43, %add3A_44 : i32
    "tpu.region"() ({
      %run_scoped3A = tpu.sem_alloc : memref<!tpu.dma_semaphore, #tpu.memory_space<semaphore_mem>>
      %dma_start3A = arith.constant 0 : i32
      %dma_start3A_51 = tpu.memref_slice %arg6[%add3A_45, %dma_start3A] : memref<20480x128xf32, #tpu.memory_space<hbm>> -> memref<128x128xf32, #tpu.memory_space<hbm>>
      %dma_start3A_52 = arith.constant 0 : i32
      %dma_start3A_53 = tpu.memref_slice %arg6[%add3A_45, %dma_start3A_52] : memref<20480x128xf32, #tpu.memory_space<hbm>> -> memref<128x128xf32, #tpu.memory_space<hbm>>
      tpu.enqueue_dma source(%arg11 : memref<128x128xf32, #tpu.memory_space<vmem>>) target(%dma_start3A_53 : memref<128x128xf32, #tpu.memory_space<hbm>>) target_semaphore(%run_scoped3A : memref<!tpu.dma_semaphore, #tpu.memory_space<semaphore_mem>>)
      %dma_wait3A = arith.constant 0 : i32
      %dma_wait3A_54 = tpu.memref_slice %arg6[%add3A_45, %dma_wait3A] : memref<20480x128xf32, #tpu.memory_space<hbm>> -> memref<128x128xf32, #tpu.memory_space<hbm>>
      %dma_wait3A_55 = arith.constant 0 : i32
      %dma_wait3A_56 = tpu.memref_slice %arg6[%add3A_45, %dma_wait3A_55] : memref<20480x128xf32, #tpu.memory_space<hbm>> -> memref<128x128xf32, #tpu.memory_space<hbm>>
      tpu.wait_dma2 semaphore(%run_scoped3A : memref<!tpu.dma_semaphore, #tpu.memory_space<semaphore_mem>>) src(%arg11 : memref<128x128xf32, #tpu.memory_space<vmem>>) dst(%dma_wait3A_56 : memref<128x128xf32, #tpu.memory_space<hbm>>)
      tpu.yield
    }) : () -> ()
    %add3A_46 = arith.constant 512 : i32
    %add3A_47 = arith.addi %mul3A_6, %add3A_46 : i32
    "tpu.region"() ({
      %run_scoped3A = tpu.sem_alloc : memref<!tpu.dma_semaphore, #tpu.memory_space<semaphore_mem>>
      %dma_start3A = arith.constant 0 : i32
      %dma_start3A_51 = tpu.memref_slice %arg12[%add3A_47, %dma_start3A] : memref<10240x128xf32, #tpu.memory_space<vmem_shared>> -> memref<128x128xf32, #tpu.memory_space<vmem_shared>>
      %dma_start3A_52 = arith.constant 0 : i32
      %dma_start3A_53 = tpu.memref_slice %arg12[%add3A_47, %dma_start3A_52] : memref<10240x128xf32, #tpu.memory_space<vmem_shared>> -> memref<128x128xf32, #tpu.memory_space<vmem_shared>>
      tpu.enqueue_dma source(%dma_start3A_53 : memref<128x128xf32, #tpu.memory_space<vmem_shared>>) target(%arg11 : memref<128x128xf32, #tpu.memory_space<vmem>>) target_semaphore(%run_scoped3A : memref<!tpu.dma_semaphore, #tpu.memory_space<semaphore_mem>>)
      %dma_wait3A = arith.constant 0 : i32
      %dma_wait3A_54 = tpu.memref_slice %arg12[%add3A_47, %dma_wait3A] : memref<10240x128xf32, #tpu.memory_space<vmem_shared>> -> memref<128x128xf32, #tpu.memory_space<vmem_shared>>
      %dma_wait3A_55 = arith.constant 0 : i32
      %dma_wait3A_56 = tpu.memref_slice %arg12[%add3A_47, %dma_wait3A_55] : memref<10240x128xf32, #tpu.memory_space<vmem_shared>> -> memref<128x128xf32, #tpu.memory_space<vmem_shared>>
      tpu.wait_dma2 semaphore(%run_scoped3A : memref<!tpu.dma_semaphore, #tpu.memory_space<semaphore_mem>>) src(%dma_wait3A_56 : memref<128x128xf32, #tpu.memory_space<vmem_shared>>) dst(%arg11 : memref<128x128xf32, #tpu.memory_space<vmem>>)
      tpu.yield
    }) : () -> ()
    %add3A_48 = arith.addi %mul3A_17, %mul3A_6 : i32
    %add3A_49 = arith.constant 512 : i32
    %add3A_50 = arith.addi %add3A_48, %add3A_49 : i32
    "tpu.region"() ({
      %run_scoped3A = tpu.sem_alloc : memref<!tpu.dma_semaphore, #tpu.memory_space<semaphore_mem>>
      %dma_start3A = arith.constant 0 : i32
      %dma_start3A_51 = tpu.memref_slice %arg6[%add3A_50, %dma_start3A] : memref<20480x128xf32, #tpu.memory_space<hbm>> -> memref<128x128xf32, #tpu.memory_space<hbm>>
      %dma_start3A_52 = arith.constant 0 : i32
      %dma_start3A_53 = tpu.memref_slice %arg6[%add3A_50, %dma_start3A_52] : memref<20480x128xf32, #tpu.memory_space<hbm>> -> memref<128x128xf32, #tpu.memory_space<hbm>>
      tpu.enqueue_dma source(%arg11 : memref<128x128xf32, #tpu.memory_space<vmem>>) target(%dma_start3A_53 : memref<128x128xf32, #tpu.memory_space<hbm>>) target_semaphore(%run_scoped3A : memref<!tpu.dma_semaphore, #tpu.memory_space<semaphore_mem>>)
      %dma_wait3A = arith.constant 0 : i32
      %dma_wait3A_54 = tpu.memref_slice %arg6[%add3A_50, %dma_wait3A] : memref<20480x128xf32, #tpu.memory_space<hbm>> -> memref<128x128xf32, #tpu.memory_space<hbm>>
      %dma_wait3A_55 = arith.constant 0 : i32
      %dma_wait3A_56 = tpu.memref_slice %arg6[%add3A_50, %dma_wait3A_55] : memref<20480x128xf32, #tpu.memory_space<hbm>> -> memref<128x128xf32, #tpu.memory_space<hbm>>
      tpu.wait_dma2 semaphore(%run_scoped3A : memref<!tpu.dma_semaphore, #tpu.memory_space<semaphore_mem>>) src(%arg11 : memref<128x128xf32, #tpu.memory_space<vmem>>) dst(%dma_wait3A_56 : memref<128x128xf32, #tpu.memory_space<hbm>>)
      tpu.yield
    }) : () -> ()
    return
  }
}

#map = affine_map<(d0, d1) -> (0, 0)>
#map1 = affine_map<(d0, d1) -> (0)>
module attributes {stable_mosaic.version = 14 : i64} {
  func.func @_agg_body(%arg0: i32, %arg1: i32, %arg2: memref<20000x128xf32, #tpu.memory_space<hbm>>, %arg3: memref<320000xi32, #tpu.memory_space<hbm>>, %arg4: memref<160000xi32, #tpu.memory_space<hbm>>, %arg5: memref<163840xf32, #tpu.memory_space<hbm>>, %arg6: memref<20480x128xf32, #tpu.memory_space<hbm>>, %arg7: memref<200xi32, #tpu.memory_space<vmem>>, %arg8: memref<200xi32, #tpu.memory_space<vmem>>, %arg9: memref<200xf32, #tpu.memory_space<vmem>>, %arg10: memref<200x128xf32, #tpu.memory_space<vmem>>, %arg11: memref<128x128xf32, #tpu.memory_space<vmem>>, %arg12: memref<10240x128xf32, #tpu.memory_space<vmem_shared>>, %arg13: memref<!tpu.dma_semaphore, #tpu.memory_space<semaphore_mem>>) attributes {dimension_semantics = [#tpu.dimension_semantics<core_parallel>, #tpu.dimension_semantics<subcore_parallel>], iteration_bounds = array<i64: 2, 16>, scalar_prefetch = 0 : i64, scratch_operands = 7 : i64, tpu.core_type = #tpu.core_type<sc_vector_subcore>, window_params = [{transform_indices = #map}, {transform_indices = #map1}, {transform_indices = #map1}, {transform_indices = #map1}, {transform_indices = #map}]} {
    %scan3A = arith.constant 0 : i32
    %scan3A_0 = arith.constant 0 : i32
    %scan3A_1 = arith.constant 1024 : i32
    %scan3A_2 = arith.addi %scan3A_0, %scan3A_1 : i32
    %scan3A_3 = arith.constant 1 : i32
    %scan3A_4 = scf.for %scan3A_51 = %scan3A_0 to %scan3A_2 step %scan3A_3 iter_args(%scan3A_52 = %scan3A) -> (i32)  : i32 {
      %jit3A = arith.constant 8 : i32
      %div3A = arith.divsi %scan3A_51, %jit3A : i32
      %sign3A = arith.constant 0 : i32
      %sign3A_53 = arith.cmpi sgt, %scan3A_51, %sign3A : i32
      %sign3A_54 = arith.extui %sign3A_53 : i1 to i32
      %sign3A_55 = arith.constant 0 : i32
      %sign3A_56 = arith.cmpi slt, %scan3A_51, %sign3A_55 : i32
      %sign3A_57 = arith.extui %sign3A_56 : i1 to i32
      %sign3A_58 = arith.subi %sign3A_54, %sign3A_57 : i32
      %sign3A_59 = arith.constant 0 : i32
      %sign3A_60 = arith.cmpi sgt, %jit3A, %sign3A_59 : i32
      %sign3A_61 = arith.extui %sign3A_60 : i1 to i32
      %sign3A_62 = arith.constant 0 : i32
      %sign3A_63 = arith.cmpi slt, %jit3A, %sign3A_62 : i32
      %sign3A_64 = arith.extui %sign3A_63 : i1 to i32
      %sign3A_65 = arith.subi %sign3A_61, %sign3A_64 : i32
      %ne3A = arith.cmpi ne, %sign3A_58, %sign3A_65 : i32
      %rem3A = arith.remsi %scan3A_51, %jit3A : i32
      %ne3A_66 = arith.constant 0 : i32
      %ne3A_67 = arith.cmpi ne, %rem3A, %ne3A_66 : i32
      %and3A = arith.andi %ne3A, %ne3A_67 : i1
      %sub3A = arith.constant 1 : i32
      %sub3A_68 = arith.subi %div3A, %sub3A : i32
      %select_n3A = arith.select %and3A, %sub3A_68, %div3A : i32
      %jit3A_69 = arith.constant 8 : i32
      %eq3A = arith.constant 0 : i32
      %eq3A_70 = arith.cmpi eq, %jit3A_69, %eq3A : i32
      %jit3A_71 = arith.constant 1 : i32
      %select_n3A_72 = arith.select %eq3A_70, %jit3A_71, %jit3A_69 : i32
      %rem3A_73 = arith.remsi %scan3A_51, %select_n3A_72 : i32
      %ne3A_74 = arith.constant 0 : i32
      %ne3A_75 = arith.cmpi ne, %rem3A_73, %ne3A_74 : i32
      %lt3A = arith.constant 0 : i32
      %lt3A_76 = arith.cmpi slt, %rem3A_73, %lt3A : i32
      %lt3A_77 = arith.constant 0 : i32
      %lt3A_78 = arith.cmpi slt, %select_n3A_72, %lt3A_77 : i32
      %ne3A_79 = arith.xori %lt3A_76, %lt3A_78 : i1
      %and3A_80 = arith.andi %ne3A_79, %ne3A_75 : i1
      %add3A_81 = arith.addi %rem3A_73, %select_n3A_72 : i32
      %select_n3A_82 = arith.select %and3A_80, %add3A_81, %rem3A_73 : i32
      %broadcast_in_dim3A = arith.constant 0.000000e+00 : f32
      %broadcast_in_dim3A_83 = vector.broadcast %broadcast_in_dim3A : f32 to vector<16xf32>
      %mul3A_84 = arith.constant 16 : i32
      %mul3A_85 = arith.muli %select_n3A_82, %mul3A_84 : i32
      %swap3A = arith.index_cast %select_n3A : i32 to index
      %swap3A_86 = arith.index_cast %mul3A_85 : i32 to index
      %swap3A_87 = tpu.vector_load %arg11[%swap3A, %swap3A_86] {strides = array<i32>} : memref<128x128xf32, #tpu.memory_space<vmem>>, vector<16xf32>,
      tpu.vector_store %arg11[%swap3A, %swap3A_86], %broadcast_in_dim3A_83 {strides = array<i32>} : memref<128x128xf32, #tpu.memory_space<vmem>>, vector<16xf32>,
      %scan3A_88 = arith.constant 0 : i32
      scf.yield %scan3A_88 : i32
    }
    %scan3A_5 = arith.constant 1024 : i32
    %mul3A = arith.constant 640 : i32
    %mul3A_6 = arith.muli %arg1, %mul3A : i32
    %add3A = arith.constant 0 : i32
    %add3A_7 = arith.addi %mul3A_6, %add3A : i32
    "tpu.region"() ({
      %run_scoped3A = tpu.sem_alloc : memref<!tpu.dma_semaphore, #tpu.memory_space<semaphore_mem>>
      %dma_start3A = arith.constant 0 : i32
      %dma_start3A_51 = tpu.memref_slice %arg12[%add3A_7, %dma_start3A] : memref<10240x128xf32, #tpu.memory_space<vmem_shared>> -> memref<128x128xf32, #tpu.memory_space<vmem_shared>>
      %dma_start3A_52 = arith.constant 0 : i32
      %dma_start3A_53 = tpu.memref_slice %arg12[%add3A_7, %dma_start3A_52] : memref<10240x128xf32, #tpu.memory_space<vmem_shared>> -> memref<128x128xf32, #tpu.memory_space<vmem_shared>>
      tpu.enqueue_dma source(%arg11 : memref<128x128xf32, #tpu.memory_space<vmem>>) target(%dma_start3A_53 : memref<128x128xf32, #tpu.memory_space<vmem_shared>>) target_semaphore(%run_scoped3A : memref<!tpu.dma_semaphore, #tpu.memory_space<semaphore_mem>>)
      %dma_wait3A = arith.constant 0 : i32
      %dma_wait3A_54 = tpu.memref_slice %arg12[%add3A_7, %dma_wait3A] : memref<10240x128xf32, #tpu.memory_space<vmem_shared>> -> memref<128x128xf32, #tpu.memory_space<vmem_shared>>
      %dma_wait3A_55 = arith.constant 0 : i32
      %dma_wait3A_56 = tpu.memref_slice %arg12[%add3A_7, %dma_wait3A_55] : memref<10240x128xf32, #tpu.memory_space<vmem_shared>> -> memref<128x128xf32, #tpu.memory_space<vmem_shared>>
      tpu.wait_dma2 semaphore(%run_scoped3A : memref<!tpu.dma_semaphore, #tpu.memory_space<semaphore_mem>>) src(%arg11 : memref<128x128xf32, #tpu.memory_space<vmem>>) dst(%dma_wait3A_56 : memref<128x128xf32, #tpu.memory_space<vmem_shared>>)
      tpu.yield
    }) : () -> ()
    %add3A_8 = arith.constant 128 : i32
    %add3A_9 = arith.addi %mul3A_6, %add3A_8 : i32
    "tpu.region"() ({
      %run_scoped3A = tpu.sem_alloc : memref<!tpu.dma_semaphore, #tpu.memory_space<semaphore_mem>>
      %dma_start3A = arith.constant 0 : i32
      %dma_start3A_51 = tpu.memref_slice %arg12[%add3A_9, %dma_start3A] : memref<10240x128xf32, #tpu.memory_space<vmem_shared>> -> memref<128x128xf32, #tpu.memory_space<vmem_shared>>
      %dma_start3A_52 = arith.constant 0 : i32
      %dma_start3A_53 = tpu.memref_slice %arg12[%add3A_9, %dma_start3A_52] : memref<10240x128xf32, #tpu.memory_space<vmem_shared>> -> memref<128x128xf32, #tpu.memory_space<vmem_shared>>
      tpu.enqueue_dma source(%arg11 : memref<128x128xf32, #tpu.memory_space<vmem>>) target(%dma_start3A_53 : memref<128x128xf32, #tpu.memory_space<vmem_shared>>) target_semaphore(%run_scoped3A : memref<!tpu.dma_semaphore, #tpu.memory_space<semaphore_mem>>)
      %dma_wait3A = arith.constant 0 : i32
      %dma_wait3A_54 = tpu.memref_slice %arg12[%add3A_9, %dma_wait3A] : memref<10240x128xf32, #tpu.memory_space<vmem_shared>> -> memref<128x128xf32, #tpu.memory_space<vmem_shared>>
      %dma_wait3A_55 = arith.constant 0 : i32
      %dma_wait3A_56 = tpu.memref_slice %arg12[%add3A_9, %dma_wait3A_55] : memref<10240x128xf32, #tpu.memory_space<vmem_shared>> -> memref<128x128xf32, #tpu.memory_space<vmem_shared>>
      tpu.wait_dma2 semaphore(%run_scoped3A : memref<!tpu.dma_semaphore, #tpu.memory_space<semaphore_mem>>) src(%arg11 : memref<128x128xf32, #tpu.memory_space<vmem>>) dst(%dma_wait3A_56 : memref<128x128xf32, #tpu.memory_space<vmem_shared>>)
      tpu.yield
    }) : () -> ()
    %add3A_10 = arith.constant 256 : i32
    %add3A_11 = arith.addi %mul3A_6, %add3A_10 : i32
    "tpu.region"() ({
      %run_scoped3A = tpu.sem_alloc : memref<!tpu.dma_semaphore, #tpu.memory_space<semaphore_mem>>
      %dma_start3A = arith.constant 0 : i32
      %dma_start3A_51 = tpu.memref_slice %arg12[%add3A_11, %dma_start3A] : memref<10240x128xf32, #tpu.memory_space<vmem_shared>> -> memref<128x128xf32, #tpu.memory_space<vmem_shared>>
      %dma_start3A_52 = arith.constant 0 : i32
      %dma_start3A_53 = tpu.memref_slice %arg12[%add3A_11, %dma_start3A_52] : memref<10240x128xf32, #tpu.memory_space<vmem_shared>> -> memref<128x128xf32, #tpu.memory_space<vmem_shared>>
      tpu.enqueue_dma source(%arg11 : memref<128x128xf32, #tpu.memory_space<vmem>>) target(%dma_start3A_53 : memref<128x128xf32, #tpu.memory_space<vmem_shared>>) target_semaphore(%run_scoped3A : memref<!tpu.dma_semaphore, #tpu.memory_space<semaphore_mem>>)
      %dma_wait3A = arith.constant 0 : i32
      %dma_wait3A_54 = tpu.memref_slice %arg12[%add3A_11, %dma_wait3A] : memref<10240x128xf32, #tpu.memory_space<vmem_shared>> -> memref<128x128xf32, #tpu.memory_space<vmem_shared>>
      %dma_wait3A_55 = arith.constant 0 : i32
      %dma_wait3A_56 = tpu.memref_slice %arg12[%add3A_11, %dma_wait3A_55] : memref<10240x128xf32, #tpu.memory_space<vmem_shared>> -> memref<128x128xf32, #tpu.memory_space<vmem_shared>>
      tpu.wait_dma2 semaphore(%run_scoped3A : memref<!tpu.dma_semaphore, #tpu.memory_space<semaphore_mem>>) src(%arg11 : memref<128x128xf32, #tpu.memory_space<vmem>>) dst(%dma_wait3A_56 : memref<128x128xf32, #tpu.memory_space<vmem_shared>>)
      tpu.yield
    }) : () -> ()
    %add3A_12 = arith.constant 384 : i32
    %add3A_13 = arith.addi %mul3A_6, %add3A_12 : i32
    "tpu.region"() ({
      %run_scoped3A = tpu.sem_alloc : memref<!tpu.dma_semaphore, #tpu.memory_space<semaphore_mem>>
      %dma_start3A = arith.constant 0 : i32
      %dma_start3A_51 = tpu.memref_slice %arg12[%add3A_13, %dma_start3A] : memref<10240x128xf32, #tpu.memory_space<vmem_shared>> -> memref<128x128xf32, #tpu.memory_space<vmem_shared>>
      %dma_start3A_52 = arith.constant 0 : i32
      %dma_start3A_53 = tpu.memref_slice %arg12[%add3A_13, %dma_start3A_52] : memref<10240x128xf32, #tpu.memory_space<vmem_shared>> -> memref<128x128xf32, #tpu.memory_space<vmem_shared>>
      tpu.enqueue_dma source(%arg11 : memref<128x128xf32, #tpu.memory_space<vmem>>) target(%dma_start3A_53 : memref<128x128xf32, #tpu.memory_space<vmem_shared>>) target_semaphore(%run_scoped3A : memref<!tpu.dma_semaphore, #tpu.memory_space<semaphore_mem>>)
      %dma_wait3A = arith.constant 0 : i32
      %dma_wait3A_54 = tpu.memref_slice %arg12[%add3A_13, %dma_wait3A] : memref<10240x128xf32, #tpu.memory_space<vmem_shared>> -> memref<128x128xf32, #tpu.memory_space<vmem_shared>>
      %dma_wait3A_55 = arith.constant 0 : i32
      %dma_wait3A_56 = tpu.memref_slice %arg12[%add3A_13, %dma_wait3A_55] : memref<10240x128xf32, #tpu.memory_space<vmem_shared>> -> memref<128x128xf32, #tpu.memory_space<vmem_shared>>
      tpu.wait_dma2 semaphore(%run_scoped3A : memref<!tpu.dma_semaphore, #tpu.memory_space<semaphore_mem>>) src(%arg11 : memref<128x128xf32, #tpu.memory_space<vmem>>) dst(%dma_wait3A_56 : memref<128x128xf32, #tpu.memory_space<vmem_shared>>)
      tpu.yield
    }) : () -> ()
    %add3A_14 = arith.constant 512 : i32
    %add3A_15 = arith.addi %mul3A_6, %add3A_14 : i32
    "tpu.region"() ({
      %run_scoped3A = tpu.sem_alloc : memref<!tpu.dma_semaphore, #tpu.memory_space<semaphore_mem>>
      %dma_start3A = arith.constant 0 : i32
      %dma_start3A_51 = tpu.memref_slice %arg12[%add3A_15, %dma_start3A] : memref<10240x128xf32, #tpu.memory_space<vmem_shared>> -> memref<128x128xf32, #tpu.memory_space<vmem_shared>>
      %dma_start3A_52 = arith.constant 0 : i32
      %dma_start3A_53 = tpu.memref_slice %arg12[%add3A_15, %dma_start3A_52] : memref<10240x128xf32, #tpu.memory_space<vmem_shared>> -> memref<128x128xf32, #tpu.memory_space<vmem_shared>>
      tpu.enqueue_dma source(%arg11 : memref<128x128xf32, #tpu.memory_space<vmem>>) target(%dma_start3A_53 : memref<128x128xf32, #tpu.memory_space<vmem_shared>>) target_semaphore(%run_scoped3A : memref<!tpu.dma_semaphore, #tpu.memory_space<semaphore_mem>>)
      %dma_wait3A = arith.constant 0 : i32
      %dma_wait3A_54 = tpu.memref_slice %arg12[%add3A_15, %dma_wait3A] : memref<10240x128xf32, #tpu.memory_space<vmem_shared>> -> memref<128x128xf32, #tpu.memory_space<vmem_shared>>
      %dma_wait3A_55 = arith.constant 0 : i32
      %dma_wait3A_56 = tpu.memref_slice %arg12[%add3A_15, %dma_wait3A_55] : memref<10240x128xf32, #tpu.memory_space<vmem_shared>> -> memref<128x128xf32, #tpu.memory_space<vmem_shared>>
      tpu.wait_dma2 semaphore(%run_scoped3A : memref<!tpu.dma_semaphore, #tpu.memory_space<semaphore_mem>>) src(%arg11 : memref<128x128xf32, #tpu.memory_space<vmem>>) dst(%dma_wait3A_56 : memref<128x128xf32, #tpu.memory_space<vmem_shared>>)
      tpu.yield
    }) : () -> ()
    %barrier3A = arith.constant 0 : index
    tpu.barrier barrier_id(%barrier3A)
    %mul3A_16 = arith.constant 10240 : i32
    %mul3A_17 = arith.muli %arg0, %mul3A_16 : i32
    %scan3A_18 = arith.constant 0 : i32
    %scan3A_19 = arith.constant 0 : i32
    %scan3A_20 = arith.constant 50 : i32
    %scan3A_21 = arith.addi %scan3A_19, %scan3A_20 : i32
    %scan3A_22 = arith.constant 1 : i32
    %scan3A_23 = scf.for %scan3A_51 = %scan3A_19 to %scan3A_21 step %scan3A_22 iter_args(%scan3A_52 = %scan3A_18) -> (i32)  : i32 {
      %mul3A_53 = arith.constant 10000 : i32
      %mul3A_54 = arith.muli %arg1, %mul3A_53 : i32
      %mul3A_55 = arith.constant 200 : i32
      %mul3A_56 = arith.muli %scan3A_51, %mul3A_55 : i32
      %add3A_57 = arith.addi %mul3A_54, %mul3A_56 : i32
      %mul3A_58 = arith.constant 160000 : i32
      %mul3A_59 = arith.muli %arg0, %mul3A_58 : i32
      %add3A_60 = arith.addi %mul3A_59, %add3A_57 : i32
      "tpu.region"() ({
        %run_scoped3A = tpu.sem_alloc : memref<!tpu.dma_semaphore, #tpu.memory_space<semaphore_mem>>
        %dma_start3A_73 = tpu.memref_slice %arg3[%add3A_60] : memref<320000xi32, #tpu.memory_space<hbm>> -> memref<200xi32, #tpu.memory_space<hbm>>
        %dma_start3A_74 = tpu.memref_slice %arg3[%add3A_60] : memref<320000xi32, #tpu.memory_space<hbm>> -> memref<200xi32, #tpu.memory_space<hbm>>
        tpu.enqueue_dma source(%dma_start3A_74 : memref<200xi32, #tpu.memory_space<hbm>>) target(%arg7 : memref<200xi32, #tpu.memory_space<vmem>>) target_semaphore(%run_scoped3A : memref<!tpu.dma_semaphore, #tpu.memory_space<semaphore_mem>>)
        %dma_wait3A_75 = tpu.memref_slice %arg3[%add3A_60] : memref<320000xi32, #tpu.memory_space<hbm>> -> memref<200xi32, #tpu.memory_space<hbm>>
        %dma_wait3A_76 = tpu.memref_slice %arg3[%add3A_60] : memref<320000xi32, #tpu.memory_space<hbm>> -> memref<200xi32, #tpu.memory_space<hbm>>
        tpu.wait_dma2 semaphore(%run_scoped3A : memref<!tpu.dma_semaphore, #tpu.memory_space<semaphore_mem>>) src(%dma_wait3A_76 : memref<200xi32, #tpu.memory_space<hbm>>) dst(%arg7 : memref<200xi32, #tpu.memory_space<vmem>>)
        tpu.yield
      }) : () -> ()
      "tpu.region"() ({
        %run_scoped3A = tpu.sem_alloc : memref<!tpu.dma_semaphore, #tpu.memory_space<semaphore_mem>>
        %dma_start3A_73 = tpu.memref_slice %arg4[%add3A_57] : memref<160000xi32, #tpu.memory_space<hbm>> -> memref<200xi32, #tpu.memory_space<hbm>>
        %dma_start3A_74 = tpu.memref_slice %arg4[%add3A_57] : memref<160000xi32, #tpu.memory_space<hbm>> -> memref<200xi32, #tpu.memory_space<hbm>>
        tpu.enqueue_dma source(%dma_start3A_74 : memref<200xi32, #tpu.memory_space<hbm>>) target(%arg8 : memref<200xi32, #tpu.memory_space<vmem>>) target_semaphore(%run_scoped3A : memref<!tpu.dma_semaphore, #tpu.memory_space<semaphore_mem>>)
        %dma_wait3A_75 = tpu.memref_slice %arg4[%add3A_57] : memref<160000xi32, #tpu.memory_space<hbm>> -> memref<200xi32, #tpu.memory_space<hbm>>
        %dma_wait3A_76 = tpu.memref_slice %arg4[%add3A_57] : memref<160000xi32, #tpu.memory_space<hbm>> -> memref<200xi32, #tpu.memory_space<hbm>>
        tpu.wait_dma2 semaphore(%run_scoped3A : memref<!tpu.dma_semaphore, #tpu.memory_space<semaphore_mem>>) src(%dma_wait3A_76 : memref<200xi32, #tpu.memory_space<hbm>>) dst(%arg8 : memref<200xi32, #tpu.memory_space<vmem>>)
        tpu.yield
      }) : () -> ()
      "tpu.region"() ({
        %run_scoped3A = tpu.sem_alloc : memref<!tpu.dma_semaphore, #tpu.memory_space<semaphore_mem>>
        %dma_start3A_73 = tpu.memref_slice %arg5[%add3A_57] : memref<163840xf32, #tpu.memory_space<hbm>> -> memref<200xf32, #tpu.memory_space<hbm>>
        %dma_start3A_74 = tpu.memref_slice %arg5[%add3A_57] : memref<163840xf32, #tpu.memory_space<hbm>> -> memref<200xf32, #tpu.memory_space<hbm>>
        tpu.enqueue_dma source(%dma_start3A_74 : memref<200xf32, #tpu.memory_space<hbm>>) target(%arg9 : memref<200xf32, #tpu.memory_space<vmem>>) target_semaphore(%run_scoped3A : memref<!tpu.dma_semaphore, #tpu.memory_space<semaphore_mem>>)
        %dma_wait3A_75 = tpu.memref_slice %arg5[%add3A_57] : memref<163840xf32, #tpu.memory_space<hbm>> -> memref<200xf32, #tpu.memory_space<hbm>>
        %dma_wait3A_76 = tpu.memref_slice %arg5[%add3A_57] : memref<163840xf32, #tpu.memory_space<hbm>> -> memref<200xf32, #tpu.memory_space<hbm>>
        tpu.wait_dma2 semaphore(%run_scoped3A : memref<!tpu.dma_semaphore, #tpu.memory_space<semaphore_mem>>) src(%dma_wait3A_76 : memref<200xf32, #tpu.memory_space<hbm>>) dst(%arg9 : memref<200xf32, #tpu.memory_space<vmem>>)
        tpu.yield
      }) : () -> ()
      %dma_start3A = arith.constant 0 : i32
      %dma_start3A_61 = arith.constant 0 : i32
      %dma_start3A_62 = tpu.memref_slice %arg2[%dma_start3A, %dma_start3A_61] : memref<20000x128xf32, #tpu.memory_space<hbm>> -> memref<20000x128xf32, #tpu.memory_space<hbm>>
      tpu.enqueue_indirect_dma source(%dma_start3A_62 : memref<20000x128xf32, #tpu.memory_space<hbm>>) target(%arg10 : memref<200x128xf32, #tpu.memory_space<vmem>>) offsets(%arg7 : memref<200xi32, #tpu.memory_space<vmem>>) semaphore(%arg13 : memref<!tpu.dma_semaphore, #tpu.memory_space<semaphore_mem>>)
      %dma_wait3A = arith.constant 0 : i32
      %dma_wait3A_63 = arith.constant 0 : i32
      %dma_wait3A_64 = tpu.memref_slice %arg2[%dma_wait3A, %dma_wait3A_63] : memref<20000x128xf32, #tpu.memory_space<hbm>> -> memref<20000x128xf32, #tpu.memory_space<hbm>>
      tpu.wait_indirect_dma semaphore(%arg13 : memref<!tpu.dma_semaphore, #tpu.memory_space<semaphore_mem>>) src(%dma_wait3A_64 : memref<20000x128xf32, #tpu.memory_space<hbm>>) dst(%arg10 : memref<200x128xf32, #tpu.memory_space<vmem>>)
      %scan3A_65 = arith.constant 0 : i32
      %scan3A_66 = arith.constant 0 : i32
      %scan3A_67 = arith.constant 200 : i32
      %scan3A_68 = arith.addi %scan3A_66, %scan3A_67 : i32
      %scan3A_69 = arith.constant 1 : i32
      %scan3A_70 = scf.for %scan3A_73 = %scan3A_66 to %scan3A_68 step %scan3A_69 iter_args(%scan3A_74 = %scan3A_65) -> (i32)  : i32 {
        %broadcast_in_dim3A = vector.broadcast %scan3A_73 : i32 to vector<16xi32>
        %gather3A = tpu.vector_load_idx %arg9[%broadcast_in_dim3A] : memref<200xf32, #tpu.memory_space<vmem>>[vector<16xi32>], vector<16xf32>,
        %get3A = arith.index_cast %scan3A_73 : i32 to index
        %get3A_75 = arith.constant 0 : index
        %get3A_76 = tpu.vector_load %arg10[%get3A, %get3A_75] {strides = array<i32>} : memref<200x128xf32, #tpu.memory_space<vmem>>, vector<16xf32>,
        %mul3A_77 = arith.mulf %get3A_76, %gather3A : vector<16xf32>
        %swap3A = arith.index_cast %scan3A_73 : i32 to index
        %swap3A_78 = arith.constant 0 : index
        %swap3A_79 = tpu.vector_load %arg10[%swap3A, %swap3A_78] {strides = array<i32>} : memref<200x128xf32, #tpu.memory_space<vmem>>, vector<16xf32>,
        tpu.vector_store %arg10[%swap3A, %swap3A_78], %mul3A_77 {strides = array<i32>} : memref<200x128xf32, #tpu.memory_space<vmem>>, vector<16xf32>,
        %get3A_80 = arith.index_cast %scan3A_73 : i32 to index
        %get3A_81 = arith.constant 16 : index
        %get3A_82 = tpu.vector_load %arg10[%get3A_80, %get3A_81] {strides = array<i32>} : memref<200x128xf32, #tpu.memory_space<vmem>>, vector<16xf32>,
        %mul3A_83 = arith.mulf %get3A_82, %gather3A : vector<16xf32>
        %swap3A_84 = arith.index_cast %scan3A_73 : i32 to index
        %swap3A_85 = arith.constant 16 : index
        %swap3A_86 = tpu.vector_load %arg10[%swap3A_84, %swap3A_85] {strides = array<i32>} : memref<200x128xf32, #tpu.memory_space<vmem>>, vector<16xf32>,
        tpu.vector_store %arg10[%swap3A_84, %swap3A_85], %mul3A_83 {strides = array<i32>} : memref<200x128xf32, #tpu.memory_space<vmem>>, vector<16xf32>,
        %get3A_87 = arith.index_cast %scan3A_73 : i32 to index
        %get3A_88 = arith.constant 32 : index
        %get3A_89 = tpu.vector_load %arg10[%get3A_87, %get3A_88] {strides = array<i32>} : memref<200x128xf32, #tpu.memory_space<vmem>>, vector<16xf32>,
        %mul3A_90 = arith.mulf %get3A_89, %gather3A : vector<16xf32>
        %swap3A_91 = arith.index_cast %scan3A_73 : i32 to index
        %swap3A_92 = arith.constant 32 : index
        %swap3A_93 = tpu.vector_load %arg10[%swap3A_91, %swap3A_92] {strides = array<i32>} : memref<200x128xf32, #tpu.memory_space<vmem>>, vector<16xf32>,
        tpu.vector_store %arg10[%swap3A_91, %swap3A_92], %mul3A_90 {strides = array<i32>} : memref<200x128xf32, #tpu.memory_space<vmem>>, vector<16xf32>,
        %get3A_94 = arith.index_cast %scan3A_73 : i32 to index
        %get3A_95 = arith.constant 48 : index
        %get3A_96 = tpu.vector_load %arg10[%get3A_94, %get3A_95] {strides = array<i32>} : memref<200x128xf32, #tpu.memory_space<vmem>>, vector<16xf32>,
        %mul3A_97 = arith.mulf %get3A_96, %gather3A : vector<16xf32>
        %swap3A_98 = arith.index_cast %scan3A_73 : i32 to index
        %swap3A_99 = arith.constant 48 : index
        %swap3A_100 = tpu.vector_load %arg10[%swap3A_98, %swap3A_99] {strides = array<i32>} : memref<200x128xf32, #tpu.memory_space<vmem>>, vector<16xf32>,
        tpu.vector_store %arg10[%swap3A_98, %swap3A_99], %mul3A_97 {strides = array<i32>} : memref<200x128xf32, #tpu.memory_space<vmem>>, vector<16xf32>,
        %get3A_101 = arith.index_cast %scan3A_73 : i32 to index
        %get3A_102 = arith.constant 64 : index
        %get3A_103 = tpu.vector_load %arg10[%get3A_101, %get3A_102] {strides = array<i32>} : memref<200x128xf32, #tpu.memory_space<vmem>>, vector<16xf32>,
        %mul3A_104 = arith.mulf %get3A_103, %gather3A : vector<16xf32>
        %swap3A_105 = arith.index_cast %scan3A_73 : i32 to index
        %swap3A_106 = arith.constant 64 : index
        %swap3A_107 = tpu.vector_load %arg10[%swap3A_105, %swap3A_106] {strides = array<i32>} : memref<200x128xf32, #tpu.memory_space<vmem>>, vector<16xf32>,
        tpu.vector_store %arg10[%swap3A_105, %swap3A_106], %mul3A_104 {strides = array<i32>} : memref<200x128xf32, #tpu.memory_space<vmem>>, vector<16xf32>,
        %get3A_108 = arith.index_cast %scan3A_73 : i32 to index
        %get3A_109 = arith.constant 80 : index
        %get3A_110 = tpu.vector_load %arg10[%get3A_108, %get3A_109] {strides = array<i32>} : memref<200x128xf32, #tpu.memory_space<vmem>>, vector<16xf32>,
        %mul3A_111 = arith.mulf %get3A_110, %gather3A : vector<16xf32>
        %swap3A_112 = arith.index_cast %scan3A_73 : i32 to index
        %swap3A_113 = arith.constant 80 : index
        %swap3A_114 = tpu.vector_load %arg10[%swap3A_112, %swap3A_113] {strides = array<i32>} : memref<200x128xf32, #tpu.memory_space<vmem>>, vector<16xf32>,
        tpu.vector_store %arg10[%swap3A_112, %swap3A_113], %mul3A_111 {strides = array<i32>} : memref<200x128xf32, #tpu.memory_space<vmem>>, vector<16xf32>,
        %get3A_115 = arith.index_cast %scan3A_73 : i32 to index
        %get3A_116 = arith.constant 96 : index
        %get3A_117 = tpu.vector_load %arg10[%get3A_115, %get3A_116] {strides = array<i32>} : memref<200x128xf32, #tpu.memory_space<vmem>>, vector<16xf32>,
        %mul3A_118 = arith.mulf %get3A_117, %gather3A : vector<16xf32>
        %swap3A_119 = arith.index_cast %scan3A_73 : i32 to index
        %swap3A_120 = arith.constant 96 : index
        %swap3A_121 = tpu.vector_load %arg10[%swap3A_119, %swap3A_120] {strides = array<i32>} : memref<200x128xf32, #tpu.memory_space<vmem>>, vector<16xf32>,
        tpu.vector_store %arg10[%swap3A_119, %swap3A_120], %mul3A_118 {strides = array<i32>} : memref<200x128xf32, #tpu.memory_space<vmem>>, vector<16xf32>,
        %get3A_122 = arith.index_cast %scan3A_73 : i32 to index
        %get3A_123 = arith.constant 112 : index
        %get3A_124 = tpu.vector_load %arg10[%get3A_122, %get3A_123] {strides = array<i32>} : memref<200x128xf32, #tpu.memory_space<vmem>>, vector<16xf32>,
        %mul3A_125 = arith.mulf %get3A_124, %gather3A : vector<16xf32>
        %swap3A_126 = arith.index_cast %scan3A_73 : i32 to index
        %swap3A_127 = arith.constant 112 : index
        %swap3A_128 = tpu.vector_load %arg10[%swap3A_126, %swap3A_127] {strides = array<i32>} : memref<200x128xf32, #tpu.memory_space<vmem>>, vector<16xf32>,
        tpu.vector_store %arg10[%swap3A_126, %swap3A_127], %mul3A_125 {strides = array<i32>} : memref<200x128xf32, #tpu.memory_space<vmem>>, vector<16xf32>,
        %scan3A_129 = arith.constant 0 : i32
        scf.yield %scan3A_129 : i32
      }
      %scan3A_71 = arith.constant 200 : i32
      "tpu.region"() ({
        %run_scoped3A = tpu.sem_alloc : memref<!tpu.dma_semaphore, #tpu.memory_space<semaphore_mem>>
        %dma_start3A_73 = arith.constant 0 : i32
        %dma_start3A_74 = arith.constant 0 : i32
        %dma_start3A_75 = tpu.memref_slice %arg12[%dma_start3A_73, %dma_start3A_74] : memref<10240x128xf32, #tpu.memory_space<vmem_shared>> -> memref<10240x128xf32, #tpu.memory_space<vmem_shared>>
        tpu.enqueue_indirect_dma source(%arg10 : memref<200x128xf32, #tpu.memory_space<vmem>>) target(%dma_start3A_75 : memref<10240x128xf32, #tpu.memory_space<vmem_shared>>) offsets(%arg8 : memref<200xi32, #tpu.memory_space<vmem>>) semaphore(%run_scoped3A : memref<!tpu.dma_semaphore, #tpu.memory_space<semaphore_mem>>) {add = true}
        %dma_wait3A_76 = arith.constant 0 : i32
        %dma_wait3A_77 = arith.constant 0 : i32
        %dma_wait3A_78 = tpu.memref_slice %arg12[%dma_wait3A_76, %dma_wait3A_77] : memref<10240x128xf32, #tpu.memory_space<vmem_shared>> -> memref<10240x128xf32, #tpu.memory_space<vmem_shared>>
        tpu.wait_indirect_dma semaphore(%run_scoped3A : memref<!tpu.dma_semaphore, #tpu.memory_space<semaphore_mem>>) src(%arg10 : memref<200x128xf32, #tpu.memory_space<vmem>>) dst(%dma_wait3A_78 : memref<10240x128xf32, #tpu.memory_space<vmem_shared>>)
        tpu.yield
      }) : () -> ()
      %scan3A_72 = arith.constant 0 : i32
      scf.yield %scan3A_72 : i32
    }
    %scan3A_24 = arith.constant 50 : i32
    %barrier3A_25 = arith.constant 0 : index
    tpu.barrier barrier_id(%barrier3A_25)
    %add3A_26 = arith.constant 0 : i32
    %add3A_27 = arith.addi %mul3A_6, %add3A_26 : i32
    "tpu.region"() ({
      %run_scoped3A = tpu.sem_alloc : memref<!tpu.dma_semaphore, #tpu.memory_space<semaphore_mem>>
      %dma_start3A = arith.constant 0 : i32
      %dma_start3A_51 = tpu.memref_slice %arg12[%add3A_27, %dma_start3A] : memref<10240x128xf32, #tpu.memory_space<vmem_shared>> -> memref<128x128xf32, #tpu.memory_space<vmem_shared>>
      %dma_start3A_52 = arith.constant 0 : i32
      %dma_start3A_53 = tpu.memref_slice %arg12[%add3A_27, %dma_start3A_52] : memref<10240x128xf32, #tpu.memory_space<vmem_shared>> -> memref<128x128xf32, #tpu.memory_space<vmem_shared>>
      tpu.enqueue_dma source(%dma_start3A_53 : memref<128x128xf32, #tpu.memory_space<vmem_shared>>) target(%arg11 : memref<128x128xf32, #tpu.memory_space<vmem>>) target_semaphore(%run_scoped3A : memref<!tpu.dma_semaphore, #tpu.memory_space<semaphore_mem>>)
      %dma_wait3A = arith.constant 0 : i32
      %dma_wait3A_54 = tpu.memref_slice %arg12[%add3A_27, %dma_wait3A] : memref<10240x128xf32, #tpu.memory_space<vmem_shared>> -> memref<128x128xf32, #tpu.memory_space<vmem_shared>>
      %dma_wait3A_55 = arith.constant 0 : i32
      %dma_wait3A_56 = tpu.memref_slice %arg12[%add3A_27, %dma_wait3A_55] : memref<10240x128xf32, #tpu.memory_space<vmem_shared>> -> memref<128x128xf32, #tpu.memory_space<vmem_shared>>
      tpu.wait_dma2 semaphore(%run_scoped3A : memref<!tpu.dma_semaphore, #tpu.memory_space<semaphore_mem>>) src(%dma_wait3A_56 : memref<128x128xf32, #tpu.memory_space<vmem_shared>>) dst(%arg11 : memref<128x128xf32, #tpu.memory_space<vmem>>)
      tpu.yield
    }) : () -> ()
    %add3A_28 = arith.addi %mul3A_17, %mul3A_6 : i32
    %add3A_29 = arith.constant 0 : i32
    %add3A_30 = arith.addi %add3A_28, %add3A_29 : i32
    "tpu.region"() ({
      %run_scoped3A = tpu.sem_alloc : memref<!tpu.dma_semaphore, #tpu.memory_space<semaphore_mem>>
      %dma_start3A = arith.constant 0 : i32
      %dma_start3A_51 = tpu.memref_slice %arg6[%add3A_30, %dma_start3A] : memref<20480x128xf32, #tpu.memory_space<hbm>> -> memref<128x128xf32, #tpu.memory_space<hbm>>
      %dma_start3A_52 = arith.constant 0 : i32
      %dma_start3A_53 = tpu.memref_slice %arg6[%add3A_30, %dma_start3A_52] : memref<20480x128xf32, #tpu.memory_space<hbm>> -> memref<128x128xf32, #tpu.memory_space<hbm>>
      tpu.enqueue_dma source(%arg11 : memref<128x128xf32, #tpu.memory_space<vmem>>) target(%dma_start3A_53 : memref<128x128xf32, #tpu.memory_space<hbm>>) target_semaphore(%run_scoped3A : memref<!tpu.dma_semaphore, #tpu.memory_space<semaphore_mem>>)
      %dma_wait3A = arith.constant 0 : i32
      %dma_wait3A_54 = tpu.memref_slice %arg6[%add3A_30, %dma_wait3A] : memref<20480x128xf32, #tpu.memory_space<hbm>> -> memref<128x128xf32, #tpu.memory_space<hbm>>
      %dma_wait3A_55 = arith.constant 0 : i32
      %dma_wait3A_56 = tpu.memref_slice %arg6[%add3A_30, %dma_wait3A_55] : memref<20480x128xf32, #tpu.memory_space<hbm>> -> memref<128x128xf32, #tpu.memory_space<hbm>>
      tpu.wait_dma2 semaphore(%run_scoped3A : memref<!tpu.dma_semaphore, #tpu.memory_space<semaphore_mem>>) src(%arg11 : memref<128x128xf32, #tpu.memory_space<vmem>>) dst(%dma_wait3A_56 : memref<128x128xf32, #tpu.memory_space<hbm>>)
      tpu.yield
    }) : () -> ()
    %add3A_31 = arith.constant 128 : i32
    %add3A_32 = arith.addi %mul3A_6, %add3A_31 : i32
    "tpu.region"() ({
      %run_scoped3A = tpu.sem_alloc : memref<!tpu.dma_semaphore, #tpu.memory_space<semaphore_mem>>
      %dma_start3A = arith.constant 0 : i32
      %dma_start3A_51 = tpu.memref_slice %arg12[%add3A_32, %dma_start3A] : memref<10240x128xf32, #tpu.memory_space<vmem_shared>> -> memref<128x128xf32, #tpu.memory_space<vmem_shared>>
      %dma_start3A_52 = arith.constant 0 : i32
      %dma_start3A_53 = tpu.memref_slice %arg12[%add3A_32, %dma_start3A_52] : memref<10240x128xf32, #tpu.memory_space<vmem_shared>> -> memref<128x128xf32, #tpu.memory_space<vmem_shared>>
      tpu.enqueue_dma source(%dma_start3A_53 : memref<128x128xf32, #tpu.memory_space<vmem_shared>>) target(%arg11 : memref<128x128xf32, #tpu.memory_space<vmem>>) target_semaphore(%run_scoped3A : memref<!tpu.dma_semaphore, #tpu.memory_space<semaphore_mem>>)
      %dma_wait3A = arith.constant 0 : i32
      %dma_wait3A_54 = tpu.memref_slice %arg12[%add3A_32, %dma_wait3A] : memref<10240x128xf32, #tpu.memory_space<vmem_shared>> -> memref<128x128xf32, #tpu.memory_space<vmem_shared>>
      %dma_wait3A_55 = arith.constant 0 : i32
      %dma_wait3A_56 = tpu.memref_slice %arg12[%add3A_32, %dma_wait3A_55] : memref<10240x128xf32, #tpu.memory_space<vmem_shared>> -> memref<128x128xf32, #tpu.memory_space<vmem_shared>>
      tpu.wait_dma2 semaphore(%run_scoped3A : memref<!tpu.dma_semaphore, #tpu.memory_space<semaphore_mem>>) src(%dma_wait3A_56 : memref<128x128xf32, #tpu.memory_space<vmem_shared>>) dst(%arg11 : memref<128x128xf32, #tpu.memory_space<vmem>>)
      tpu.yield
    }) : () -> ()
    %add3A_33 = arith.addi %mul3A_17, %mul3A_6 : i32
    %add3A_34 = arith.constant 128 : i32
    %add3A_35 = arith.addi %add3A_33, %add3A_34 : i32
    "tpu.region"() ({
      %run_scoped3A = tpu.sem_alloc : memref<!tpu.dma_semaphore, #tpu.memory_space<semaphore_mem>>
      %dma_start3A = arith.constant 0 : i32
      %dma_start3A_51 = tpu.memref_slice %arg6[%add3A_35, %dma_start3A] : memref<20480x128xf32, #tpu.memory_space<hbm>> -> memref<128x128xf32, #tpu.memory_space<hbm>>
      %dma_start3A_52 = arith.constant 0 : i32
      %dma_start3A_53 = tpu.memref_slice %arg6[%add3A_35, %dma_start3A_52] : memref<20480x128xf32, #tpu.memory_space<hbm>> -> memref<128x128xf32, #tpu.memory_space<hbm>>
      tpu.enqueue_dma source(%arg11 : memref<128x128xf32, #tpu.memory_space<vmem>>) target(%dma_start3A_53 : memref<128x128xf32, #tpu.memory_space<hbm>>) target_semaphore(%run_scoped3A : memref<!tpu.dma_semaphore, #tpu.memory_space<semaphore_mem>>)
      %dma_wait3A = arith.constant 0 : i32
      %dma_wait3A_54 = tpu.memref_slice %arg6[%add3A_35, %dma_wait3A] : memref<20480x128xf32, #tpu.memory_space<hbm>> -> memref<128x128xf32, #tpu.memory_space<hbm>>
      %dma_wait3A_55 = arith.constant 0 : i32
      %dma_wait3A_56 = tpu.memref_slice %arg6[%add3A_35, %dma_wait3A_55] : memref<20480x128xf32, #tpu.memory_space<hbm>> -> memref<128x128xf32, #tpu.memory_space<hbm>>
      tpu.wait_dma2 semaphore(%run_scoped3A : memref<!tpu.dma_semaphore, #tpu.memory_space<semaphore_mem>>) src(%arg11 : memref<128x128xf32, #tpu.memory_space<vmem>>) dst(%dma_wait3A_56 : memref<128x128xf32, #tpu.memory_space<hbm>>)
      tpu.yield
    }) : () -> ()
    %add3A_36 = arith.constant 256 : i32
    %add3A_37 = arith.addi %mul3A_6, %add3A_36 : i32
    "tpu.region"() ({
      %run_scoped3A = tpu.sem_alloc : memref<!tpu.dma_semaphore, #tpu.memory_space<semaphore_mem>>
      %dma_start3A = arith.constant 0 : i32
      %dma_start3A_51 = tpu.memref_slice %arg12[%add3A_37, %dma_start3A] : memref<10240x128xf32, #tpu.memory_space<vmem_shared>> -> memref<128x128xf32, #tpu.memory_space<vmem_shared>>
      %dma_start3A_52 = arith.constant 0 : i32
      %dma_start3A_53 = tpu.memref_slice %arg12[%add3A_37, %dma_start3A_52] : memref<10240x128xf32, #tpu.memory_space<vmem_shared>> -> memref<128x128xf32, #tpu.memory_space<vmem_shared>>
      tpu.enqueue_dma source(%dma_start3A_53 : memref<128x128xf32, #tpu.memory_space<vmem_shared>>) target(%arg11 : memref<128x128xf32, #tpu.memory_space<vmem>>) target_semaphore(%run_scoped3A : memref<!tpu.dma_semaphore, #tpu.memory_space<semaphore_mem>>)
      %dma_wait3A = arith.constant 0 : i32
      %dma_wait3A_54 = tpu.memref_slice %arg12[%add3A_37, %dma_wait3A] : memref<10240x128xf32, #tpu.memory_space<vmem_shared>> -> memref<128x128xf32, #tpu.memory_space<vmem_shared>>
      %dma_wait3A_55 = arith.constant 0 : i32
      %dma_wait3A_56 = tpu.memref_slice %arg12[%add3A_37, %dma_wait3A_55] : memref<10240x128xf32, #tpu.memory_space<vmem_shared>> -> memref<128x128xf32, #tpu.memory_space<vmem_shared>>
      tpu.wait_dma2 semaphore(%run_scoped3A : memref<!tpu.dma_semaphore, #tpu.memory_space<semaphore_mem>>) src(%dma_wait3A_56 : memref<128x128xf32, #tpu.memory_space<vmem_shared>>) dst(%arg11 : memref<128x128xf32, #tpu.memory_space<vmem>>)
      tpu.yield
    }) : () -> ()
    %add3A_38 = arith.addi %mul3A_17, %mul3A_6 : i32
    %add3A_39 = arith.constant 256 : i32
    %add3A_40 = arith.addi %add3A_38, %add3A_39 : i32
    "tpu.region"() ({
      %run_scoped3A = tpu.sem_alloc : memref<!tpu.dma_semaphore, #tpu.memory_space<semaphore_mem>>
      %dma_start3A = arith.constant 0 : i32
      %dma_start3A_51 = tpu.memref_slice %arg6[%add3A_40, %dma_start3A] : memref<20480x128xf32, #tpu.memory_space<hbm>> -> memref<128x128xf32, #tpu.memory_space<hbm>>
      %dma_start3A_52 = arith.constant 0 : i32
      %dma_start3A_53 = tpu.memref_slice %arg6[%add3A_40, %dma_start3A_52] : memref<20480x128xf32, #tpu.memory_space<hbm>> -> memref<128x128xf32, #tpu.memory_space<hbm>>
      tpu.enqueue_dma source(%arg11 : memref<128x128xf32, #tpu.memory_space<vmem>>) target(%dma_start3A_53 : memref<128x128xf32, #tpu.memory_space<hbm>>) target_semaphore(%run_scoped3A : memref<!tpu.dma_semaphore, #tpu.memory_space<semaphore_mem>>)
      %dma_wait3A = arith.constant 0 : i32
      %dma_wait3A_54 = tpu.memref_slice %arg6[%add3A_40, %dma_wait3A] : memref<20480x128xf32, #tpu.memory_space<hbm>> -> memref<128x128xf32, #tpu.memory_space<hbm>>
      %dma_wait3A_55 = arith.constant 0 : i32
      %dma_wait3A_56 = tpu.memref_slice %arg6[%add3A_40, %dma_wait3A_55] : memref<20480x128xf32, #tpu.memory_space<hbm>> -> memref<128x128xf32, #tpu.memory_space<hbm>>
      tpu.wait_dma2 semaphore(%run_scoped3A : memref<!tpu.dma_semaphore, #tpu.memory_space<semaphore_mem>>) src(%arg11 : memref<128x128xf32, #tpu.memory_space<vmem>>) dst(%dma_wait3A_56 : memref<128x128xf32, #tpu.memory_space<hbm>>)
      tpu.yield
    }) : () -> ()
    %add3A_41 = arith.constant 384 : i32
    %add3A_42 = arith.addi %mul3A_6, %add3A_41 : i32
    "tpu.region"() ({
      %run_scoped3A = tpu.sem_alloc : memref<!tpu.dma_semaphore, #tpu.memory_space<semaphore_mem>>
      %dma_start3A = arith.constant 0 : i32
      %dma_start3A_51 = tpu.memref_slice %arg12[%add3A_42, %dma_start3A] : memref<10240x128xf32, #tpu.memory_space<vmem_shared>> -> memref<128x128xf32, #tpu.memory_space<vmem_shared>>
      %dma_start3A_52 = arith.constant 0 : i32
      %dma_start3A_53 = tpu.memref_slice %arg12[%add3A_42, %dma_start3A_52] : memref<10240x128xf32, #tpu.memory_space<vmem_shared>> -> memref<128x128xf32, #tpu.memory_space<vmem_shared>>
      tpu.enqueue_dma source(%dma_start3A_53 : memref<128x128xf32, #tpu.memory_space<vmem_shared>>) target(%arg11 : memref<128x128xf32, #tpu.memory_space<vmem>>) target_semaphore(%run_scoped3A : memref<!tpu.dma_semaphore, #tpu.memory_space<semaphore_mem>>)
      %dma_wait3A = arith.constant 0 : i32
      %dma_wait3A_54 = tpu.memref_slice %arg12[%add3A_42, %dma_wait3A] : memref<10240x128xf32, #tpu.memory_space<vmem_shared>> -> memref<128x128xf32, #tpu.memory_space<vmem_shared>>
      %dma_wait3A_55 = arith.constant 0 : i32
      %dma_wait3A_56 = tpu.memref_slice %arg12[%add3A_42, %dma_wait3A_55] : memref<10240x128xf32, #tpu.memory_space<vmem_shared>> -> memref<128x128xf32, #tpu.memory_space<vmem_shared>>
      tpu.wait_dma2 semaphore(%run_scoped3A : memref<!tpu.dma_semaphore, #tpu.memory_space<semaphore_mem>>) src(%dma_wait3A_56 : memref<128x128xf32, #tpu.memory_space<vmem_shared>>) dst(%arg11 : memref<128x128xf32, #tpu.memory_space<vmem>>)
      tpu.yield
    }) : () -> ()
    %add3A_43 = arith.addi %mul3A_17, %mul3A_6 : i32
    %add3A_44 = arith.constant 384 : i32
    %add3A_45 = arith.addi %add3A_43, %add3A_44 : i32
    "tpu.region"() ({
      %run_scoped3A = tpu.sem_alloc : memref<!tpu.dma_semaphore, #tpu.memory_space<semaphore_mem>>
      %dma_start3A = arith.constant 0 : i32
      %dma_start3A_51 = tpu.memref_slice %arg6[%add3A_45, %dma_start3A] : memref<20480x128xf32, #tpu.memory_space<hbm>> -> memref<128x128xf32, #tpu.memory_space<hbm>>
      %dma_start3A_52 = arith.constant 0 : i32
      %dma_start3A_53 = tpu.memref_slice %arg6[%add3A_45, %dma_start3A_52] : memref<20480x128xf32, #tpu.memory_space<hbm>> -> memref<128x128xf32, #tpu.memory_space<hbm>>
      tpu.enqueue_dma source(%arg11 : memref<128x128xf32, #tpu.memory_space<vmem>>) target(%dma_start3A_53 : memref<128x128xf32, #tpu.memory_space<hbm>>) target_semaphore(%run_scoped3A : memref<!tpu.dma_semaphore, #tpu.memory_space<semaphore_mem>>)
      %dma_wait3A = arith.constant 0 : i32
      %dma_wait3A_54 = tpu.memref_slice %arg6[%add3A_45, %dma_wait3A] : memref<20480x128xf32, #tpu.memory_space<hbm>> -> memref<128x128xf32, #tpu.memory_space<hbm>>
      %dma_wait3A_55 = arith.constant 0 : i32
      %dma_wait3A_56 = tpu.memref_slice %arg6[%add3A_45, %dma_wait3A_55] : memref<20480x128xf32, #tpu.memory_space<hbm>> -> memref<128x128xf32, #tpu.memory_space<hbm>>
      tpu.wait_dma2 semaphore(%run_scoped3A : memref<!tpu.dma_semaphore, #tpu.memory_space<semaphore_mem>>) src(%arg11 : memref<128x128xf32, #tpu.memory_space<vmem>>) dst(%dma_wait3A_56 : memref<128x128xf32, #tpu.memory_space<hbm>>)
      tpu.yield
    }) : () -> ()
    %add3A_46 = arith.constant 512 : i32
    %add3A_47 = arith.addi %mul3A_6, %add3A_46 : i32
    "tpu.region"() ({
      %run_scoped3A = tpu.sem_alloc : memref<!tpu.dma_semaphore, #tpu.memory_space<semaphore_mem>>
      %dma_start3A = arith.constant 0 : i32
      %dma_start3A_51 = tpu.memref_slice %arg12[%add3A_47, %dma_start3A] : memref<10240x128xf32, #tpu.memory_space<vmem_shared>> -> memref<128x128xf32, #tpu.memory_space<vmem_shared>>
      %dma_start3A_52 = arith.constant 0 : i32
      %dma_start3A_53 = tpu.memref_slice %arg12[%add3A_47, %dma_start3A_52] : memref<10240x128xf32, #tpu.memory_space<vmem_shared>> -> memref<128x128xf32, #tpu.memory_space<vmem_shared>>
      tpu.enqueue_dma source(%dma_start3A_53 : memref<128x128xf32, #tpu.memory_space<vmem_shared>>) target(%arg11 : memref<128x128xf32, #tpu.memory_space<vmem>>) target_semaphore(%run_scoped3A : memref<!tpu.dma_semaphore, #tpu.memory_space<semaphore_mem>>)
      %dma_wait3A = arith.constant 0 : i32
      %dma_wait3A_54 = tpu.memref_slice %arg12[%add3A_47, %dma_wait3A] : memref<10240x128xf32, #tpu.memory_space<vmem_shared>> -> memref<128x128xf32, #tpu.memory_space<vmem_shared>>
      %dma_wait3A_55 = arith.constant 0 : i32
      %dma_wait3A_56 = tpu.memref_slice %arg12[%add3A_47, %dma_wait3A_55] : memref<10240x128xf32, #tpu.memory_space<vmem_shared>> -> memref<128x128xf32, #tpu.memory_space<vmem_shared>>
      tpu.wait_dma2 semaphore(%run_scoped3A : memref<!tpu.dma_semaphore, #tpu.memory_space<semaphore_mem>>) src(%dma_wait3A_56 : memref<128x128xf32, #tpu.memory_space<vmem_shared>>) dst(%arg11 : memref<128x128xf32, #tpu.memory_space<vmem>>)
      tpu.yield
    }) : () -> ()
    %add3A_48 = arith.addi %mul3A_17, %mul3A_6 : i32
    %add3A_49 = arith.constant 512 : i32
    %add3A_50 = arith.addi %add3A_48, %add3A_49 : i32
    "tpu.region"() ({
      %run_scoped3A = tpu.sem_alloc : memref<!tpu.dma_semaphore, #tpu.memory_space<semaphore_mem>>
      %dma_start3A = arith.constant 0 : i32
      %dma_start3A_51 = tpu.memref_slice %arg6[%add3A_50, %dma_start3A] : memref<20480x128xf32, #tpu.memory_space<hbm>> -> memref<128x128xf32, #tpu.memory_space<hbm>>
      %dma_start3A_52 = arith.constant 0 : i32
      %dma_start3A_53 = tpu.memref_slice %arg6[%add3A_50, %dma_start3A_52] : memref<20480x128xf32, #tpu.memory_space<hbm>> -> memref<128x128xf32, #tpu.memory_space<hbm>>
      tpu.enqueue_dma source(%arg11 : memref<128x128xf32, #tpu.memory_space<vmem>>) target(%dma_start3A_53 : memref<128x128xf32, #tpu.memory_space<hbm>>) target_semaphore(%run_scoped3A : memref<!tpu.dma_semaphore, #tpu.memory_space<semaphore_mem>>)
      %dma_wait3A = arith.constant 0 : i32
      %dma_wait3A_54 = tpu.memref_slice %arg6[%add3A_50, %dma_wait3A] : memref<20480x128xf32, #tpu.memory_space<hbm>> -> memref<128x128xf32, #tpu.memory_space<hbm>>
      %dma_wait3A_55 = arith.constant 0 : i32
      %dma_wait3A_56 = tpu.memref_slice %arg6[%add3A_50, %dma_wait3A_55] : memref<20480x128xf32, #tpu.memory_space<hbm>> -> memref<128x128xf32, #tpu.memory_space<hbm>>
      tpu.wait_dma2 semaphore(%run_scoped3A : memref<!tpu.dma_semaphore, #tpu.memory_space<semaphore_mem>>) src(%arg11 : memref<128x128xf32, #tpu.memory_space<vmem>>) dst(%dma_wait3A_56 : memref<128x128xf32, #tpu.memory_space<hbm>>)
      tpu.yield
    }) : () -> ()
    return
  }
}

module attributes {stable_mosaic.version = 14 : i64} {
  func.func @_mm_body(%arg0: i32, %arg1: memref<2000x256xf32, #tpu.memory_space<vmem>>, %arg2: memref<256x256xf32, #tpu.memory_space<vmem>>, %arg3: memref<2x2000x128xf32, #tpu.memory_space<vmem>>) attributes {dimension_semantics = [#tpu.dimension_semantics<arbitrary>], iteration_bounds = array<i64: 5>, scalar_prefetch = 0 : i64, scratch_operands = 0 : i64, tpu.core_type = #tpu.core_type<tc>, window_params = [{transform_indices = @transform_0, window_bounds = array<i64: 2000, 256>}, {pipeline_mode = #tpu.pipeline_mode<synchronous>, transform_indices = @transform_1, window_bounds = array<i64: 256, 256>}, {transform_indices = @transform_2, window_bounds = array<i64: 2, 2000, 128>}]} {
    %get3A = arith.constant 0 : index
    %get3A_0 = arith.constant 0 : index
    %get3A_1 = vector.load %arg1[%get3A, %get3A_0] : memref<2000x256xf32, #tpu.memory_space<vmem>>, vector<2000x256xf32>
    %get3A_2 = arith.constant 0 : index
    %get3A_3 = arith.constant 0 : index
    %get3A_4 = vector.load %arg2[%get3A_2, %get3A_3] : memref<256x256xf32, #tpu.memory_space<vmem>>, vector<256x256xf32>
    %dot_general3A = arith.constant dense<0.000000e+00> : vector<2000x256xf32>
    %dot_general3A_5 = tpu.matmul %get3A_1, %get3A_4, %dot_general3A {dimension_numbers = #tpu.dot_dimension_numbers<[1], [0], [0], [1], [0, 0, 1, 1], [], []>, transpose_lhs_hint = false} : vector<2000x256xf32>, vector<256x256xf32>, vector<2000x256xf32> -> vector<2000x256xf32>
    %slice3A = vector.extract_strided_slice %dot_general3A_5 {offsets = [0, 0], sizes = [2000, 128], strides = [1, 1]} : vector<2000x256xf32> to vector<2000x128xf32>
    %swap3A = arith.constant 0 : index
    %swap3A_6 = arith.constant 0 : index
    %swap3A_7 = arith.constant 0 : index
    %swap3A_8 = vector.load %arg3[%swap3A, %swap3A_6, %swap3A_7] : memref<2x2000x128xf32, #tpu.memory_space<vmem>>, vector<1x2000x128xf32>
    %swap3A_9 = vector.shape_cast %swap3A_8 : vector<1x2000x128xf32> to vector<2000x128xf32>
    %swap3A_10 = vector.shape_cast %slice3A : vector<2000x128xf32> to vector<1x2000x128xf32>
    tpu.vector_store %arg3[%swap3A, %swap3A_6, %swap3A_7], %swap3A_10 {strides = array<i32>} : memref<2x2000x128xf32, #tpu.memory_space<vmem>>, vector<1x2000x128xf32>,
    %slice3A_11 = vector.extract_strided_slice %dot_general3A_5 {offsets = [0, 128], sizes = [2000, 128], strides = [1, 1]} : vector<2000x256xf32> to vector<2000x128xf32>
    %swap3A_12 = arith.constant 1 : index
    %swap3A_13 = arith.constant 0 : index
    %swap3A_14 = arith.constant 0 : index
    %swap3A_15 = vector.load %arg3[%swap3A_12, %swap3A_13, %swap3A_14] : memref<2x2000x128xf32, #tpu.memory_space<vmem>>, vector<1x2000x128xf32>
    %swap3A_16 = vector.shape_cast %swap3A_15 : vector<1x2000x128xf32> to vector<2000x128xf32>
    %swap3A_17 = vector.shape_cast %slice3A_11 : vector<2000x128xf32> to vector<1x2000x128xf32>
    tpu.vector_store %arg3[%swap3A_12, %swap3A_13, %swap3A_14], %swap3A_17 {strides = array<i32>} : memref<2x2000x128xf32, #tpu.memory_space<vmem>>, vector<1x2000x128xf32>,
    return
  }
  func.func @transform_0(%arg0: i32) -> (i32, i32) {
    %c0_i32 = arith.constant 0 : i32
    %c0_i32_0 = arith.constant 0 : i32
    return %arg0, %c0_i32 : i32, i32
  }
  func.func @transform_1(%arg0: i32) -> (i32, i32) {
    %c0_i32 = arith.constant 0 : i32
    %c0_i32_0 = arith.constant 0 : i32
    %c0_i32_1 = arith.constant 0 : i32
    return %c0_i32, %c0_i32_0 : i32, i32
  }
  func.func @transform_2(%arg0: i32) -> (i32, i32, i32) {
    %c0_i32 = arith.constant 0 : i32
    %c0_i32_0 = arith.constant 0 : i32
    %c0_i32_1 = arith.constant 0 : i32
    return %c0_i32, %arg0, %c0_i32_0 : i32, i32, i32
  }
}

module attributes {stable_mosaic.version = 14 : i64} {
  func.func @body(%arg0: i32, %arg1: memref<2x2000x128xf32, #tpu.memory_space<vmem>>, %arg2: memref<2x2000x128xf32, #tpu.memory_space<vmem>>, %arg3: memref<2000x256xf32, #tpu.memory_space<vmem>>, %arg4: memref<2000x1xf32, #tpu.memory_space<vmem>>, %arg5: memref<1x256xf32, #tpu.memory_space<vmem>>, %arg6: memref<2x2000x128xf32, #tpu.memory_space<vmem>>, %arg7: memref<2x256xf32, #tpu.memory_space<vmem>>) attributes {dimension_semantics = [#tpu.dimension_semantics<arbitrary>], iteration_bounds = array<i64: 5>, scalar_prefetch = 0 : i64, scratch_operands = 0 : i64, tpu.core_type = #tpu.core_type<tc>, window_params = [{transform_indices = @transform_0, window_bounds = array<i64: 2, 2000, 128>}, {transform_indices = @transform_1, window_bounds = array<i64: 2, 2000, 128>}, {transform_indices = @transform_2, window_bounds = array<i64: 2000, 256>}, {transform_indices = @transform_3, window_bounds = array<i64: 2000, 1>}, {pipeline_mode = #tpu.pipeline_mode<synchronous>, transform_indices = @transform_4, window_bounds = array<i64: 1, 256>}, {transform_indices = @transform_5, window_bounds = array<i64: 2, 2000, 128>}, {pipeline_mode = #tpu.pipeline_mode<synchronous>, transform_indices = @transform_6, window_bounds = array<i64: 2, 256>}]} {
    %get3A = arith.constant 0 : index
    %get3A_0 = arith.constant 0 : index
    %get3A_1 = arith.constant 0 : index
    %get3A_2 = vector.load %arg1[%get3A, %get3A_0, %get3A_1] : memref<2x2000x128xf32, #tpu.memory_space<vmem>>, vector<1x2000x128xf32>
    %get3A_3 = vector.shape_cast %get3A_2 : vector<1x2000x128xf32> to vector<2000x128xf32>
    %get3A_4 = arith.constant 1 : index
    %get3A_5 = arith.constant 0 : index
    %get3A_6 = arith.constant 0 : index
    %get3A_7 = vector.load %arg1[%get3A_4, %get3A_5, %get3A_6] : memref<2x2000x128xf32, #tpu.memory_space<vmem>>, vector<1x2000x128xf32>
    %get3A_8 = vector.shape_cast %get3A_7 : vector<1x2000x128xf32> to vector<2000x128xf32>
    %concatenate3A = tpu.concatenate %get3A_3, %get3A_8 in 1 : vector<2000x128xf32>, vector<2000x128xf32> -> vector<2000x256xf32>
    %get3A_9 = arith.constant 0 : index
    %get3A_10 = arith.constant 0 : index
    %get3A_11 = arith.constant 0 : index
    %get3A_12 = vector.load %arg2[%get3A_9, %get3A_10, %get3A_11] : memref<2x2000x128xf32, #tpu.memory_space<vmem>>, vector<1x2000x128xf32>
    %get3A_13 = vector.shape_cast %get3A_12 : vector<1x2000x128xf32> to vector<2000x128xf32>
    %get3A_14 = arith.constant 1 : index
    %get3A_15 = arith.constant 0 : index
    %get3A_16 = arith.constant 0 : index
    %get3A_17 = vector.load %arg2[%get3A_14, %get3A_15, %get3A_16] : memref<2x2000x128xf32, #tpu.memory_space<vmem>>, vector<1x2000x128xf32>
    %get3A_18 = vector.shape_cast %get3A_17 : vector<1x2000x128xf32> to vector<2000x128xf32>
    %concatenate3A_19 = tpu.concatenate %get3A_13, %get3A_18 in 1 : vector<2000x128xf32>, vector<2000x128xf32> -> vector<2000x256xf32>
    %get3A_20 = arith.constant 0 : index
    %get3A_21 = arith.constant 0 : index
    %get3A_22 = vector.load %arg4[%get3A_20, %get3A_21] : memref<2000x1xf32, #tpu.memory_space<vmem>>, vector<2000x1xf32>
    %mul3A = vector.broadcast %get3A_22 : vector<2000x1xf32> to vector<2000x256xf32>
    %mul3A_23 = arith.mulf %concatenate3A_19, %mul3A : vector<2000x256xf32>
    %add3A = arith.addf %concatenate3A, %mul3A_23 : vector<2000x256xf32>
    %get3A_24 = arith.constant 0 : index
    %get3A_25 = arith.constant 0 : index
    %get3A_26 = vector.load %arg3[%get3A_24, %get3A_25] : memref<2000x256xf32, #tpu.memory_space<vmem>>, vector<2000x256xf32>
    %add3A_27 = arith.addf %add3A, %get3A_26 : vector<2000x256xf32>
    %get3A_28 = arith.constant 0 : index
    %get3A_29 = arith.constant 0 : index
    %get3A_30 = vector.load %arg5[%get3A_28, %get3A_29] : memref<1x256xf32, #tpu.memory_space<vmem>>, vector<1x256xf32>
    %add3A_31 = vector.broadcast %get3A_30 : vector<1x256xf32> to vector<2000x256xf32>
    %add3A_32 = arith.addf %add3A_27, %add3A_31 : vector<2000x256xf32>
    %max3A = arith.constant 0.000000e+00 : f32
    %max3A_33 = vector.broadcast %max3A : f32 to vector<2000x256xf32>
    %max3A_34 = arith.maximumf %add3A_32, %max3A_33 : vector<2000x256xf32>
    %slice3A = vector.extract_strided_slice %max3A_34 {offsets = [0, 0], sizes = [2000, 128], strides = [1, 1]} : vector<2000x256xf32> to vector<2000x128xf32>
    %swap3A = arith.constant 0 : index
    %swap3A_35 = arith.constant 0 : index
    %swap3A_36 = arith.constant 0 : index
    %swap3A_37 = vector.load %arg6[%swap3A, %swap3A_35, %swap3A_36] : memref<2x2000x128xf32, #tpu.memory_space<vmem>>, vector<1x2000x128xf32>
    %swap3A_38 = vector.shape_cast %swap3A_37 : vector<1x2000x128xf32> to vector<2000x128xf32>
    %swap3A_39 = vector.shape_cast %slice3A : vector<2000x128xf32> to vector<1x2000x128xf32>
    tpu.vector_store %arg6[%swap3A, %swap3A_35, %swap3A_36], %swap3A_39 {strides = array<i32>} : memref<2x2000x128xf32, #tpu.memory_space<vmem>>, vector<1x2000x128xf32>,
    %slice3A_40 = vector.extract_strided_slice %max3A_34 {offsets = [0, 128], sizes = [2000, 128], strides = [1, 1]} : vector<2000x256xf32> to vector<2000x128xf32>
    %swap3A_41 = arith.constant 1 : index
    %swap3A_42 = arith.constant 0 : index
    %swap3A_43 = arith.constant 0 : index
    %swap3A_44 = vector.load %arg6[%swap3A_41, %swap3A_42, %swap3A_43] : memref<2x2000x128xf32, #tpu.memory_space<vmem>>, vector<1x2000x128xf32>
    %swap3A_45 = vector.shape_cast %swap3A_44 : vector<1x2000x128xf32> to vector<2000x128xf32>
    %swap3A_46 = vector.shape_cast %slice3A_40 : vector<2000x128xf32> to vector<1x2000x128xf32>
    tpu.vector_store %arg6[%swap3A_41, %swap3A_42, %swap3A_43], %swap3A_46 {strides = array<i32>} : memref<2x2000x128xf32, #tpu.memory_space<vmem>>, vector<1x2000x128xf32>,
    %reduce_sum3A = arith.constant dense<0.000000e+00> : vector<256xf32>
    %reduce_sum3A_47 = vector.multi_reduction <add>, %max3A_34, %reduce_sum3A [0] : vector<2000x256xf32> to vector<256xf32>
    %mul3A_48 = arith.mulf %max3A_34, %max3A_34 : vector<2000x256xf32>
    %reduce_sum3A_49 = arith.constant dense<0.000000e+00> : vector<256xf32>
    %reduce_sum3A_50 = vector.multi_reduction <add>, %mul3A_48, %reduce_sum3A_49 [0] : vector<2000x256xf32> to vector<256xf32>
    %stack3A = vector.shape_cast %reduce_sum3A_47 : vector<256xf32> to vector<1x256xf32>
    %stack3A_51 = vector.shape_cast %reduce_sum3A_50 : vector<256xf32> to vector<1x256xf32>
    %stack3A_52 = tpu.concatenate %stack3A, %stack3A_51 in 0 : vector<1x256xf32>, vector<1x256xf32> -> vector<2x256xf32>
    %eq3A = arith.constant 0 : i32
    %eq3A_53 = arith.cmpi eq, %arg0, %eq3A : i32
    %convert_element_type3A = arith.extui %eq3A_53 : i1 to i32
    %cond3A = arith.constant 0 : i32
    %cond3A_54 = arith.cmpi ne, %convert_element_type3A, %cond3A : i32
    scf.if %cond3A_54 {
      %swap3A_59 = arith.constant 0 : index
      %swap3A_60 = arith.constant 0 : index
      %swap3A_61 = vector.load %arg7[%swap3A_59, %swap3A_60] : memref<2x256xf32, #tpu.memory_space<vmem>>, vector<2x256xf32>
      tpu.vector_store %arg7[%swap3A_59, %swap3A_60], %stack3A_52 {strides = array<i32>} : memref<2x256xf32, #tpu.memory_space<vmem>>, vector<2x256xf32>,
    } else {
    }
    %gt3A = arith.constant 0 : i32
    %gt3A_55 = arith.cmpi sgt, %arg0, %gt3A : i32
    %convert_element_type3A_56 = arith.extui %gt3A_55 : i1 to i32
    %cond3A_57 = arith.constant 0 : i32
    %cond3A_58 = arith.cmpi ne, %convert_element_type3A_56, %cond3A_57 : i32
    scf.if %cond3A_58 {
      %get3A_59 = arith.constant 0 : index
      %get3A_60 = arith.constant 0 : index
      %get3A_61 = vector.load %arg7[%get3A_59, %get3A_60] : memref<2x256xf32, #tpu.memory_space<vmem>>, vector<2x256xf32>
      %add3A_62 = arith.addf %get3A_61, %stack3A_52 : vector<2x256xf32>
      %swap3A_63 = arith.constant 0 : index
      %swap3A_64 = arith.constant 0 : index
      %swap3A_65 = vector.load %arg7[%swap3A_63, %swap3A_64] : memref<2x256xf32, #tpu.memory_space<vmem>>, vector<2x256xf32>
      tpu.vector_store %arg7[%swap3A_63, %swap3A_64], %add3A_62 {strides = array<i32>} : memref<2x256xf32, #tpu.memory_space<vmem>>, vector<2x256xf32>,
    } else {
    }
    return
  }
  func.func @transform_0(%arg0: i32) -> (i32, i32, i32) {
    %c0_i32 = arith.constant 0 : i32
    %c0_i32_0 = arith.constant 0 : i32
    %c0_i32_1 = arith.constant 0 : i32
    return %c0_i32, %arg0, %c0_i32_0 : i32, i32, i32
  }
  func.func @transform_1(%arg0: i32) -> (i32, i32, i32) {
    %c0_i32 = arith.constant 0 : i32
    %c0_i32_0 = arith.constant 0 : i32
    %c0_i32_1 = arith.constant 0 : i32
    return %c0_i32, %arg0, %c0_i32_0 : i32, i32, i32
  }
  func.func @transform_2(%arg0: i32) -> (i32, i32) {
    %c0_i32 = arith.constant 0 : i32
    %c0_i32_0 = arith.constant 0 : i32
    return %arg0, %c0_i32 : i32, i32
  }
  func.func @transform_3(%arg0: i32) -> (i32, i32) {
    %c0_i32 = arith.constant 0 : i32
    %c0_i32_0 = arith.constant 0 : i32
    return %arg0, %c0_i32 : i32, i32
  }
  func.func @transform_4(%arg0: i32) -> (i32, i32) {
    %c0_i32 = arith.constant 0 : i32
    %c0_i32_0 = arith.constant 0 : i32
    %c0_i32_1 = arith.constant 0 : i32
    return %c0_i32, %c0_i32_0 : i32, i32
  }
  func.func @transform_5(%arg0: i32) -> (i32, i32, i32) {
    %c0_i32 = arith.constant 0 : i32
    %c0_i32_0 = arith.constant 0 : i32
    %c0_i32_1 = arith.constant 0 : i32
    return %c0_i32, %arg0, %c0_i32_0 : i32, i32, i32
  }
  func.func @transform_6(%arg0: i32) -> (i32, i32) {
    %c0_i32 = arith.constant 0 : i32
    %c0_i32_0 = arith.constant 0 : i32
    %c0_i32_1 = arith.constant 0 : i32
    return %c0_i32, %c0_i32_0 : i32, i32
  }
}

module attributes {stable_mosaic.version = 14 : i64} {
  func.func @_apply_mm_body(%arg0: i32, %arg1: memref<2x2000x128xf32, #tpu.memory_space<vmem>>, %arg2: memref<2x256xf32, #tpu.memory_space<vmem>>, %arg3: memref<1x256xf32, #tpu.memory_space<vmem>>, %arg4: memref<1x256xf32, #tpu.memory_space<vmem>>, %arg5: memref<256x256xf32, #tpu.memory_space<vmem>>, %arg6: memref<2x2000x128xf32, #tpu.memory_space<vmem>>) attributes {dimension_semantics = [#tpu.dimension_semantics<arbitrary>], iteration_bounds = array<i64: 5>, scalar_prefetch = 0 : i64, scratch_operands = 0 : i64, tpu.core_type = #tpu.core_type<tc>, window_params = [{transform_indices = @transform_0, window_bounds = array<i64: 2, 2000, 128>}, {pipeline_mode = #tpu.pipeline_mode<synchronous>, transform_indices = @transform_1, window_bounds = array<i64: 2, 256>}, {pipeline_mode = #tpu.pipeline_mode<synchronous>, transform_indices = @transform_2, window_bounds = array<i64: 1, 256>}, {pipeline_mode = #tpu.pipeline_mode<synchronous>, transform_indices = @transform_3, window_bounds = array<i64: 1, 256>}, {pipeline_mode = #tpu.pipeline_mode<synchronous>, transform_indices = @transform_4, window_bounds = array<i64: 256, 256>}, {transform_indices = @transform_5, window_bounds = array<i64: 2, 2000, 128>}]} {
    %get3A = arith.constant 0 : index
    %get3A_0 = arith.constant 0 : index
    %get3A_1 = arith.constant 0 : index
    %get3A_2 = vector.load %arg1[%get3A, %get3A_0, %get3A_1] : memref<2x2000x128xf32, #tpu.memory_space<vmem>>, vector<1x2000x128xf32>
    %get3A_3 = vector.shape_cast %get3A_2 : vector<1x2000x128xf32> to vector<2000x128xf32>
    %get3A_4 = arith.constant 1 : index
    %get3A_5 = arith.constant 0 : index
    %get3A_6 = arith.constant 0 : index
    %get3A_7 = vector.load %arg1[%get3A_4, %get3A_5, %get3A_6] : memref<2x2000x128xf32, #tpu.memory_space<vmem>>, vector<1x2000x128xf32>
    %get3A_8 = vector.shape_cast %get3A_7 : vector<1x2000x128xf32> to vector<2000x128xf32>
    %concatenate3A = tpu.concatenate %get3A_3, %get3A_8 in 1 : vector<2000x128xf32>, vector<2000x128xf32> -> vector<2000x256xf32>
    %get3A_9 = arith.constant 0 : index
    %get3A_10 = arith.constant 0 : index
    %get3A_11 = vector.load %arg2[%get3A_9, %get3A_10] : memref<2x256xf32, #tpu.memory_space<vmem>>, vector<1x256xf32>
    %mul3A = arith.constant 9.99999974E-5 : f32
    %mul3A_12 = vector.broadcast %mul3A : f32 to vector<1x256xf32>
    %mul3A_13 = arith.mulf %get3A_11, %mul3A_12 : vector<1x256xf32>
    %get3A_14 = arith.constant 1 : index
    %get3A_15 = arith.constant 0 : index
    %get3A_16 = vector.load %arg2[%get3A_14, %get3A_15] : memref<2x256xf32, #tpu.memory_space<vmem>>, vector<1x256xf32>
    %mul3A_17 = arith.constant 9.99999974E-5 : f32
    %mul3A_18 = vector.broadcast %mul3A_17 : f32 to vector<1x256xf32>
    %mul3A_19 = arith.mulf %get3A_16, %mul3A_18 : vector<1x256xf32>
    %mul3A_20 = arith.mulf %mul3A_13, %mul3A_13 : vector<1x256xf32>
    %sub3A = arith.subf %mul3A_19, %mul3A_20 : vector<1x256xf32>
    %add3A = arith.constant 9.99999974E-6 : f32
    %add3A_21 = vector.broadcast %add3A : f32 to vector<1x256xf32>
    %add3A_22 = arith.addf %sub3A, %add3A_21 : vector<1x256xf32>
    %rsqrt3A = math.rsqrt %add3A_22 : vector<1x256xf32>
    %sub3A_23 = vector.broadcast %mul3A_13 : vector<1x256xf32> to vector<2000x256xf32>
    %sub3A_24 = arith.subf %concatenate3A, %sub3A_23 : vector<2000x256xf32>
    %mul3A_25 = vector.broadcast %rsqrt3A : vector<1x256xf32> to vector<2000x256xf32>
    %mul3A_26 = arith.mulf %sub3A_24, %mul3A_25 : vector<2000x256xf32>
    %get3A_27 = arith.constant 0 : index
    %get3A_28 = arith.constant 0 : index
    %get3A_29 = vector.load %arg3[%get3A_27, %get3A_28] : memref<1x256xf32, #tpu.memory_space<vmem>>, vector<1x256xf32>
    %mul3A_30 = vector.broadcast %get3A_29 : vector<1x256xf32> to vector<2000x256xf32>
    %mul3A_31 = arith.mulf %mul3A_26, %mul3A_30 : vector<2000x256xf32>
    %get3A_32 = arith.constant 0 : index
    %get3A_33 = arith.constant 0 : index
    %get3A_34 = vector.load %arg4[%get3A_32, %get3A_33] : memref<1x256xf32, #tpu.memory_space<vmem>>, vector<1x256xf32>
    %add3A_35 = vector.broadcast %get3A_34 : vector<1x256xf32> to vector<2000x256xf32>
    %add3A_36 = arith.addf %mul3A_31, %add3A_35 : vector<2000x256xf32>
    %get3A_37 = arith.constant 0 : index
    %get3A_38 = arith.constant 0 : index
    %get3A_39 = vector.load %arg5[%get3A_37, %get3A_38] : memref<256x256xf32, #tpu.memory_space<vmem>>, vector<256x256xf32>
    %dot_general3A = arith.constant dense<0.000000e+00> : vector<2000x256xf32>
    %dot_general3A_40 = tpu.matmul %add3A_36, %get3A_39, %dot_general3A {dimension_numbers = #tpu.dot_dimension_numbers<[1], [0], [0], [1], [0, 0, 1, 1], [], []>, transpose_lhs_hint = false} : vector<2000x256xf32>, vector<256x256xf32>, vector<2000x256xf32> -> vector<2000x256xf32>
    %slice3A = vector.extract_strided_slice %dot_general3A_40 {offsets = [0, 0], sizes = [2000, 128], strides = [1, 1]} : vector<2000x256xf32> to vector<2000x128xf32>
    %swap3A = arith.constant 0 : index
    %swap3A_41 = arith.constant 0 : index
    %swap3A_42 = arith.constant 0 : index
    %swap3A_43 = vector.load %arg6[%swap3A, %swap3A_41, %swap3A_42] : memref<2x2000x128xf32, #tpu.memory_space<vmem>>, vector<1x2000x128xf32>
    %swap3A_44 = vector.shape_cast %swap3A_43 : vector<1x2000x128xf32> to vector<2000x128xf32>
    %swap3A_45 = vector.shape_cast %slice3A : vector<2000x128xf32> to vector<1x2000x128xf32>
    tpu.vector_store %arg6[%swap3A, %swap3A_41, %swap3A_42], %swap3A_45 {strides = array<i32>} : memref<2x2000x128xf32, #tpu.memory_space<vmem>>, vector<1x2000x128xf32>,
    %slice3A_46 = vector.extract_strided_slice %dot_general3A_40 {offsets = [0, 128], sizes = [2000, 128], strides = [1, 1]} : vector<2000x256xf32> to vector<2000x128xf32>
    %swap3A_47 = arith.constant 1 : index
    %swap3A_48 = arith.constant 0 : index
    %swap3A_49 = arith.constant 0 : index
    %swap3A_50 = vector.load %arg6[%swap3A_47, %swap3A_48, %swap3A_49] : memref<2x2000x128xf32, #tpu.memory_space<vmem>>, vector<1x2000x128xf32>
    %swap3A_51 = vector.shape_cast %swap3A_50 : vector<1x2000x128xf32> to vector<2000x128xf32>
    %swap3A_52 = vector.shape_cast %slice3A_46 : vector<2000x128xf32> to vector<1x2000x128xf32>
    tpu.vector_store %arg6[%swap3A_47, %swap3A_48, %swap3A_49], %swap3A_52 {strides = array<i32>} : memref<2x2000x128xf32, #tpu.memory_space<vmem>>, vector<1x2000x128xf32>,
    return
  }
  func.func @transform_0(%arg0: i32) -> (i32, i32, i32) {
    %c0_i32 = arith.constant 0 : i32
    %c0_i32_0 = arith.constant 0 : i32
    %c0_i32_1 = arith.constant 0 : i32
    return %c0_i32, %arg0, %c0_i32_0 : i32, i32, i32
  }
  func.func @transform_1(%arg0: i32) -> (i32, i32) {
    %c0_i32 = arith.constant 0 : i32
    %c0_i32_0 = arith.constant 0 : i32
    %c0_i32_1 = arith.constant 0 : i32
    return %c0_i32, %c0_i32_0 : i32, i32
  }
  func.func @transform_2(%arg0: i32) -> (i32, i32) {
    %c0_i32 = arith.constant 0 : i32
    %c0_i32_0 = arith.constant 0 : i32
    %c0_i32_1 = arith.constant 0 : i32
    return %c0_i32, %c0_i32_0 : i32, i32
  }
  func.func @transform_3(%arg0: i32) -> (i32, i32) {
    %c0_i32 = arith.constant 0 : i32
    %c0_i32_0 = arith.constant 0 : i32
    %c0_i32_1 = arith.constant 0 : i32
    return %c0_i32, %c0_i32_0 : i32, i32
  }
  func.func @transform_4(%arg0: i32) -> (i32, i32) {
    %c0_i32 = arith.constant 0 : i32
    %c0_i32_0 = arith.constant 0 : i32
    %c0_i32_1 = arith.constant 0 : i32
    return %c0_i32, %c0_i32_0 : i32, i32
  }
  func.func @transform_5(%arg0: i32) -> (i32, i32, i32) {
    %c0_i32 = arith.constant 0 : i32
    %c0_i32_0 = arith.constant 0 : i32
    %c0_i32_1 = arith.constant 0 : i32
    return %c0_i32, %arg0, %c0_i32_0 : i32, i32, i32
  }
}

module attributes {stable_mosaic.version = 14 : i64} {
  func.func @body(%arg0: i32, %arg1: memref<2x2000x128xf32, #tpu.memory_space<vmem>>, %arg2: memref<2x2000x128xf32, #tpu.memory_space<vmem>>, %arg3: memref<2000x256xf32, #tpu.memory_space<vmem>>, %arg4: memref<2000x1xf32, #tpu.memory_space<vmem>>, %arg5: memref<1x256xf32, #tpu.memory_space<vmem>>, %arg6: memref<2x2000x128xf32, #tpu.memory_space<vmem>>, %arg7: memref<2x256xf32, #tpu.memory_space<vmem>>) attributes {dimension_semantics = [#tpu.dimension_semantics<arbitrary>], iteration_bounds = array<i64: 5>, scalar_prefetch = 0 : i64, scratch_operands = 0 : i64, tpu.core_type = #tpu.core_type<tc>, window_params = [{transform_indices = @transform_0, window_bounds = array<i64: 2, 2000, 128>}, {transform_indices = @transform_1, window_bounds = array<i64: 2, 2000, 128>}, {transform_indices = @transform_2, window_bounds = array<i64: 2000, 256>}, {transform_indices = @transform_3, window_bounds = array<i64: 2000, 1>}, {pipeline_mode = #tpu.pipeline_mode<synchronous>, transform_indices = @transform_4, window_bounds = array<i64: 1, 256>}, {transform_indices = @transform_5, window_bounds = array<i64: 2, 2000, 128>}, {pipeline_mode = #tpu.pipeline_mode<synchronous>, transform_indices = @transform_6, window_bounds = array<i64: 2, 256>}]} {
    %get3A = arith.constant 0 : index
    %get3A_0 = arith.constant 0 : index
    %get3A_1 = arith.constant 0 : index
    %get3A_2 = vector.load %arg1[%get3A, %get3A_0, %get3A_1] : memref<2x2000x128xf32, #tpu.memory_space<vmem>>, vector<1x2000x128xf32>
    %get3A_3 = vector.shape_cast %get3A_2 : vector<1x2000x128xf32> to vector<2000x128xf32>
    %get3A_4 = arith.constant 1 : index
    %get3A_5 = arith.constant 0 : index
    %get3A_6 = arith.constant 0 : index
    %get3A_7 = vector.load %arg1[%get3A_4, %get3A_5, %get3A_6] : memref<2x2000x128xf32, #tpu.memory_space<vmem>>, vector<1x2000x128xf32>
    %get3A_8 = vector.shape_cast %get3A_7 : vector<1x2000x128xf32> to vector<2000x128xf32>
    %concatenate3A = tpu.concatenate %get3A_3, %get3A_8 in 1 : vector<2000x128xf32>, vector<2000x128xf32> -> vector<2000x256xf32>
    %get3A_9 = arith.constant 0 : index
    %get3A_10 = arith.constant 0 : index
    %get3A_11 = arith.constant 0 : index
    %get3A_12 = vector.load %arg2[%get3A_9, %get3A_10, %get3A_11] : memref<2x2000x128xf32, #tpu.memory_space<vmem>>, vector<1x2000x128xf32>
    %get3A_13 = vector.shape_cast %get3A_12 : vector<1x2000x128xf32> to vector<2000x128xf32>
    %get3A_14 = arith.constant 1 : index
    %get3A_15 = arith.constant 0 : index
    %get3A_16 = arith.constant 0 : index
    %get3A_17 = vector.load %arg2[%get3A_14, %get3A_15, %get3A_16] : memref<2x2000x128xf32, #tpu.memory_space<vmem>>, vector<1x2000x128xf32>
    %get3A_18 = vector.shape_cast %get3A_17 : vector<1x2000x128xf32> to vector<2000x128xf32>
    %concatenate3A_19 = tpu.concatenate %get3A_13, %get3A_18 in 1 : vector<2000x128xf32>, vector<2000x128xf32> -> vector<2000x256xf32>
    %get3A_20 = arith.constant 0 : index
    %get3A_21 = arith.constant 0 : index
    %get3A_22 = vector.load %arg4[%get3A_20, %get3A_21] : memref<2000x1xf32, #tpu.memory_space<vmem>>, vector<2000x1xf32>
    %mul3A = vector.broadcast %get3A_22 : vector<2000x1xf32> to vector<2000x256xf32>
    %mul3A_23 = arith.mulf %concatenate3A_19, %mul3A : vector<2000x256xf32>
    %add3A = arith.addf %concatenate3A, %mul3A_23 : vector<2000x256xf32>
    %get3A_24 = arith.constant 0 : index
    %get3A_25 = arith.constant 0 : index
    %get3A_26 = vector.load %arg3[%get3A_24, %get3A_25] : memref<2000x256xf32, #tpu.memory_space<vmem>>, vector<2000x256xf32>
    %add3A_27 = arith.addf %add3A, %get3A_26 : vector<2000x256xf32>
    %get3A_28 = arith.constant 0 : index
    %get3A_29 = arith.constant 0 : index
    %get3A_30 = vector.load %arg5[%get3A_28, %get3A_29] : memref<1x256xf32, #tpu.memory_space<vmem>>, vector<1x256xf32>
    %add3A_31 = vector.broadcast %get3A_30 : vector<1x256xf32> to vector<2000x256xf32>
    %add3A_32 = arith.addf %add3A_27, %add3A_31 : vector<2000x256xf32>
    %slice3A = vector.extract_strided_slice %add3A_32 {offsets = [0, 0], sizes = [2000, 128], strides = [1, 1]} : vector<2000x256xf32> to vector<2000x128xf32>
    %swap3A = arith.constant 0 : index
    %swap3A_33 = arith.constant 0 : index
    %swap3A_34 = arith.constant 0 : index
    %swap3A_35 = vector.load %arg6[%swap3A, %swap3A_33, %swap3A_34] : memref<2x2000x128xf32, #tpu.memory_space<vmem>>, vector<1x2000x128xf32>
    %swap3A_36 = vector.shape_cast %swap3A_35 : vector<1x2000x128xf32> to vector<2000x128xf32>
    %swap3A_37 = vector.shape_cast %slice3A : vector<2000x128xf32> to vector<1x2000x128xf32>
    tpu.vector_store %arg6[%swap3A, %swap3A_33, %swap3A_34], %swap3A_37 {strides = array<i32>} : memref<2x2000x128xf32, #tpu.memory_space<vmem>>, vector<1x2000x128xf32>,
    %slice3A_38 = vector.extract_strided_slice %add3A_32 {offsets = [0, 128], sizes = [2000, 128], strides = [1, 1]} : vector<2000x256xf32> to vector<2000x128xf32>
    %swap3A_39 = arith.constant 1 : index
    %swap3A_40 = arith.constant 0 : index
    %swap3A_41 = arith.constant 0 : index
    %swap3A_42 = vector.load %arg6[%swap3A_39, %swap3A_40, %swap3A_41] : memref<2x2000x128xf32, #tpu.memory_space<vmem>>, vector<1x2000x128xf32>
    %swap3A_43 = vector.shape_cast %swap3A_42 : vector<1x2000x128xf32> to vector<2000x128xf32>
    %swap3A_44 = vector.shape_cast %slice3A_38 : vector<2000x128xf32> to vector<1x2000x128xf32>
    tpu.vector_store %arg6[%swap3A_39, %swap3A_40, %swap3A_41], %swap3A_44 {strides = array<i32>} : memref<2x2000x128xf32, #tpu.memory_space<vmem>>, vector<1x2000x128xf32>,
    %reduce_sum3A = arith.constant dense<0.000000e+00> : vector<256xf32>
    %reduce_sum3A_45 = vector.multi_reduction <add>, %add3A_32, %reduce_sum3A [0] : vector<2000x256xf32> to vector<256xf32>
    %mul3A_46 = arith.mulf %add3A_32, %add3A_32 : vector<2000x256xf32>
    %reduce_sum3A_47 = arith.constant dense<0.000000e+00> : vector<256xf32>
    %reduce_sum3A_48 = vector.multi_reduction <add>, %mul3A_46, %reduce_sum3A_47 [0] : vector<2000x256xf32> to vector<256xf32>
    %stack3A = vector.shape_cast %reduce_sum3A_45 : vector<256xf32> to vector<1x256xf32>
    %stack3A_49 = vector.shape_cast %reduce_sum3A_48 : vector<256xf32> to vector<1x256xf32>
    %stack3A_50 = tpu.concatenate %stack3A, %stack3A_49 in 0 : vector<1x256xf32>, vector<1x256xf32> -> vector<2x256xf32>
    %eq3A = arith.constant 0 : i32
    %eq3A_51 = arith.cmpi eq, %arg0, %eq3A : i32
    %convert_element_type3A = arith.extui %eq3A_51 : i1 to i32
    %cond3A = arith.constant 0 : i32
    %cond3A_52 = arith.cmpi ne, %convert_element_type3A, %cond3A : i32
    scf.if %cond3A_52 {
      %swap3A_57 = arith.constant 0 : index
      %swap3A_58 = arith.constant 0 : index
      %swap3A_59 = vector.load %arg7[%swap3A_57, %swap3A_58] : memref<2x256xf32, #tpu.memory_space<vmem>>, vector<2x256xf32>
      tpu.vector_store %arg7[%swap3A_57, %swap3A_58], %stack3A_50 {strides = array<i32>} : memref<2x256xf32, #tpu.memory_space<vmem>>, vector<2x256xf32>,
    } else {
    }
    %gt3A = arith.constant 0 : i32
    %gt3A_53 = arith.cmpi sgt, %arg0, %gt3A : i32
    %convert_element_type3A_54 = arith.extui %gt3A_53 : i1 to i32
    %cond3A_55 = arith.constant 0 : i32
    %cond3A_56 = arith.cmpi ne, %convert_element_type3A_54, %cond3A_55 : i32
    scf.if %cond3A_56 {
      %get3A_57 = arith.constant 0 : index
      %get3A_58 = arith.constant 0 : index
      %get3A_59 = vector.load %arg7[%get3A_57, %get3A_58] : memref<2x256xf32, #tpu.memory_space<vmem>>, vector<2x256xf32>
      %add3A_60 = arith.addf %get3A_59, %stack3A_50 : vector<2x256xf32>
      %swap3A_61 = arith.constant 0 : index
      %swap3A_62 = arith.constant 0 : index
      %swap3A_63 = vector.load %arg7[%swap3A_61, %swap3A_62] : memref<2x256xf32, #tpu.memory_space<vmem>>, vector<2x256xf32>
      tpu.vector_store %arg7[%swap3A_61, %swap3A_62], %add3A_60 {strides = array<i32>} : memref<2x256xf32, #tpu.memory_space<vmem>>, vector<2x256xf32>,
    } else {
    }
    return
  }
  func.func @transform_0(%arg0: i32) -> (i32, i32, i32) {
    %c0_i32 = arith.constant 0 : i32
    %c0_i32_0 = arith.constant 0 : i32
    %c0_i32_1 = arith.constant 0 : i32
    return %c0_i32, %arg0, %c0_i32_0 : i32, i32, i32
  }
  func.func @transform_1(%arg0: i32) -> (i32, i32, i32) {
    %c0_i32 = arith.constant 0 : i32
    %c0_i32_0 = arith.constant 0 : i32
    %c0_i32_1 = arith.constant 0 : i32
    return %c0_i32, %arg0, %c0_i32_0 : i32, i32, i32
  }
  func.func @transform_2(%arg0: i32) -> (i32, i32) {
    %c0_i32 = arith.constant 0 : i32
    %c0_i32_0 = arith.constant 0 : i32
    return %arg0, %c0_i32 : i32, i32
  }
  func.func @transform_3(%arg0: i32) -> (i32, i32) {
    %c0_i32 = arith.constant 0 : i32
    %c0_i32_0 = arith.constant 0 : i32
    return %arg0, %c0_i32 : i32, i32
  }
  func.func @transform_4(%arg0: i32) -> (i32, i32) {
    %c0_i32 = arith.constant 0 : i32
    %c0_i32_0 = arith.constant 0 : i32
    %c0_i32_1 = arith.constant 0 : i32
    return %c0_i32, %c0_i32_0 : i32, i32
  }
  func.func @transform_5(%arg0: i32) -> (i32, i32, i32) {
    %c0_i32 = arith.constant 0 : i32
    %c0_i32_0 = arith.constant 0 : i32
    %c0_i32_1 = arith.constant 0 : i32
    return %c0_i32, %arg0, %c0_i32_0 : i32, i32, i32
  }
  func.func @transform_6(%arg0: i32) -> (i32, i32) {
    %c0_i32 = arith.constant 0 : i32
    %c0_i32_0 = arith.constant 0 : i32
    %c0_i32_1 = arith.constant 0 : i32
    return %c0_i32, %c0_i32_0 : i32, i32
  }
}

module attributes {stable_mosaic.version = 14 : i64} {
  func.func @_apply_fin_body(%arg0: i32, %arg1: memref<2x2000x128xf32, #tpu.memory_space<vmem>>, %arg2: memref<2x256xf32, #tpu.memory_space<vmem>>, %arg3: memref<1x256xf32, #tpu.memory_space<vmem>>, %arg4: memref<1x256xf32, #tpu.memory_space<vmem>>, %arg5: memref<2000x256xf32, #tpu.memory_space<vmem>>) attributes {dimension_semantics = [#tpu.dimension_semantics<arbitrary>], iteration_bounds = array<i64: 5>, scalar_prefetch = 0 : i64, scratch_operands = 0 : i64, tpu.core_type = #tpu.core_type<tc>, window_params = [{transform_indices = @transform_0, window_bounds = array<i64: 2, 2000, 128>}, {pipeline_mode = #tpu.pipeline_mode<synchronous>, transform_indices = @transform_1, window_bounds = array<i64: 2, 256>}, {pipeline_mode = #tpu.pipeline_mode<synchronous>, transform_indices = @transform_2, window_bounds = array<i64: 1, 256>}, {pipeline_mode = #tpu.pipeline_mode<synchronous>, transform_indices = @transform_3, window_bounds = array<i64: 1, 256>}, {transform_indices = @transform_4, window_bounds = array<i64: 2000, 256>}]} {
    %get3A = arith.constant 0 : index
    %get3A_0 = arith.constant 0 : index
    %get3A_1 = arith.constant 0 : index
    %get3A_2 = vector.load %arg1[%get3A, %get3A_0, %get3A_1] : memref<2x2000x128xf32, #tpu.memory_space<vmem>>, vector<1x2000x128xf32>
    %get3A_3 = vector.shape_cast %get3A_2 : vector<1x2000x128xf32> to vector<2000x128xf32>
    %get3A_4 = arith.constant 1 : index
    %get3A_5 = arith.constant 0 : index
    %get3A_6 = arith.constant 0 : index
    %get3A_7 = vector.load %arg1[%get3A_4, %get3A_5, %get3A_6] : memref<2x2000x128xf32, #tpu.memory_space<vmem>>, vector<1x2000x128xf32>
    %get3A_8 = vector.shape_cast %get3A_7 : vector<1x2000x128xf32> to vector<2000x128xf32>
    %concatenate3A = tpu.concatenate %get3A_3, %get3A_8 in 1 : vector<2000x128xf32>, vector<2000x128xf32> -> vector<2000x256xf32>
    %get3A_9 = arith.constant 0 : index
    %get3A_10 = arith.constant 0 : index
    %get3A_11 = vector.load %arg2[%get3A_9, %get3A_10] : memref<2x256xf32, #tpu.memory_space<vmem>>, vector<1x256xf32>
    %mul3A = arith.constant 9.99999974E-5 : f32
    %mul3A_12 = vector.broadcast %mul3A : f32 to vector<1x256xf32>
    %mul3A_13 = arith.mulf %get3A_11, %mul3A_12 : vector<1x256xf32>
    %get3A_14 = arith.constant 1 : index
    %get3A_15 = arith.constant 0 : index
    %get3A_16 = vector.load %arg2[%get3A_14, %get3A_15] : memref<2x256xf32, #tpu.memory_space<vmem>>, vector<1x256xf32>
    %mul3A_17 = arith.constant 9.99999974E-5 : f32
    %mul3A_18 = vector.broadcast %mul3A_17 : f32 to vector<1x256xf32>
    %mul3A_19 = arith.mulf %get3A_16, %mul3A_18 : vector<1x256xf32>
    %mul3A_20 = arith.mulf %mul3A_13, %mul3A_13 : vector<1x256xf32>
    %sub3A = arith.subf %mul3A_19, %mul3A_20 : vector<1x256xf32>
    %add3A = arith.constant 9.99999974E-6 : f32
    %add3A_21 = vector.broadcast %add3A : f32 to vector<1x256xf32>
    %add3A_22 = arith.addf %sub3A, %add3A_21 : vector<1x256xf32>
    %rsqrt3A = math.rsqrt %add3A_22 : vector<1x256xf32>
    %sub3A_23 = vector.broadcast %mul3A_13 : vector<1x256xf32> to vector<2000x256xf32>
    %sub3A_24 = arith.subf %concatenate3A, %sub3A_23 : vector<2000x256xf32>
    %mul3A_25 = vector.broadcast %rsqrt3A : vector<1x256xf32> to vector<2000x256xf32>
    %mul3A_26 = arith.mulf %sub3A_24, %mul3A_25 : vector<2000x256xf32>
    %get3A_27 = arith.constant 0 : index
    %get3A_28 = arith.constant 0 : index
    %get3A_29 = vector.load %arg3[%get3A_27, %get3A_28] : memref<1x256xf32, #tpu.memory_space<vmem>>, vector<1x256xf32>
    %mul3A_30 = vector.broadcast %get3A_29 : vector<1x256xf32> to vector<2000x256xf32>
    %mul3A_31 = arith.mulf %mul3A_26, %mul3A_30 : vector<2000x256xf32>
    %get3A_32 = arith.constant 0 : index
    %get3A_33 = arith.constant 0 : index
    %get3A_34 = vector.load %arg4[%get3A_32, %get3A_33] : memref<1x256xf32, #tpu.memory_space<vmem>>, vector<1x256xf32>
    %add3A_35 = vector.broadcast %get3A_34 : vector<1x256xf32> to vector<2000x256xf32>
    %add3A_36 = arith.addf %mul3A_31, %add3A_35 : vector<2000x256xf32>
    %swap3A = arith.constant 0 : index
    %swap3A_37 = arith.constant 0 : index
    %swap3A_38 = vector.load %arg5[%swap3A, %swap3A_37] : memref<2000x256xf32, #tpu.memory_space<vmem>>, vector<2000x256xf32>
    tpu.vector_store %arg5[%swap3A, %swap3A_37], %add3A_36 {strides = array<i32>} : memref<2000x256xf32, #tpu.memory_space<vmem>>, vector<2000x256xf32>,
    return
  }
  func.func @transform_0(%arg0: i32) -> (i32, i32, i32) {
    %c0_i32 = arith.constant 0 : i32
    %c0_i32_0 = arith.constant 0 : i32
    %c0_i32_1 = arith.constant 0 : i32
    return %c0_i32, %arg0, %c0_i32_0 : i32, i32, i32
  }
  func.func @transform_1(%arg0: i32) -> (i32, i32) {
    %c0_i32 = arith.constant 0 : i32
    %c0_i32_0 = arith.constant 0 : i32
    %c0_i32_1 = arith.constant 0 : i32
    return %c0_i32, %c0_i32_0 : i32, i32
  }
  func.func @transform_2(%arg0: i32) -> (i32, i32) {
    %c0_i32 = arith.constant 0 : i32
    %c0_i32_0 = arith.constant 0 : i32
    %c0_i32_1 = arith.constant 0 : i32
    return %c0_i32, %c0_i32_0 : i32, i32
  }
  func.func @transform_3(%arg0: i32) -> (i32, i32) {
    %c0_i32 = arith.constant 0 : i32
    %c0_i32_0 = arith.constant 0 : i32
    %c0_i32_1 = arith.constant 0 : i32
    return %c0_i32, %c0_i32_0 : i32, i32
  }
  func.func @transform_4(%arg0: i32) -> (i32, i32) {
    %c0_i32 = arith.constant 0 : i32
    %c0_i32_0 = arith.constant 0 : i32
    return %arg0, %c0_i32 : i32, i32
  }
}

</mosaic_0001>

<sc_bundles>
// kernel: kernel.13.cloned.1.call-start
scs
__scs_entry_jumppad:
0x0: {  	(pc) =	sbr.rel $0x88, $3  }
0x1: {  	(tag) =	ssettag $0x0;
	lr =	simm.s32 $0x1  }
0x2: {  	[smem:$0x3F92] =	sst lr;
	_ =	strace $0xD0000000  }
0x3: {  	_ = 	snop  }
0x4: {  	_ = 	snop  }
0x5: {  	_ = 	snop  }
0x6: {  	_ = 	snop  }
0x7: {  	_ = 	snop  }
__scs_overlays_trampoline_lowered:
0x8: {  	[smem:$0x3FA1] =	sst s0  }
0x9: {  	[smem:$0x3FA2] =	sst s1  }
0xa: {  	[smem:$0x3FA3] =	sst s2  }
0xb: {  	[smem:$0x3FA4] =	sst s3  }
0xc: {  	[smem:$0x3FA5] =	sst s4  }
0xd: {  	[smem:$0x3FA6] =	sst s5  }
0xe: {  	[smem:$0x3FA7] =	sst s6  }
0xf: {  	[smem:$0x3FA8] =	sst s7  }
0x10: {  	[smem:$0x3FA9] =	sst s8  }
0x11: {  	[smem:$0x3FAA] =	sst s9;
	s0 =	simm.s32 @!p0 $0x0  }
0x12: {  	s1 =	sld [smem:$0x3F90];
	s0 =	simm.s32 @p0 $0x1  }
0x13: {  	[smem:$0x3FAB] =	sst s0;
	s0 =	simm.s32 @!p1 $0x0  }
0x14: {  	s2 =	sld [smem:$0x3F8F];
	s0 =	simm.s32 @p1 $0x1  }
0x15: {  	[smem:$0x3FAC] =	sst s0;
	s0 =	simm.s32 @!p2 $0x0  }
0x16: {  	s3 =	sld [smem:$0x3FDB];
	s0 =	simm.s32 @p2 $0x1  }
0x17: {  	s4 =	simm.s32 $0x1BF5;
	[smem:$0x3FAE] =	sst s0  }
0x18: {  	s0 =	sld [smem:$0x3F91];
	_ =	swait.ge [sflag:s4], $0x0  }
0x19: {  	s7 =	sld [smem:$0x3F92]  }
0x1a: {  	s8 =	sadd.s32 $0xFFFFE003, lr  }
0x1b: {  	s9 =	sadd.s32 $0xFFFFFEF7, lr;
	s5 =	simm.s32 $0xFFFFFFFF;
	p2 =	slt.u32 s8, $0xFFFFF086  }
0x1c: {  	p1 =	slt.u32 s9, $0xF7A;
	s5 =	simm.s32 @!p2 $0x0  }
0x1d: {  	s5 =	simm.s32 @p1 $0x1;
	p0 =	seq.s32 s7, s2  }
0x1e: {  	s7 =	smul.u32 @!p0 $0xF7A, s2;
	p2 =	seq.s32 @!p0 s5, $0x0  }
0x1f: {  	s9 =	smul.u32 $0xF7A, s1;
	s8 =	simm.s32 @!p0 $0x1BF5;
	p2 =	por !p2, p0  }
0x20: {  	[sflag:s8] =	ssyncset.s32 @!p0 $0xFFFFF086;
	s6 =	sadd.s32 @!p0 s3, s7;
	s7 =	simm.s32 @!p0 $0x108  }
0x21: {  	s3 =	sadd.s32 s3, s9;
	s6 =	sadd.s32 @!p0 $0x88, s6;
	s7 =	simm.s32 @p2 $0x1082  }
0x22: {  	[simem:s7], [sflag:s8] =	dma.local @!p0 [hbm:s6], $0xF7A  }
0x23: {  	s9 =	sor.u32 $0xD0000000, s2;
	s6 =	simm.s32 $0x108;
	_ =	swait.ge @!p0 [sflag:s8], $0x0  }
0x24: {  	s3 =	sadd.s32 $0x88, s3;
	s6 =	simm.s32 @!p1 $0x1082;
	[sflag:s4] =	ssyncset.s32 $0xFFFFF086  }
0x25: {  	[simem:s6], [sflag:s4] =	dma.local [hbm:s3], $0xF7A  }
0x26: {  	[smem:$0x3F92] =	sst s1;
	(tag) =	ssettag s2;
	_ =	strace s9  }
0x27: {  	s1 =	sld [smem:$0x3FA2]  }
0x28: {  	s2 =	sld [smem:$0x3FA3]  }
0x29: {  	s4 =	sld [smem:$0x3FA5]  }
0x2a: {  	p0 =	seq.s32 s5, $0x0;
	s5 =	sld [smem:$0x3FA6]  }
0x2b: {  	s6 =	sld [smem:$0x3FA7]  }
0x2c: {  	s7 =	sld [smem:$0x3FA8]  }
0x2d: {  	s3 =	simm.s32 $0x108;
	s8 =	sld [smem:$0x3FA9]  }
0x2e: {  	s3 =	simm.s32 @!p0 $0x1082;
	s9 =	sld [smem:$0x3FAA]  }
0x2f: {  	lr =	sadd.s32 s0, s3;
	s0 =	sld [smem:$0x3FA1]  }
0x30: {  	s3 =	sld [smem:$0x3FA4]  }
0x31: {  	[smem:$0x3FAD] =	sst s10  }
0x32: {  	s10 =	sld [smem:$0x3FAB];
	_ =	sdelay $0x3  }
0x33: {  	p0 =	seq.s32 s10, $0x1;
	s10 =	sld [smem:$0x3FAD];
	_ =	sdelay $0x3  }
0x34: {  	[smem:$0x3FAD] =	sst s10  }
0x35: {  	s10 =	sld [smem:$0x3FAC];
	_ =	sdelay $0x3  }
0x36: {  	p1 =	seq.s32 s10, $0x1;
	s10 =	sld [smem:$0x3FAD];
	_ =	sdelay $0x3  }
0x37: {  	[smem:$0x3FAD] =	sst s10  }
0x38: {  	s10 =	sld [smem:$0x3FAE]  }
0x39: {  	_ = 	snop;
	(pc) =	sbr.ind lr, $3  }
0x3a: {  	_ = 	snop  }
0x3b: {  	_ = 	snop  }
0x3c: {  	p2 =	seq.s32 s10, $0x1;
	s10 =	sld [smem:$0x3FAD]  }
0x3d: {  	_ =	shalt  }
0x3e: {  	_ =	shalt  }
0x3f: {  	_ =	shalt  }
0x40: {  	_ =	shalt  }
0x41: {  	_ =	shalt  }
0x42: {  	_ =	shalt  }
0x43: {  	_ =	shalt  }
0x44: {  	_ =	shalt  }
0x45: {  	_ =	shalt  }
0x46: {  	_ =	shalt  }
0x47: {  	_ =	shalt  }
0x48: {  	_ =	shalt  }
0x49: {  	_ =	shalt  }
0x4a: {  	_ =	shalt  }
0x4b: {  	_ =	shalt  }
0x4c: {  	_ =	shalt  }
0x4d: {  	_ =	shalt  }
0x4e: {  	_ =	shalt  }
0x4f: {  	_ =	shalt  }
0x50: {  	_ =	shalt  }
0x51: {  	_ =	shalt  }
0x52: {  	_ =	shalt  }
0x53: {  	_ =	shalt  }
0x54: {  	_ =	shalt  }
0x55: {  	_ =	shalt  }
0x56: {  	_ =	shalt  }
0x57: {  	_ =	shalt  }
0x58: {  	_ =	shalt  }
0x59: {  	_ =	shalt  }
0x5a: {  	_ =	shalt  }
0x5b: {  	_ =	shalt  }
0x5c: {  	_ =	shalt  }
0x5d: {  	_ =	shalt  }
0x5e: {  	_ =	shalt  }
0x5f: {  	_ =	shalt  }
0x60: {  	_ =	shalt  }
0x61: {  	_ =	shalt  }
0x62: {  	_ =	shalt  }
0x63: {  	_ =	shalt  }
0x64: {  	_ =	shalt  }
0x65: {  	_ =	shalt  }
0x66: {  	_ =	shalt  }
0x67: {  	_ =	shalt  }
0x68: {  	_ =	shalt  }
0x69: {  	_ =	shalt  }
0x6a: {  	_ =	shalt  }
0x6b: {  	_ =	shalt  }
0x6c: {  	_ =	shalt  }
0x6d: {  	_ =	shalt  }
0x6e: {  	_ =	shalt  }
0x6f: {  	_ =	shalt  }
0x70: {  	_ =	shalt  }
0x71: {  	_ =	shalt  }
0x72: {  	_ =	shalt  }
0x73: {  	_ =	shalt  }
0x74: {  	_ =	shalt  }
0x75: {  	_ =	shalt  }
0x76: {  	_ =	shalt  }
0x77: {  	_ =	shalt  }
0x78: {  	_ =	shalt  }
0x79: {  	_ =	shalt  }
0x7a: {  	_ =	shalt  }
0x7b: {  	_ =	shalt  }
0x7c: {  	_ =	shalt  }
0x7d: {  	_ =	shalt  }
0x7e: {  	_ =	shalt  }
0x7f: {  	_ =	shalt  }
0x80: {  	_ =	shalt  }
0x81: {  	_ =	shalt  }
0x82: {  	_ =	shalt  }
0x83: {  	_ =	shalt  }
0x84: {  	_ =	shalt  }
0x85: {  	_ =	shalt  }
0x86: {  	_ =	shalt  }
0x87: {  	_ =	shalt  }
.Lfunc_end0:
.L_simem_size_0:
called_computation_lowered:
.L_overlay_start_0:
0x88: {  	s2 =	sld [smem:$0x3FD9]  }
0x89: {  	s3 =	sld [smem:$0x3FFE];
	_ =	sdelay $0x1  }
0x8a: {  	s1 =	srdreg.scid  }
0x8b: {  	s0 =	sand.u32 $0x1, s1  }
0x8c: {  	s16 =	sshll.u32 s0, $0xA;
	s2 =	sadd.s32 s3, s2  }
0x8d: {  	s2 =	sadd.s32 s2, s16  }
0x8e: {  	[smem:$0x3FB9] =	sst s2  }
0x8f: {  	_ = 	snop  }
0x90: {  	(tm) =	ssettm $0x1  }
0x91: {  	s17 =	sld [smem:$0x3FFB];
	_ =	sdelay $0x3  }
0x92: {  	_ =	strace s17  }
0x93: {  	s2 =	sld [smem:$0x3FFC];
	_ =	sdelay $0x3  }
0x94: {  	_ =	strace s2  }
0x95: {  	s2 =	sld [smem:$0x3FFD];
	_ =	sdelay $0x3  }
0x96: {  	_ =	strace s2  }
0x97: {  	_ =	strace $0x8FFFFFFF  }
0x98: {  	s18 =	sld [smem:$0x3FDB];
	_ =	sdelay $0x1  }
0x99: {  	s19 =	simm.s32 $_scs_section_size  }
0x9a: {  	s4 =	simm.s32 $_size__tile_overlayer_lowered;
	s5 =	simm.s32 $_tile_overlayer_lowered  }
0x9b: {  	s22 =	simm.s32 $0x1BFF;
	s21 =	sshll.u32 s5, $0x1;
	s2 =	sadd.s32 s19, s18  }
0x9c: {  	s6 =	simm.s32 $0x0;
	s20 =	sshll.u32 s4, $0x1;
	s4 =	sadd.s32 s21, s2  }
0x9d: {  	[timem:s6], [sflag:s22] =	dma.local [hbm:s4], s20  }
0x9e: {  	_ =	swait.ge [sflag:s22], s20  }
0x9f: {  	s3 =	ssub.s32 $0x0, s20;
	[sflag:s22] =	ssyncset.done $0x0  }
0xa0: {  	[sflag:s22] =	ssyncadd.s32 s3;
	_ =	sdelay $0x1  }
0xa1: {  	s23 =	simm.s32 $0x1B8B  }
0xa2: {  	_ =	swait.ge [sflag:s23], $0x1  }
0xa3: {  	[sflag:s23] =	ssyncset.done $0x0  }
0xa4: {  	s25 =	simm.s32 $0x1B8E;
	s24 =	sld [smem:$0x3FFE];
	[sflag:s23] =	ssyncadd.s32 $0xFFFFFFFF  }
0xa5: {  	s26 =	simm.s32 $execute0_lowered;
	[smem:$0x3FD2] =	sst s25  }
0xa6: {  	s4 =	sshll.u32 s26, $0x1;
	_ =	strace $0x80000046;
	[dreg:$0x1] =	wrdreg $0xFFFFFFFF  }
0xa7: {  	s28 =	simm.s32 $_size_execute0_lowered;
	s2 =	sadd.s32 s2, s4;
	[dreg:$0x0] =	wrdreg $0x0  }
0xa8: {  	s4 =	sshll.u32 s28, $0x1;
	[dreg:$0x2] =	wrdreg s2  }
0xa9: {  	[dreg:$0x3] =	wrdreg s4  }
0xaa: {  	[dreg:$0x4] =	wrdreg $0xC0  }
0xab: {  	_ =	task [dreg:s6], $0x5FFFF  }
0xac: {  	[dreg:$0x1] =	wrdreg $0xFFFFFFFF  }
0xad: {  	[dreg:$0x0] =	wrdreg $0x60  }
0xae: {  	[dreg:$0x2] =	wrdreg s24  }
0xaf: {  	[dreg:$0x3] =	wrdreg $0x4A800  }
0xb0: {  	[dreg:$0x4] =	wrdreg $0x9  }
0xb1: {  	_ =	task.clear_ibuf [dreg:s6], $0x5FFFF;
	_ =	strace $0x90000046  }
0xb2: {  	s29 =	simm.s32 $0x9;
	_ =	strace $0x80000048  }
0xb3: {  	_ =	swait.ge [sflag:s29], $0x1  }
0xb4: {  	[sflag:s29] =	ssyncadd.s32 $0xFFFFFFFF  }
0xb5: {  	_ =	strace $0x90000048  }
0xb6: {  	_ =	sfence  }
0xb7: {  	s30 =	sld [smem:$0x0];
	_ =	sdelay $0x2  }
0xb8: {  	s31 =	sshll.u32 s1, $0xD;
	s1 =	sshrl.u32 s1, $0x2  }
0xb9: {  	s3 =	sand.u32 $0x4000, s31;
	s1 =	sadd.s32 s1, s30  }
0xba: {  	s0 =	sor.u32 s3, s0;
	s1 =	sshll.u32 s1, $0x11  }
0xbb: {  	s0 =	sor.u32 s1, s0  }
0xbc: {  	s0 =	sadd.s32 $0x8F2B, s0  }
0xbd: {  	[sflag:s0] =	ssyncadd.remote.s32 $0x1  }
0xbe: {  	_ =	sfence.sel $0xFFFF  }
0xbf: {  	[dreg:$0x0] =	wrdreg $0xFFFFFFFF;
	(pc) =	sbr.abs _section_cstart, $3  }
0xc0: {  	[dreg:$0x1] =	wrdreg $0xFFFFFFFF  }
0xc1: {  	_ =	task.clear_ibuf [dreg:s6], $0x2FFFF;
	_ =	strace $0x9FFFFFFF  }
0xc2: {  	(tm) =	ssettm $0x7FFFFFFF  }
0xc3: {  	_ =	shalt  }
tec
execute0_lowered:
.L_overlay_start_1:
0x0: {  	(tag) =	ssettag $0x1  }
0x1: {  	s0 =	rddreg [dreg:$0x0]  }
0x2: {  	s1 =	rddreg [dreg:$0x1];
	s3 =	simm.s32 $0x0;
	s12 =	stileid.u32  }
0x3: {  	s2 =	srdreg.scid;
	s28 =	simm.s32 $0x1280;
	s29 =	simm.s32 $0x3A80  }
0x4: {  	s30 =	simm.s32 $0x3E80;
	s31 =	simm.s32 $0x4280;
	[smem:$0x7FF] =	sst s3  }
0x5: {  	s4 =	sadd.s32 $0x9200, s0;
	s5 =	smul.u32 $0x280, s12;
	s6 =	sadd.s32 $0xE200, s0  }
0x6: {  	s7 =	sadd.s32 $0x13200, s0;
	s2 =	sand.u32 $0x1, s2;
	s8 =	sadd.s32 $0x18800, s0  }
0x7: {  	s11 =	smul.u32 $0x2710, s12;
	s17 =	sshll.u32 s12, $0x1;
	_ =	strace $0x80000047  }
0x8: {  	s10 =	ssub.s32 $0x2, s2;
	s18 =	sor.u32 s2, s17;
	p0 =	sne.s32 s2, $0x0  }
0x9: {  	s2 =	simm.s32 $0x0;
	s9 =	sshrl.u32 s5, $0x3;
	s15 =	sshrl.u32 s10, $0x1  }
0xa: {  	s16 =	sadd.s32 s5, s1;
	s19 =	sshrl.u32 s11, $0x3;
	s11 =	smul.u32 $0x1400, s18  }
0xb: {  	s0 =	sadd.s32 s9, s0;
	s9 =	ssub.s32 s10, s15;
	[dreg:$0x3] =	wrdreg s16  }
0xc: {  	s21 =	sadd.s32 s6, s19;
	s22 =	sadd.s32 s7, s19;
	s23 =	sadd.s32 $0xFA, s19  }
0xd: {  	s24 =	sadd.s32 $0x1F4, s19;
	s25 =	sadd.s32 $0x2EE, s19;
	s26 =	sadd.s32 $0x3E8, s19  }
0xe: {  	s0 =	sadd.s32 $0x18200, s0;
	s20 =	smax.u32 s9, $0x1;
	[dreg:$0x6] =	wrdreg s21  }
0xf: {  	[dreg:$0x7] =	wrdreg s22;
	s15 =	sadd.s32 s6, s23;
	s16 =	sadd.s32 s7, s23  }
0x10: {  	s17 =	sadd.s32 s6, s24;
	s18 =	sadd.s32 s7, s24;
	s19 =	sadd.s32 s6, s25  }
0x11: {  	s21 =	sadd.s32 s6, s26;
	s22 =	sadd.s32 s7, s26;
	[dreg:$0x4] =	wrdreg s0  }
0x12: {  	s24 =	simm.s32 $0x1;
	s26 =	simm.s32 $0x7D0;
	[dreg:$0x5] =	wrdreg s20  }
0x13: {  	v0 =	vimm.f32 $1.000000000e+00;
	s20 =	sadd.s32 s7, s25;
	s25 =	simm.s32 $0x800;
	s0 =	simm.s32 $0x4680  }
.LBB2_1:
0x14: {  	[tilespmem:$0x1000] =	vst v0  }
0x15: {  	[tilespmem:$0x1010] =	vst v0  }
0x16: {  	[tilespmem:$0x1020] =	vst v0  }
0x17: {  	[tilespmem:$0x1030] =	vst v0  }
0x18: {  	[tilespmem:$0x1040] =	vst v0  }
0x19: {  	[tilespmem:$0x1050] =	vst v0  }
0x1a: {  	[tilespmem:$0x1060] =	vst v0  }
0x1b: {  	[tilespmem:$0x1070] =	vst v0  }
0x1c: {  	[tilespmem:$0x1080] =	vst v0  }
0x1d: {  	[tilespmem:$0x1090] =	vst v0  }
0x1e: {  	[tilespmem:$0x10A0] =	vst v0  }
0x1f: {  	[tilespmem:$0x10B0] =	vst v0  }
0x20: {  	[tilespmem:$0x10C0] =	vst v0  }
0x21: {  	[tilespmem:$0x10D0] =	vst v0  }
0x22: {  	[tilespmem:$0x10E0] =	vst v0  }
0x23: {  	[tilespmem:$0x10F0] =	vst v0  }
0x24: {  	[tilespmem:$0x1100] =	vst v0  }
0x25: {  	[tilespmem:$0x1110] =	vst v0  }
0x26: {  	[tilespmem:$0x1120] =	vst v0  }
0x27: {  	[tilespmem:$0x1130] =	vst v0  }
0x28: {  	[tilespmem:$0x1140] =	vst v0  }
0x29: {  	[tilespmem:$0x1150] =	vst v0  }
0x2a: {  	[tilespmem:$0x1160] =	vst v0  }
0x2b: {  	[tilespmem:$0x1170] =	vst v0  }
0x2c: {  	[tilespmem:$0x1180] =	vst v0  }
0x2d: {  	[tilespmem:$0x1190] =	vst v0  }
0x2e: {  	[tilespmem:$0x11A0] =	vst v0  }
0x2f: {  	[tilespmem:$0x11B0] =	vst v0  }
0x30: {  	[tilespmem:$0x11C0] =	vst v0  }
0x31: {  	[tilespmem:$0x11D0] =	vst v0  }
0x32: {  	[tilespmem:$0x11E0] =	vst v0  }
0x33: {  	[tilespmem:$0x11F0] =	vst v0  }
0x34: {  	[tilespmem:$0x1200] =	vst v0  }
0x35: {  	[tilespmem:$0x1210] =	vst v0  }
0x36: {  	[tilespmem:$0x1220] =	vst v0  }
0x37: {  	[tilespmem:$0x1230] =	vst v0  }
0x38: {  	[tilespmem:$0x1240] =	vst v0  }
0x39: {  	[tilespmem:$0x1250] =	vst v0  }
0x3a: {  	[tilespmem:$0x1260] =	vst v0  }
0x3b: {  	[tilespmem:$0x1270] =	vst v0;
	s9 =	rddreg [dreg:$0x3];
	s10 =	simm.s32 $0x1000  }
0x3c: {  	[spmem:s9] =	stream.linear.scatter [tilespmem:s10], [sflag:$0x1], $0x280, $0x38;
	[tilespmem:$0x4D00] =	vst v63  }
0x3d: {  	_ =	swait.ge [sflag:s24], $0x280  }
0x3e: {  	[sflag:s24] =	ssyncset.done $0x0  }
0x3f: {  	[sflag:s24] =	ssyncadd.s32 $0xFFFFFD80  }
0x40: {  	[bflag:$0x0] =	sbarrier.arrive $0xFFFF  }
0x41: {  	s14 =	rddreg [dreg:$0x6]  }
0x42: {  	[tilespmem:s3], [sflag:$0x1] =	stream.linear.gather [hbm4b:s14+s3], $0x7D0, $0x38;
	[tilespmem:$0x4D00] =	vst v63  }
0x43: {  	_ =	swait.ge [sflag:s24], $0x7D0  }
0x44: {  	[sflag:s24] =	ssyncset.done $0x0  }
0x45: {  	s23 =	rddreg [dreg:$0x7];
	[sflag:s24] =	ssyncadd.s32 $0xFFFFF830  }
0x46: {  	[tilespmem:s25], [sflag:$0x1] =	stream.linear.gather [hbm4b:s23+s3], $0x7D0, $0x38;
	[tilespmem:$0x4D00] =	vst v63  }
0x47: {  	_ =	swait.ge [sflag:s24], $0x7D0  }
0x48: {  	[sflag:s24] =	ssyncset.done $0x0  }
0x49: {  	[sflag:s24] =	ssyncadd.s32 $0xFFFFF830  }
0x4a: {  	[spmem:s1] =	stream.indirect.scatter.add.f32 [tilespmem:s25], [sflag:$0x1], $0x1, s3, s26, $0xb8;
	[tilespmem:$0x4D00] =	vst v63  }
0x4b: {  	_ =	swait.ge [sflag:s24], $0x7D0  }
0x4c: {  	[sflag:s24] =	ssyncset.done $0x0  }
0x4d: {  	[sflag:s24] =	ssyncadd.s32 $0xFFFFF830  }
0x4e: {  	[tilespmem:s3], [sflag:$0x1] =	stream.linear.gather [hbm4b:s15+s3], $0x7D0, $0x38;
	[tilespmem:$0x4D00] =	vst v63  }
0x4f: {  	_ =	swait.ge [sflag:s24], $0x7D0  }
0x50: {  	[sflag:s24] =	ssyncset.done $0x0  }
0x51: {  	[sflag:s24] =	ssyncadd.s32 $0xFFFFF830  }
0x52: {  	[tilespmem:s25], [sflag:$0x1] =	stream.linear.gather [hbm4b:s16+s3], $0x7D0, $0x38;
	[tilespmem:$0x4D00] =	vst v63  }
0x53: {  	_ =	swait.ge [sflag:s24], $0x7D0  }
0x54: {  	[sflag:s24] =	ssyncset.done $0x0  }
0x55: {  	[sflag:s24] =	ssyncadd.s32 $0xFFFFF830  }
0x56: {  	[spmem:s1] =	stream.indirect.scatter.add.f32 [tilespmem:s25], [sflag:$0x1], $0x1, s3, s26, $0xb8;
	[tilespmem:$0x4D00] =	vst v63  }
0x57: {  	_ =	swait.ge [sflag:s24], $0x7D0  }
0x58: {  	[sflag:s24] =	ssyncset.done $0x0  }
0x59: {  	[sflag:s24] =	ssyncadd.s32 $0xFFFFF830  }
0x5a: {  	[tilespmem:s3], [sflag:$0x1] =	stream.linear.gather [hbm4b:s17+s3], $0x7D0, $0x38;
	[tilespmem:$0x4D00] =	vst v63  }
0x5b: {  	_ =	swait.ge [sflag:s24], $0x7D0  }
0x5c: {  	[sflag:s24] =	ssyncset.done $0x0  }
0x5d: {  	[sflag:s24] =	ssyncadd.s32 $0xFFFFF830  }
0x5e: {  	[tilespmem:s25], [sflag:$0x1] =	stream.linear.gather [hbm4b:s18+s3], $0x7D0, $0x38;
	[tilespmem:$0x4D00] =	vst v63  }
0x5f: {  	_ =	swait.ge [sflag:s24], $0x7D0  }
0x60: {  	[sflag:s24] =	ssyncset.done $0x0  }
0x61: {  	[sflag:s24] =	ssyncadd.s32 $0xFFFFF830  }
0x62: {  	[spmem:s1] =	stream.indirect.scatter.add.f32 [tilespmem:s25], [sflag:$0x1], $0x1, s3, s26, $0xb8;
	[tilespmem:$0x4D00] =	vst v63  }
0x63: {  	_ =	swait.ge [sflag:s24], $0x7D0  }
0x64: {  	[sflag:s24] =	ssyncset.done $0x0  }
0x65: {  	[sflag:s24] =	ssyncadd.s32 $0xFFFFF830  }
0x66: {  	[tilespmem:s3], [sflag:$0x1] =	stream.linear.gather [hbm4b:s19+s3], $0x7D0, $0x38;
	[tilespmem:$0x4D00] =	vst v63  }
0x67: {  	_ =	swait.ge [sflag:s24], $0x7D0  }
0x68: {  	[sflag:s24] =	ssyncset.done $0x0  }
0x69: {  	[sflag:s24] =	ssyncadd.s32 $0xFFFFF830  }
0x6a: {  	[tilespmem:s25], [sflag:$0x1] =	stream.linear.gather [hbm4b:s20+s3], $0x7D0, $0x38;
	[tilespmem:$0x4D00] =	vst v63  }
0x6b: {  	_ =	swait.ge [sflag:s24], $0x7D0  }
0x6c: {  	[sflag:s24] =	ssyncset.done $0x0  }
0x6d: {  	[sflag:s24] =	ssyncadd.s32 $0xFFFFF830  }
0x6e: {  	[spmem:s1] =	stream.indirect.scatter.add.f32 [tilespmem:s25], [sflag:$0x1], $0x1, s3, s26, $0xb8;
	[tilespmem:$0x4D00] =	vst v63  }
0x6f: {  	_ =	swait.ge [sflag:s24], $0x7D0  }
0x70: {  	[sflag:s24] =	ssyncset.done $0x0  }
0x71: {  	[sflag:s24] =	ssyncadd.s32 $0xFFFFF830  }
0x72: {  	[tilespmem:s3], [sflag:$0x1] =	stream.linear.gather [hbm4b:s21+s3], $0x7D0, $0x38;
	[tilespmem:$0x4D00] =	vst v63  }
0x73: {  	_ =	swait.ge [sflag:s24], $0x7D0  }
0x74: {  	[sflag:s24] =	ssyncset.done $0x0  }
0x75: {  	[sflag:s24] =	ssyncadd.s32 $0xFFFFF830  }
0x76: {  	[tilespmem:s25], [sflag:$0x1] =	stream.linear.gather [hbm4b:s22+s3], $0x7D0, $0x38;
	[tilespmem:$0x4D00] =	vst v63  }
0x77: {  	_ =	swait.ge [sflag:s24], $0x7D0  }
0x78: {  	[sflag:s24] =	ssyncset.done $0x0  }
0x79: {  	[sflag:s24] =	ssyncadd.s32 $0xFFFFF830  }
0x7a: {  	[spmem:s1] =	stream.indirect.scatter.add.f32 [tilespmem:s25], [sflag:$0x1], $0x1, s3, s26, $0xb8;
	[tilespmem:$0x4D00] =	vst v63  }
0x7b: {  	_ =	swait.ge [sflag:s24], $0x7D0  }
0x7c: {  	[sflag:s24] =	ssyncset.done $0x0  }
0x7d: {  	[sflag:s24] =	ssyncadd.s32 $0xFFFFF830  }
0x7e: {  	[bflag:$0x0] =	sbarrier.arrive $0xFFFF  }
0x7f: {  	[tilespmem:s28], [sflag:$0x1] =	stream.linear.gather [spmem:s1], $0x2800, $0x38;
	[tilespmem:$0x4D00] =	vst v63  }
0x80: {  	_ =	swait.ge [sflag:s24], $0x2800  }
0x81: {  	[sflag:s24] =	ssyncset.done $0x0  }
0x82: {  	s10 =	simm.s32 $0x0;
	s9 =	simm.s32 $0x40;
	[sflag:s24] =	ssyncadd.s32 $0xFFFFD800  }
.LBB2_2:
0x83: {  	p1 =	sne.s32 s9, $0x9FC0;
	v1 =	vld [tilespmem:s10+$0x1280];
	_ =	sdelay $0x4  }
0x84: {  	v2 =	vshrl.u32 v1, $0x1;
	v1 =	vmul.f32 $5.000000000e-01, v1  }
0x85: {  	v2 =	vsub.s32 $0x5F3759DF, v2  }
0x86: {  	v3 =	vmul.f32 v2, v1;
	_ =	sdelay $0x1  }
0x87: {  	v3 =	vmul.f32 v2, v3;
	_ =	sdelay $0x1  }
0x88: {  	v3 =	vsub.f32 $1.500000000e+00, v3;
	_ =	sdelay $0x1  }
0x89: {  	v2 =	vmul.f32 v2, v3;
	_ =	sdelay $0x1  }
0x8a: {  	v3 =	vmul.f32 v2, v1;
	_ =	sdelay $0x1  }
0x8b: {  	v3 =	vmul.f32 v3, v2;
	_ =	sdelay $0x1  }
0x8c: {  	v3 =	vsub.f32 $1.500000000e+00, v3;
	_ =	sdelay $0x1  }
0x8d: {  	v2 =	vmul.f32 v3, v2;
	_ =	sdelay $0x1  }
0x8e: {  	v1 =	vmul.f32 v2, v1;
	_ =	sdelay $0x1  }
0x8f: {  	v1 =	vmul.f32 v1, v2;
	_ =	sdelay $0x1  }
.Ltmp0:
0x90: {  	v1 =	vsub.f32 $1.500000000e+00, v1;
	(pc) =	sbr.rel @p1 .LBB2_2-.Ltmp0, $3  }
0x91: {  	_ = 	snop  }
0x92: {  	v1 =	vmul.f32 v1, v2;
	_ =	sdelay $0x1  }
0x93: {  	[tilespmem:s10+$0x1280] =	vst v1;
	s10 =	sshra.s32 s9, $0x2;
	s9 =	sadd.s32 $0x40, s9  }
0x94: {  	v1 =	vld [tilespmem:s10+$0x1280];
	_ =	sdelay $0x4  }
0x95: {  	v2 =	vshrl.u32 v1, $0x1;
	v1 =	vmul.f32 $5.000000000e-01, v1  }
0x96: {  	v2 =	vsub.s32 $0x5F3759DF, v2  }
0x97: {  	v3 =	vmul.f32 v2, v1;
	_ =	sdelay $0x1  }
0x98: {  	v3 =	vmul.f32 v2, v3;
	_ =	sdelay $0x1  }
0x99: {  	v3 =	vsub.f32 $1.500000000e+00, v3;
	_ =	sdelay $0x1  }
0x9a: {  	v2 =	vmul.f32 v2, v3;
	_ =	sdelay $0x1  }
0x9b: {  	v3 =	vmul.f32 v2, v1;
	_ =	sdelay $0x1  }
0x9c: {  	v3 =	vmul.f32 v3, v2;
	_ =	sdelay $0x1  }
0x9d: {  	v3 =	vsub.f32 $1.500000000e+00, v3;
	_ =	sdelay $0x1  }
0x9e: {  	v2 =	vmul.f32 v3, v2;
	_ =	sdelay $0x1  }
0x9f: {  	v1 =	vmul.f32 v2, v1;
	_ =	sdelay $0x1  }
0xa0: {  	v1 =	vmul.f32 v1, v2;
	_ =	sdelay $0x1  }
.Ltmp1:
0xa1: {  	v1 =	vsub.f32 $1.500000000e+00, v1;
	(pc) =	sbr.rel @p0 .LBB2_7-.Ltmp1, $3  }
0xa2: {  	_ = 	snop  }
0xa3: {  	v1 =	vmul.f32 v1, v2;
	_ =	sdelay $0x1  }
0xa4: {  	[tilespmem:s10+$0x1280] =	vst v1  }
0xa5: {  	s9 =	simm.s32 $0x0;
	s10 =	sadd.s32 $0x0, s5  }
0xa6: {  	s10 =	sand.u32 $0x7F80, s10;
	s9 =	sand.u32 $0x70, s9  }
0xa7: {  	s9 =	sor.u32 s9, s10  }
0xa8: {  	v1 =	vld [tilespmem:s9+$0x1280];
	_ =	sdelay $0x3  }
0xa9: {  	s13 =	sadd.s32 $0x10, s5  }
0xaa: {  	s12 =	simm.s32 $0x20;
	s10 =	simm.s32 $0x10;
	s9 =	simm.s32 $0x1000;
	v1 =	vmul.f32 v1, v1  }
.LBB2_5:
0xab: {  	p1 =	sne.s32 s12, $0x270;
	s13 =	sand.u32 $0x7F80, s13;
	s10 =	sand.u32 $0x70, s10  }
0xac: {  	s13 =	sor.u32 s10, s13;
	[tilespmem:s9+$0x0] =	vst v1;
	s10 =	smov.u32 s12  }
0xad: {  	v1 =	vld [tilespmem:s13+$0x1280]  }
.Ltmp2:
0xae: {  	(pc) =	sbr.rel @p1 .LBB2_5-.Ltmp2, $2  }
0xaf: {  	_ =	sdelay $0x2  }
0xb0: {  	s12 =	sadd.s32 $0x10, s12;
	s9 =	sadd.s32 $0x10, s9;
	s13 =	sadd.s32 s10, s5;
	v1 =	vmul.f32 v1, v1  }
0xb1: {  	s12 =	sand.u32 $0x7F80, s13;
	s10 =	sand.u32 $0x70, s10  }
0xb2: {  	s10 =	sor.u32 s10, s12;
	[tilespmem:s9+$0x0] =	vst v1  }
0xb3: {  	v1 =	vld [tilespmem:s10+$0x1280];
	_ =	sdelay $0x4  }
0xb4: {  	v1 =	vmul.f32 v1, v1  }
0xb5: {  	s13 =	sadd.s32 $0x10, s9  }
0xb6: {  	s14 =	rddreg [dreg:$0x4];
	s23 =	simm.s32 $0x1000;
	[tilespmem:s13+$0x0] =	vst v1  }
0xb7: {  	[hbm4b:s14+s3] =	stream.linear.scatter [tilespmem:s23], [sflag:$0x1], $0x280, $0x38;
	[tilespmem:$0x4D00] =	vst v63  }
0xb8: {  	_ =	swait.ge [sflag:s24], $0x280  }
0xb9: {  	[sflag:s24] =	ssyncset.done $0x0  }
0xba: {  	[sflag:s24] =	ssyncadd.s32 $0xFFFFFD80  }
.LBB2_7:
0xbb: {  	s10 =	simm.s32 $0x0;
	s23 =	simm.s32 $0x0  }
.LBB2_8:
0xbc: {  	s9 =	sshll.u32 s23, $0xA  }
0xbd: {  	s9 =	sadd.s32 s11, s9  }
0xbe: {  	s9 =	sshrl.u32 s9, $0x3  }
0xbf: {  	s12 =	sadd.s32 s4, s9  }
0xc0: {  	[tilespmem:s29], [sflag:$0x1] =	stream.linear.gather [hbm4b:s12+s10], $0x400, $0x38;
	[tilespmem:$0x4D00] =	vst v63  }
0xc1: {  	_ =	swait.ge [sflag:s24], $0x400  }
0xc2: {  	[sflag:s24] =	ssyncset.done $0x0  }
0xc3: {  	s13 =	sadd.s32 s6, s9;
	[sflag:s24] =	ssyncadd.s32 $0xFFFFFC00  }
0xc4: {  	[tilespmem:s30], [sflag:$0x1] =	stream.linear.gather [hbm4b:s13+s10], $0x400, $0x38;
	[tilespmem:$0x4D00] =	vst v63  }
0xc5: {  	_ =	swait.ge [sflag:s24], $0x400  }
0xc6: {  	[sflag:s24] =	ssyncset.done $0x0  }
0xc7: {  	s14 =	sadd.s32 s7, s9;
	[sflag:s24] =	ssyncadd.s32 $0xFFFFFC00  }
0xc8: {  	[tilespmem:s31], [sflag:$0x1] =	stream.linear.gather [hbm4b:s14+s10], $0x400, $0x38;
	[tilespmem:$0x4D00] =	vst v63  }
0xc9: {  	_ =	swait.ge [sflag:s24], $0x400  }
0xca: {  	[sflag:s24] =	ssyncset.done $0x0  }
0xcb: {  	s12 =	simm.s32 $0x0;
	[sflag:s24] =	ssyncadd.s32 $0xFFFFFC00  }
0xcc: {  	v1 =	vld [tilespmem:s12+$0x3A80]  }
0xcd: {  	v3 =	vld [tilespmem:s12+$0x3E80];
	_ =	sdelay $0x5  }
0xce: {  	v2 =	vld [tilespmem:s12+$0x4280]  }
0xcf: {  	v1 =	vld.idx.msk [tilespmem:v1+s28+$0x0], $0xffff  }
0xd0: {  	s13 =	simm.s32 $0x10;
	s14 =	simm.s32 $0x80;
	v3 =	vld.idx.msk [tilespmem:v3+s28+$0x0], $0xffff  }
.LBB2_9:
0xd1: {  	p1 =	sne.s32 s14, $0xFC0;
	v4 =	vld [tilespmem:s13+$0x3A80];
	_ =	sdelay $0x1  }
0xd2: {  	v5 =	vld [tilespmem:s13+$0x3E80]  }
0xd3: {  	v1 =	vmul.f32 v1, v2;
	_ =	sdelay $0x1  }
0xd4: {  	v1 =	vmul.f32 v3, v1  }
.Ltmp3:
0xd5: {  	(pc) =	sbr.rel @p1 .LBB2_9-.Ltmp3, $4  }
0xd6: {  	[tilespmem:s12+$0x4680] =	vst v1;
	s12 =	smov.u32 s13  }
0xd7: {  	v1 =	vld.idx.msk [tilespmem:v4+s28+$0x0], $0xffff  }
0xd8: {  	v2 =	vld [tilespmem:s12+$0x4280]  }
0xd9: {  	s13 =	sshra.s32 s14, $0x2;
	s14 =	sadd.s32 $0x40, s14;
	v3 =	vld.idx.msk [tilespmem:v5+s28+$0x0], $0xffff  }
0xda: {  	v4 =	vld [tilespmem:s13+$0x3A80];
	_ =	sdelay $0x2  }
0xdb: {  	v5 =	vld [tilespmem:s13+$0x3E80];
	v1 =	vmul.f32 v1, v2;
	_ =	sdelay $0x1  }
0xdc: {  	v1 =	vmul.f32 v3, v1;
	_ =	sdelay $0x1  }
0xdd: {  	[tilespmem:s12+$0x4680] =	vst v1  }
0xde: {  	v1 =	vld.idx.msk [tilespmem:v4+s28+$0x0], $0xffff  }
0xdf: {  	v2 =	vld [tilespmem:s13+$0x4280];
	_ =	sdelay $0x1  }
0xe0: {  	v3 =	vld.idx.msk [tilespmem:v5+s28+$0x0], $0xffff;
	_ =	sdelay $0x2  }
0xe1: {  	v1 =	vmul.f32 v1, v2;
	_ =	sdelay $0x1  }
0xe2: {  	s23 =	sadd.s32 $0x1, s23;
	v1 =	vmul.f32 v3, v1  }
0xe3: {  	p1 =	sne.s32 s23, $0x5  }
.Ltmp4:
0xe4: {  	s9 =	sadd.s32 s8, s9;
	[tilespmem:s13+$0x4680] =	vst v1;
	(pc) =	sbr.rel @p1 .LBB2_8-.Ltmp4, $4  }
0xe5: {  	[hbm4b:s9+s3] =	stream.linear.scatter [tilespmem:s0], [sflag:$0x1], $0x400, $0x38;
	[tilespmem:$0x4D00] =	vst v63  }
0xe6: {  	_ =	swait.ge [sflag:s24], $0x400  }
0xe7: {  	[sflag:s24] =	ssyncset.done $0x0  }
0xe8: {  	[sflag:s24] =	ssyncadd.s32 $0xFFFFFC00  }
0xe9: {  	s2 =	sadd.s32 $0x1, s2;
	s9 =	rddreg [dreg:$0x5]  }
0xea: {  	p1 =	sne.s32 s2, s9  }
.Ltmp5:
0xeb: {  	_ = 	snop;
	(pc) =	sbr.rel @p1 .LBB2_1-.Ltmp5, $1  }
0xec: {  	_ =	sdelay $0x3  }
0xed: {  	_ =	sfence.sel $0x180000  }
0xee: {  	[bflag:$0x0] =	sbarrier.arrive $0xFFFF  }
0xef: {  	_ =	strace $0x90000047  }
0xf0: {  	s0 =	stileid.u32;
	[bflag:$0x2] =	sbarrier.arrive $0xFFFF  }
0xf1: {  	p0 =	sne.s32 s0, $0x0;
	s0 =	rddreg [dreg:$0x2]  }
0xf2: {  	s0 =	sadd.s32 @!p0 $0x100000, s0  }
0xf3: {  	[sflag:s0] =	ssyncadd.tile.s32 @!p0 $0x1;
	_ =	shalt  }
.Lfunc_end2:
_tile_overlayer_lowered:
.L_overlay_start_2:
0xf4: {  	(tag) =	ssettag $0x2  }
0xf5: {  	s0 =	rddreg [dreg:$0x0];
	s2 =	stileid.u32  }
0xf6: {  	s1 =	rddreg [dreg:$0x1];
	p0 =	sne.s32 s2, $0x0  }
0xf7: {  	s3 =	rddreg [dreg:$0x2];
	[bflag:$0x3] =	sbarrier.arrive $0xFFFF;
	s2 =	simm.s32 @!p0 $0x1C01  }
0xf8: {  	[timem:s3], [sflag:s2] =	dma.local @!p0 [hbm:s0], s1  }
0xf9: {  	s0 =	simm.s32 @!p0 $0x1  }
0xfa: {  	_ =	swait.ge @!p0 [sflag:s0], s1  }
0xfb: {  	s1 =	ssub.s32 @!p0 $0x0, s1;
	[sflag:s0] =	ssyncset.done @!p0 $0x0  }
0xfc: {  	[sflag:s0] =	ssyncadd.s32 @!p0 s1  }
0xfd: {  	[bflag:$0x3] =	sbarrier.arrive $0xFFFF  }
0xfe: {  	_ =	shalt  }

// kernel: kernel.16.cloned.1.call-start
scs
__scs_entry_jumppad:
0x0: {  	(pc) =	sbr.rel $0x88, $3  }
0x1: {  	(tag) =	ssettag $0x0;
	lr =	simm.s32 $0x1  }
0x2: {  	[smem:$0x3F92] =	sst lr;
	_ =	strace $0xD0000000  }
0x3: {  	_ = 	snop  }
0x4: {  	_ = 	snop  }
0x5: {  	_ = 	snop  }
0x6: {  	_ = 	snop  }
0x7: {  	_ = 	snop  }
__scs_overlays_trampoline_lowered:
0x8: {  	[smem:$0x3FA1] =	sst s0  }
0x9: {  	[smem:$0x3FA2] =	sst s1  }
0xa: {  	[smem:$0x3FA3] =	sst s2  }
0xb: {  	[smem:$0x3FA4] =	sst s3  }
0xc: {  	[smem:$0x3FA5] =	sst s4  }
0xd: {  	[smem:$0x3FA6] =	sst s5  }
0xe: {  	[smem:$0x3FA7] =	sst s6  }
0xf: {  	[smem:$0x3FA8] =	sst s7  }
0x10: {  	[smem:$0x3FA9] =	sst s8  }
0x11: {  	[smem:$0x3FAA] =	sst s9;
	s0 =	simm.s32 @!p0 $0x0  }
0x12: {  	s1 =	sld [smem:$0x3F90];
	s0 =	simm.s32 @p0 $0x1  }
0x13: {  	[smem:$0x3FAB] =	sst s0;
	s0 =	simm.s32 @!p1 $0x0  }
0x14: {  	s2 =	sld [smem:$0x3F8F];
	s0 =	simm.s32 @p1 $0x1  }
0x15: {  	[smem:$0x3FAC] =	sst s0;
	s0 =	simm.s32 @!p2 $0x0  }
0x16: {  	s3 =	sld [smem:$0x3FDB];
	s0 =	simm.s32 @p2 $0x1  }
0x17: {  	s4 =	simm.s32 $0x1BF5;
	[smem:$0x3FAE] =	sst s0  }
0x18: {  	s0 =	sld [smem:$0x3F91];
	_ =	swait.ge [sflag:s4], $0x0  }
0x19: {  	s7 =	sld [smem:$0x3F92]  }
0x1a: {  	s8 =	sadd.s32 $0xFFFFE003, lr  }
0x1b: {  	s9 =	sadd.s32 $0xFFFFFEF7, lr;
	s5 =	simm.s32 $0xFFFFFFFF;
	p2 =	slt.u32 s8, $0xFFFFF086  }
0x1c: {  	p1 =	slt.u32 s9, $0xF7A;
	s5 =	simm.s32 @!p2 $0x0  }
0x1d: {  	s5 =	simm.s32 @p1 $0x1;
	p0 =	seq.s32 s7, s2  }
0x1e: {  	s7 =	smul.u32 @!p0 $0xF7A, s2;
	p2 =	seq.s32 @!p0 s5, $0x0  }
0x1f: {  	s9 =	smul.u32 $0xF7A, s1;
	s8 =	simm.s32 @!p0 $0x1BF5;
	p2 =	por !p2, p0  }
0x20: {  	[sflag:s8] =	ssyncset.s32 @!p0 $0xFFFFF086;
	s6 =	sadd.s32 @!p0 s3, s7;
	s7 =	simm.s32 @!p0 $0x108  }
0x21: {  	s3 =	sadd.s32 s3, s9;
	s6 =	sadd.s32 @!p0 $0x88, s6;
	s7 =	simm.s32 @p2 $0x1082  }
0x22: {  	[simem:s7], [sflag:s8] =	dma.local @!p0 [hbm:s6], $0xF7A  }
0x23: {  	s9 =	sor.u32 $0xD0000000, s2;
	s6 =	simm.s32 $0x108;
	_ =	swait.ge @!p0 [sflag:s8], $0x0  }
0x24: {  	s3 =	sadd.s32 $0x88, s3;
	s6 =	simm.s32 @!p1 $0x1082;
	[sflag:s4] =	ssyncset.s32 $0xFFFFF086  }
0x25: {  	[simem:s6], [sflag:s4] =	dma.local [hbm:s3], $0xF7A  }
0x26: {  	[smem:$0x3F92] =	sst s1;
	(tag) =	ssettag s2;
	_ =	strace s9  }
0x27: {  	s1 =	sld [smem:$0x3FA2]  }
0x28: {  	s2 =	sld [smem:$0x3FA3]  }
0x29: {  	s4 =	sld [smem:$0x3FA5]  }
0x2a: {  	p0 =	seq.s32 s5, $0x0;
	s5 =	sld [smem:$0x3FA6]  }
0x2b: {  	s6 =	sld [smem:$0x3FA7]  }
0x2c: {  	s7 =	sld [smem:$0x3FA8]  }
0x2d: {  	s3 =	simm.s32 $0x108;
	s8 =	sld [smem:$0x3FA9]  }
0x2e: {  	s3 =	simm.s32 @!p0 $0x1082;
	s9 =	sld [smem:$0x3FAA]  }
0x2f: {  	lr =	sadd.s32 s0, s3;
	s0 =	sld [smem:$0x3FA1]  }
0x30: {  	s3 =	sld [smem:$0x3FA4]  }
0x31: {  	[smem:$0x3FAD] =	sst s10  }
0x32: {  	s10 =	sld [smem:$0x3FAB];
	_ =	sdelay $0x3  }
0x33: {  	p0 =	seq.s32 s10, $0x1;
	s10 =	sld [smem:$0x3FAD];
	_ =	sdelay $0x3  }
0x34: {  	[smem:$0x3FAD] =	sst s10  }
0x35: {  	s10 =	sld [smem:$0x3FAC];
	_ =	sdelay $0x3  }
0x36: {  	p1 =	seq.s32 s10, $0x1;
	s10 =	sld [smem:$0x3FAD];
	_ =	sdelay $0x3  }
0x37: {  	[smem:$0x3FAD] =	sst s10  }
0x38: {  	s10 =	sld [smem:$0x3FAE]  }
0x39: {  	_ = 	snop;
	(pc) =	sbr.ind lr, $3  }
0x3a: {  	_ = 	snop  }
0x3b: {  	_ = 	snop  }
0x3c: {  	p2 =	seq.s32 s10, $0x1;
	s10 =	sld [smem:$0x3FAD]  }
0x3d: {  	_ =	shalt  }
0x3e: {  	_ =	shalt  }
0x3f: {  	_ =	shalt  }
0x40: {  	_ =	shalt  }
0x41: {  	_ =	shalt  }
0x42: {  	_ =	shalt  }
0x43: {  	_ =	shalt  }
0x44: {  	_ =	shalt  }
0x45: {  	_ =	shalt  }
0x46: {  	_ =	shalt  }
0x47: {  	_ =	shalt  }
0x48: {  	_ =	shalt  }
0x49: {  	_ =	shalt  }
0x4a: {  	_ =	shalt  }
0x4b: {  	_ =	shalt  }
0x4c: {  	_ =	shalt  }
0x4d: {  	_ =	shalt  }
0x4e: {  	_ =	shalt  }
0x4f: {  	_ =	shalt  }
0x50: {  	_ =	shalt  }
0x51: {  	_ =	shalt  }
0x52: {  	_ =	shalt  }
0x53: {  	_ =	shalt  }
0x54: {  	_ =	shalt  }
0x55: {  	_ =	shalt  }
0x56: {  	_ =	shalt  }
0x57: {  	_ =	shalt  }
0x58: {  	_ =	shalt  }
0x59: {  	_ =	shalt  }
0x5a: {  	_ =	shalt  }
0x5b: {  	_ =	shalt  }
0x5c: {  	_ =	shalt  }
0x5d: {  	_ =	shalt  }
0x5e: {  	_ =	shalt  }
0x5f: {  	_ =	shalt  }
0x60: {  	_ =	shalt  }
0x61: {  	_ =	shalt  }
0x62: {  	_ =	shalt  }
0x63: {  	_ =	shalt  }
0x64: {  	_ =	shalt  }
0x65: {  	_ =	shalt  }
0x66: {  	_ =	shalt  }
0x67: {  	_ =	shalt  }
0x68: {  	_ =	shalt  }
0x69: {  	_ =	shalt  }
0x6a: {  	_ =	shalt  }
0x6b: {  	_ =	shalt  }
0x6c: {  	_ =	shalt  }
0x6d: {  	_ =	shalt  }
0x6e: {  	_ =	shalt  }
0x6f: {  	_ =	shalt  }
0x70: {  	_ =	shalt  }
0x71: {  	_ =	shalt  }
0x72: {  	_ =	shalt  }
0x73: {  	_ =	shalt  }
0x74: {  	_ =	shalt  }
0x75: {  	_ =	shalt  }
0x76: {  	_ =	shalt  }
0x77: {  	_ =	shalt  }
0x78: {  	_ =	shalt  }
0x79: {  	_ =	shalt  }
0x7a: {  	_ =	shalt  }
0x7b: {  	_ =	shalt  }
0x7c: {  	_ =	shalt  }
0x7d: {  	_ =	shalt  }
0x7e: {  	_ =	shalt  }
0x7f: {  	_ =	shalt  }
0x80: {  	_ =	shalt  }
0x81: {  	_ =	shalt  }
0x82: {  	_ =	shalt  }
0x83: {  	_ =	shalt  }
0x84: {  	_ =	shalt  }
0x85: {  	_ =	shalt  }
0x86: {  	_ =	shalt  }
0x87: {  	_ =	shalt  }
.Lfunc_end0:
.L_simem_size_0:
called_computation.1_lowered:
.L_overlay_start_0:
0x88: {  	s2 =	sld [smem:$0x3FD9]  }
0x89: {  	s3 =	sld [smem:$0x3FFE];
	_ =	sdelay $0x1  }
0x8a: {  	s1 =	srdreg.scid  }
0x8b: {  	s0 =	sand.u32 $0x1, s1  }
0x8c: {  	s17 =	sshll.u32 s0, $0xA;
	s2 =	sadd.s32 s3, s2  }
0x8d: {  	s2 =	sadd.s32 s2, s17  }
0x8e: {  	[smem:$0x3FB9] =	sst s2  }
0x8f: {  	_ = 	snop  }
0x90: {  	s2 =	sld [smem:$0x3FD0];
	(tm) =	ssettm $0x1  }
0x91: {  	s18 =	sld [smem:$0x3FFB];
	_ =	sdelay $0x3  }
0x92: {  	_ =	strace s18  }
0x93: {  	s3 =	sld [smem:$0x3FFC];
	_ =	sdelay $0x3  }
0x94: {  	_ =	strace s3  }
0x95: {  	s3 =	sld [smem:$0x3FFD];
	_ =	sdelay $0x3  }
0x96: {  	_ =	strace s3  }
0x97: {  	_ =	strace $0x8FFFFFFF  }
0x98: {  	s19 =	sld [smem:$0x3FDB];
	_ =	sdelay $0x1  }
0x99: {  	s4 =	simm.s32 $_scs_section_size  }
0x9a: {  	s5 =	simm.s32 $_size__tile_overlayer_lowered;
	s6 =	simm.s32 $_tile_overlayer_lowered  }
0x9b: {  	s22 =	simm.s32 $0x1BFF;
	s21 =	sshll.u32 s6, $0x1;
	s3 =	sadd.s32 s4, s19  }
0x9c: {  	s7 =	simm.s32 $0x0;
	s20 =	sshll.u32 s5, $0x1;
	s5 =	sadd.s32 s21, s3  }
0x9d: {  	[timem:s7], [sflag:s22] =	dma.local [hbm:s5], s20  }
0x9e: {  	_ =	swait.ge [sflag:s22], s20  }
0x9f: {  	s4 =	ssub.s32 $0x0, s20;
	[sflag:s22] =	ssyncset.done $0x0  }
0xa0: {  	[sflag:s22] =	ssyncadd.s32 s4;
	_ =	sdelay $0x1  }
0xa1: {  	s23 =	simm.s32 $0x1B8B  }
0xa2: {  	_ =	swait.ge [sflag:s23], $0x1  }
0xa3: {  	[sflag:s23] =	ssyncset.done $0x0  }
0xa4: {  	s25 =	simm.s32 $0x1B8E;
	s24 =	sld [smem:$0x3FFE];
	[sflag:s23] =	ssyncadd.s32 $0xFFFFFFFF  }
0xa5: {  	s26 =	simm.s32 $execute0_lowered;
	[smem:$0x3FD2] =	sst s25  }
0xa6: {  	s5 =	sshll.u32 s26, $0x1;
	_ =	strace $0x80000049;
	[dreg:$0x1] =	wrdreg $0xFFFFFFFF  }
0xa7: {  	s28 =	simm.s32 $_size_execute0_lowered;
	s3 =	sadd.s32 s3, s5;
	[dreg:$0x0] =	wrdreg $0x0  }
0xa8: {  	s5 =	sshll.u32 s28, $0x1;
	[dreg:$0x2] =	wrdreg s3  }
0xa9: {  	[dreg:$0x3] =	wrdreg s5  }
0xaa: {  	[dreg:$0x4] =	wrdreg $0xC0  }
0xab: {  	_ =	task [dreg:s7], $0x5FFFF  }
0xac: {  	[dreg:$0x1] =	wrdreg $0xFFFFFFFF  }
0xad: {  	[dreg:$0x0] =	wrdreg $0x60  }
0xae: {  	[dreg:$0x2] =	wrdreg s2  }
0xaf: {  	[dreg:$0x3] =	wrdreg s24  }
0xb0: {  	[dreg:$0x4] =	wrdreg $0xA7000  }
0xb1: {  	[dreg:$0x5] =	wrdreg $0x9  }
0xb2: {  	_ =	task.clear_ibuf [dreg:s7], $0x6FFFF;
	_ =	strace $0x90000049  }
0xb3: {  	s29 =	simm.s32 $0x9;
	_ =	strace $0x8000004B  }
0xb4: {  	_ =	swait.ge [sflag:s29], $0x1  }
0xb5: {  	[sflag:s29] =	ssyncadd.s32 $0xFFFFFFFF  }
0xb6: {  	_ =	strace $0x9000004B  }
0xb7: {  	_ =	sfence  }
0xb8: {  	s30 =	sld [smem:$0x0];
	_ =	sdelay $0x2  }
0xb9: {  	s31 =	sshll.u32 s1, $0xD;
	s1 =	sshrl.u32 s1, $0x2  }
0xba: {  	s3 =	sand.u32 $0x4000, s31;
	s1 =	sadd.s32 s1, s30  }
0xbb: {  	s0 =	sor.u32 s3, s0;
	s1 =	sshll.u32 s1, $0x11  }
0xbc: {  	s0 =	sor.u32 s1, s0  }
0xbd: {  	s0 =	sadd.s32 $0x8F2B, s0  }
0xbe: {  	[sflag:s0] =	ssyncadd.remote.s32 $0x1  }
0xbf: {  	_ =	sfence.sel $0xFFFF  }
0xc0: {  	[dreg:$0x0] =	wrdreg $0xFFFFFFFF;
	(pc) =	sbr.abs _section_cstart, $3  }
0xc1: {  	[dreg:$0x1] =	wrdreg $0xFFFFFFFF  }
0xc2: {  	_ =	task.clear_ibuf [dreg:s7], $0x2FFFF;
	_ =	strace $0x9FFFFFFF  }
0xc3: {  	(tm) =	ssettm $0x7FFFFFFF  }
tec
execute0_lowered:
.L_overlay_start_1:
0x0: {  	(tag) =	ssettag $0x1  }
0x1: {  	s1 =	rddreg [dreg:$0x0]  }
0x2: {  	s0 =	rddreg [dreg:$0x1]  }
0x3: {  	s3 =	rddreg [dreg:$0x2]  }
0x4: {  	s2 =	srdreg.scid;
	s13 =	stileid.u32;
	s4 =	simm.s32 $0x0  }
0x5: {  	s21 =	simm.s32 $0x6700;
	s22 =	simm.s32 $0x2;
	s23 =	simm.s32 $0x100  }
0x6: {  	s24 =	simm.s32 $0x200;
	s25 =	simm.s32 $0xC8;
	s28 =	simm.s32 $0x1  }
0x7: {  	s29 =	simm.s32 $0x0;
	s2 =	sand.u32 $0x1, s2;
	s8 =	smul.u32 $0x280, s13  }
0x8: {  	[smem:$0x7FF] =	sst s4;
	s5 =	sadd.s32 $0x1D800, s0;
	s10 =	smul.u32 $0x50000, s13  }
0x9: {  	s6 =	sadd.s32 $0x4200, s0;
	s7 =	sadd.s32 $0x18800, s0;
	s9 =	smul.u32 $0x2800, s2  }
0xa: {  	s13 =	smul.u32 $0x2710, s13;
	_ =	strace $0x8000004A;
	s26 =	ssub.s32 $0x2, s2  }
0xb: {  	s14 =	smul.u32 $0x27100, s2;
	s11 =	sshrl.u32 s26, $0x1;
	s8 =	sadd.s32 s8, s9  }
0xc: {  	s10 =	sshrl.u32 s10, $0x2;
	s15 =	ssub.s32 s26, s11;
	s8 =	sshll.u32 s8, $0x4  }
0xd: {  	s26 =	simm.s32 $0x300;
	s0 =	sadd.s32 s8, s0;
	s8 =	sadd.s32 s10, s3  }
0xe: {  	s20 =	smax.u32 s15, $0x1;
	s9 =	sadd.s32 $0x4000, s8;
	s10 =	sadd.s32 $0x8000, s8  }
0xf: {  	s11 =	sadd.s32 $0xC000, s8;
	s12 =	sadd.s32 $0x10000, s8;
	s30 =	sadd.s32 $0x27600, s0  }
0x10: {  	s31 =	sadd.s32 $0x27E00, s0;
	s17 =	sadd.s32 $0x28600, s0;
	[dreg:$0x4] =	wrdreg s30  }
0x11: {  	v0 =	vimm.f32 $0.0e+00;
	s18 =	sadd.s32 $0x28E00, s0;
	s19 =	sadd.s32 $0x29600, s0;
	[dreg:$0x5] =	wrdreg s31  }
.LBB2_1:
0x12: {  	s0 =	sand.u32 $0xFE00, s4  }
0x13: {  	s2 =	sand.u32 $0x70, s4;
	s15 =	sshrl.u32 s0, $0x2  }
0x14: {  	s0 =	simm.s32 $0x40;
	s15 =	sor.u32 s2, s15;
	s2 =	simm.s32 $0x0  }
.LBB2_2:
0x15: {  	p0 =	sne.s32 s0, $0xFFC0  }
0x16: {  	[tilespmem:s15+$0x6700] =	vst v0;
	s2 =	sadd.s32 $0x10, s2;
	s15 =	smov.u32 s0;
	s0 =	sadd.s32 $0x40, s0  }
.Ltmp0:
0x17: {  	(pc) =	sbr.rel @p0 .LBB2_2-.Ltmp0, $4  }
0x18: {  	_ = 	snop  }
0x19: {  	s15 =	sand.u32 $0xFE00, s15  }
0x1a: {  	s30 =	sand.u32 $0x70, s2;
	s15 =	sshrl.u32 s15, $0x2  }
0x1b: {  	s15 =	sor.u32 s30, s15  }
0x1c: {  	[tilespmem:s15+$0x6700] =	vst v0  }
0x1d: {  	[spmem:s8] =	stream.linear.scatter [tilespmem:s21], [sflag:$0x2], $0x4000, $0x38;
	[tilespmem:$0x1E700] =	vst v63  }
0x1e: {  	_ =	swait.ge [sflag:s22], $0x4000  }
0x1f: {  	[sflag:s22] =	ssyncset.done $0x0  }
0x20: {  	[sflag:s22] =	ssyncadd.s32 $0xFFFFC000  }
0x21: {  	[spmem:s9] =	stream.linear.scatter [tilespmem:s21], [sflag:$0x2], $0x4000, $0x38;
	[tilespmem:$0x1E700] =	vst v63  }
0x22: {  	_ =	swait.ge [sflag:s22], $0x4000  }
0x23: {  	[sflag:s22] =	ssyncset.done $0x0  }
0x24: {  	[sflag:s22] =	ssyncadd.s32 $0xFFFFC000  }
0x25: {  	[spmem:s10] =	stream.linear.scatter [tilespmem:s21], [sflag:$0x2], $0x4000, $0x38;
	[tilespmem:$0x1E700] =	vst v63  }
0x26: {  	_ =	swait.ge [sflag:s22], $0x4000  }
0x27: {  	[sflag:s22] =	ssyncset.done $0x0  }
0x28: {  	[sflag:s22] =	ssyncadd.s32 $0xFFFFC000  }
0x29: {  	[spmem:s11] =	stream.linear.scatter [tilespmem:s21], [sflag:$0x2], $0x4000, $0x38;
	[tilespmem:$0x1E700] =	vst v63  }
0x2a: {  	_ =	swait.ge [sflag:s22], $0x4000  }
0x2b: {  	[sflag:s22] =	ssyncset.done $0x0  }
0x2c: {  	[sflag:s22] =	ssyncadd.s32 $0xFFFFC000  }
0x2d: {  	[spmem:s12] =	stream.linear.scatter [tilespmem:s21], [sflag:$0x2], $0x4000, $0x38;
	[tilespmem:$0x1E700] =	vst v63  }
0x2e: {  	_ =	swait.ge [sflag:s22], $0x4000  }
0x2f: {  	[sflag:s22] =	ssyncset.done $0x0  }
0x30: {  	[sflag:s22] =	ssyncadd.s32 $0xFFFFC000  }
0x31: {  	s30 =	simm.s32 $0x0;
	s31 =	simm.s32 $0x0;
	[bflag:$0x0] =	sbarrier.arrive $0xFFFF  }
.LBB2_4:
0x32: {  	s0 =	smul.u32 $0xC8, s31;
	_ =	sdelay $0x1  }
0x33: {  	s0 =	sadd.s32 s13, s0  }
0x34: {  	s2 =	sadd.s32 s14, s0  }
0x35: {  	s2 =	sshrl.u32 s2, $0x3  }
0x36: {  	s2 =	sadd.s32 s5, s2  }
0x37: {  	[tilespmem:s30], [sflag:$0x2] =	stream.linear.gather [hbm4b:s2+s30], $0xC8, $0x38;
	[tilespmem:$0x1E700] =	vst v63  }
0x38: {  	_ =	swait.ge [sflag:s22], $0xC8  }
0x39: {  	s0 =	sshrl.u32 s0, $0x3;
	[sflag:s22] =	ssyncset.done $0x0  }
0x3a: {  	s16 =	sadd.s32 s6, s0;
	[sflag:s22] =	ssyncadd.s32 $0xFFFFFF38  }
0x3b: {  	[tilespmem:s23], [sflag:$0x2] =	stream.linear.gather [hbm4b:s16+s30], $0xC8, $0x38;
	[tilespmem:$0x1E700] =	vst v63  }
0x3c: {  	_ =	swait.ge [sflag:s22], $0xC8  }
0x3d: {  	[sflag:s22] =	ssyncset.done $0x0  }
0x3e: {  	s0 =	sadd.s32 s7, s0;
	[sflag:s22] =	ssyncadd.s32 $0xFFFFFF38  }
0x3f: {  	[tilespmem:s24], [sflag:$0x2] =	stream.linear.gather [hbm4b:s0+s30], $0xC8, $0x38;
	[tilespmem:$0x1E700] =	vst v63  }
0x40: {  	_ =	swait.ge [sflag:s22], $0xC8  }
0x41: {  	[sflag:s22] =	ssyncset.done $0x0  }
0x42: {  	[sflag:s22] =	ssyncadd.s32 $0xFFFFFF38  }
0x43: {  	[tilespmem:s26], [sflag:$0x1] =	stream.indirect.gather [hbm4b:s1+s25], $0x80, s30, s25, $0xb8;
	[tilespmem:$0x1E700] =	vst v63  }
0x44: {  	_ =	swait.ge [sflag:s28], $0x6400  }
0x45: {  	v1 =	vmov s30;
	[sflag:s28] =	ssyncset.done $0x0  }
0x46: {  	s0 =	simm.s32 $0x340;
	[sflag:s28] =	ssyncadd.s32 $0xFFFF9C00  }
0x47: {  	v5 =	vld [tilespmem:s0+$0x30]  }
0x48: {  	v8 =	vld [tilespmem:s0+$0x10]  }
0x49: {  	v6 =	vld [tilespmem:s0+$0xFFFFFFC0]  }
0x4a: {  	v2 =	vld.idx.msk [tilespmem:v1+s24+$0x0], $0xffff  }
0x4b: {  	v10 =	vld [tilespmem:s0+$0xFFFFFFE0]  }
0x4c: {  	v1 =	vld [tilespmem:s0+$0xFFFFFFF0]  }
0x4d: {  	v3 =	vld [tilespmem:s0+$0x20]  }
0x4e: {  	v4 =	vld [tilespmem:s0+$0xFFFFFFD0]  }
0x4f: {  	v9 =	vmul.f32 v5, v2;
	v5 =	vld [tilespmem:s0+$0x0]  }
0x50: {  	v7 =	vmul.f32 v6, v2  }
0x51: {  	s15 =	simm.s32 $0x340;
	s2 =	simm.s32 $0x1;
	v6 =	vmul.f32 v10, v2;
	v8 =	vmul.f32 v8, v2  }
.LBB2_5:
0x52: {  	p0 =	sne.s32 s2, $0xC7  }
0x53: {  	v4 =	vmul.f32 v4, v2;
	v3 =	vmul.f32 v3, v2;
	[tilespmem:s0+$0x30] =	vst v9;
	s15 =	sadd.s32 $0x80, s15;
	s16 =	smov.u32 s2;
	s2 =	sadd.s32 $0x1, s2  }
0x54: {  	[tilespmem:s0+$0xFFFFFFC0] =	vst v7;
	v7 =	vmul.f32 v1, v2;
	v2 =	vmul.f32 v5, v2  }
0x55: {  	[tilespmem:s0+$0x10] =	vst v8  }
0x56: {  	v5 =	vmov s16;
	[tilespmem:s0+$0xFFFFFFE0] =	vst v6  }
0x57: {  	v1 =	vld [tilespmem:s15+$0xFFFFFFF0];
	[tilespmem:s0+$0xFFFFFFF0] =	vst v7  }
0x58: {  	v6 =	vld [tilespmem:s15+$0x30];
	[tilespmem:s0+$0x0] =	vst v2  }
0x59: {  	v8 =	vld [tilespmem:s15+$0x10];
	[tilespmem:s0+$0x20] =	vst v3  }
0x5a: {  	v7 =	vld [tilespmem:s15+$0xFFFFFFC0];
	[tilespmem:s0+$0xFFFFFFD0] =	vst v4;
	s0 =	smov.u32 s15  }
0x5b: {  	v2 =	vld.idx.msk [tilespmem:v5+s24+$0x0], $0xffff  }
0x5c: {  	v10 =	vld [tilespmem:s15+$0xFFFFFFE0]  }
0x5d: {  	v3 =	vld [tilespmem:s15+$0x20]  }
.Ltmp1:
0x5e: {  	v4 =	vld [tilespmem:s15+$0xFFFFFFD0];
	(pc) =	sbr.rel @p0 .LBB2_5-.Ltmp1, $3  }
0x5f: {  	v5 =	vld [tilespmem:s15+$0x0];
	_ =	sdelay $0x1  }
0x60: {  	v7 =	vmul.f32 v7, v2;
	v9 =	vmul.f32 v6, v2  }
0x61: {  	v8 =	vmul.f32 v8, v2;
	v6 =	vmul.f32 v10, v2  }
0x62: {  	[tilespmem:s0+$0x30] =	vst v9  }
0x63: {  	[tilespmem:s0+$0xFFFFFFC0] =	vst v7  }
0x64: {  	v1 =	vmul.f32 v1, v2;
	[tilespmem:s0+$0x10] =	vst v8  }
0x65: {  	v3 =	vmul.f32 v3, v2;
	[tilespmem:s0+$0xFFFFFFE0] =	vst v6  }
0x66: {  	v5 =	vmul.f32 v5, v2;
	[tilespmem:s0+$0xFFFFFFF0] =	vst v1  }
0x67: {  	s31 =	sadd.s32 $0x1, s31;
	v1 =	vmul.f32 v4, v2;
	[tilespmem:s0+$0x20] =	vst v3  }
0x68: {  	p0 =	sne.s32 s31, $0x32;
	[tilespmem:s0+$0x0] =	vst v5  }
.Ltmp2:
0x69: {  	[tilespmem:s0+$0xFFFFFFD0] =	vst v1;
	(pc) =	sbr.rel @p0 .LBB2_4-.Ltmp2, $4  }
0x6a: {  	[spmem:s3] =	stream.indirect.scatter.add.f32 [tilespmem:s26], [sflag:$0x2], $0x80, s23, s25, $0xb8;
	[tilespmem:$0x1E700] =	vst v63  }
0x6b: {  	_ =	swait.ge [sflag:s22], $0x6400  }
0x6c: {  	[sflag:s22] =	ssyncset.done $0x0  }
0x6d: {  	[sflag:s22] =	ssyncadd.s32 $0xFFFF9C00  }
0x6e: {  	[bflag:$0x0] =	sbarrier.arrive $0xFFFF  }
0x6f: {  	[tilespmem:s21], [sflag:$0x2] =	stream.linear.gather [spmem:s8], $0x4000, $0x38;
	[tilespmem:$0x1E700] =	vst v63  }
0x70: {  	_ =	swait.ge [sflag:s22], $0x4000  }
0x71: {  	[sflag:s22] =	ssyncset.done $0x0  }
0x72: {  	s0 =	rddreg [dreg:$0x4];
	[sflag:s22] =	ssyncadd.s32 $0xFFFFC000  }
0x73: {  	[hbm4b:s0+s4] =	stream.linear.scatter [tilespmem:s21], [sflag:$0x2], $0x4000, $0x38;
	[tilespmem:$0x1E700] =	vst v63  }
0x74: {  	_ =	swait.ge [sflag:s22], $0x4000  }
0x75: {  	[sflag:s22] =	ssyncset.done $0x0  }
0x76: {  	[sflag:s22] =	ssyncadd.s32 $0xFFFFC000  }
0x77: {  	[tilespmem:s21], [sflag:$0x2] =	stream.linear.gather [spmem:s9], $0x4000, $0x38;
	[tilespmem:$0x1E700] =	vst v63  }
0x78: {  	_ =	swait.ge [sflag:s22], $0x4000  }
0x79: {  	[sflag:s22] =	ssyncset.done $0x0  }
0x7a: {  	s31 =	rddreg [dreg:$0x5];
	[sflag:s22] =	ssyncadd.s32 $0xFFFFC000  }
0x7b: {  	[hbm4b:s31+s4] =	stream.linear.scatter [tilespmem:s21], [sflag:$0x2], $0x4000, $0x38;
	[tilespmem:$0x1E700] =	vst v63  }
0x7c: {  	_ =	swait.ge [sflag:s22], $0x4000  }
0x7d: {  	[sflag:s22] =	ssyncset.done $0x0  }
0x7e: {  	[sflag:s22] =	ssyncadd.s32 $0xFFFFC000  }
0x7f: {  	[tilespmem:s21], [sflag:$0x2] =	stream.linear.gather [spmem:s10], $0x4000, $0x38;
	[tilespmem:$0x1E700] =	vst v63  }
0x80: {  	_ =	swait.ge [sflag:s22], $0x4000  }
0x81: {  	[sflag:s22] =	ssyncset.done $0x0  }
0x82: {  	[sflag:s22] =	ssyncadd.s32 $0xFFFFC000  }
0x83: {  	[hbm4b:s17+s4] =	stream.linear.scatter [tilespmem:s21], [sflag:$0x2], $0x4000, $0x38;
	[tilespmem:$0x1E700] =	vst v63  }
0x84: {  	_ =	swait.ge [sflag:s22], $0x4000  }
0x85: {  	[sflag:s22] =	ssyncset.done $0x0  }
0x86: {  	[sflag:s22] =	ssyncadd.s32 $0xFFFFC000  }
0x87: {  	[tilespmem:s21], [sflag:$0x2] =	stream.linear.gather [spmem:s11], $0x4000, $0x38;
	[tilespmem:$0x1E700] =	vst v63  }
0x88: {  	_ =	swait.ge [sflag:s22], $0x4000  }
0x89: {  	[sflag:s22] =	ssyncset.done $0x0  }
0x8a: {  	[sflag:s22] =	ssyncadd.s32 $0xFFFFC000  }
0x8b: {  	[hbm4b:s18+s4] =	stream.linear.scatter [tilespmem:s21], [sflag:$0x2], $0x4000, $0x38;
	[tilespmem:$0x1E700] =	vst v63  }
0x8c: {  	_ =	swait.ge [sflag:s22], $0x4000  }
0x8d: {  	[sflag:s22] =	ssyncset.done $0x0  }
0x8e: {  	[sflag:s22] =	ssyncadd.s32 $0xFFFFC000  }
0x8f: {  	[tilespmem:s21], [sflag:$0x2] =	stream.linear.gather [spmem:s12], $0x4000, $0x38;
	[tilespmem:$0x1E700] =	vst v63  }
0x90: {  	s29 =	sadd.s32 $0x1, s29;
	_ =	swait.ge [sflag:s22], $0x4000  }
0x91: {  	p0 =	sne.s32 s29, s20;
	[sflag:s22] =	ssyncset.done $0x0  }
.Ltmp3:
0x92: {  	[sflag:s22] =	ssyncadd.s32 $0xFFFFC000;
	(pc) =	sbr.rel @p0 .LBB2_1-.Ltmp3, $4  }
0x93: {  	[hbm4b:s19+s4] =	stream.linear.scatter [tilespmem:s21], [sflag:$0x2], $0x4000, $0x38;
	[tilespmem:$0x1E700] =	vst v63  }
0x94: {  	_ =	swait.ge [sflag:s22], $0x4000  }
0x95: {  	[sflag:s22] =	ssyncset.done $0x0  }
0x96: {  	[sflag:s22] =	ssyncadd.s32 $0xFFFFC000  }
0x97: {  	_ =	sfence.sel $0x180000  }
0x98: {  	[bflag:$0x0] =	sbarrier.arrive $0xFFFF  }
0x99: {  	_ =	strace $0x9000004A  }
0x9a: {  	s0 =	stileid.u32;
	[bflag:$0x2] =	sbarrier.arrive $0xFFFF  }
0x9b: {  	p0 =	sne.s32 s0, $0x0;
	s0 =	rddreg [dreg:$0x3]  }
0x9c: {  	s0 =	sadd.s32 @!p0 $0x100000, s0  }
0x9d: {  	[sflag:s0] =	ssyncadd.tile.s32 @!p0 $0x1;
	_ =	shalt  }
.Lfunc_end2:
_tile_overlayer_lowered:
.L_overlay_start_2:
0x9e: {  	(tag) =	ssettag $0x2  }
0x9f: {  	s0 =	rddreg [dreg:$0x0];
	s2 =	stileid.u32  }
0xa0: {  	s1 =	rddreg [dreg:$0x1];
	p0 =	sne.s32 s2, $0x0  }
0xa1: {  	s3 =	rddreg [dreg:$0x2];
	[bflag:$0x3] =	sbarrier.arrive $0xFFFF;
	s2 =	simm.s32 @!p0 $0x1C02  }
0xa2: {  	[timem:s3], [sflag:s2] =	dma.local @!p0 [hbm:s0], s1  }
0xa3: {  	s0 =	simm.s32 @!p0 $0x2  }
0xa4: {  	_ =	swait.ge @!p0 [sflag:s0], s1  }
0xa5: {  	s1 =	ssub.s32 @!p0 $0x0, s1;
	[sflag:s0] =	ssyncset.done @!p0 $0x0  }
0xa6: {  	[sflag:s0] =	ssyncadd.s32 @!p0 s1  }
0xa7: {  	[bflag:$0x3] =	sbarrier.arrive $0xFFFF  }
0xa8: {  	_ =	shalt  }

// kernel: kernel.19.cloned.1.call-start
scs
__scs_entry_jumppad:
0x0: {  	(pc) =	sbr.rel $0x88, $3  }
0x1: {  	(tag) =	ssettag $0x0;
	lr =	simm.s32 $0x1  }
0x2: {  	[smem:$0x3F92] =	sst lr;
	_ =	strace $0xD0000000  }
0x3: {  	_ = 	snop  }
0x4: {  	_ = 	snop  }
0x5: {  	_ = 	snop  }
0x6: {  	_ = 	snop  }
0x7: {  	_ = 	snop  }
__scs_overlays_trampoline_lowered:
0x8: {  	[smem:$0x3FA1] =	sst s0  }
0x9: {  	[smem:$0x3FA2] =	sst s1  }
0xa: {  	[smem:$0x3FA3] =	sst s2  }
0xb: {  	[smem:$0x3FA4] =	sst s3  }
0xc: {  	[smem:$0x3FA5] =	sst s4  }
0xd: {  	[smem:$0x3FA6] =	sst s5  }
0xe: {  	[smem:$0x3FA7] =	sst s6  }
0xf: {  	[smem:$0x3FA8] =	sst s7  }
0x10: {  	[smem:$0x3FA9] =	sst s8  }
0x11: {  	[smem:$0x3FAA] =	sst s9;
	s0 =	simm.s32 @!p0 $0x0  }
0x12: {  	s1 =	sld [smem:$0x3F90];
	s0 =	simm.s32 @p0 $0x1  }
0x13: {  	[smem:$0x3FAB] =	sst s0;
	s0 =	simm.s32 @!p1 $0x0  }
0x14: {  	s2 =	sld [smem:$0x3F8F];
	s0 =	simm.s32 @p1 $0x1  }
0x15: {  	[smem:$0x3FAC] =	sst s0;
	s0 =	simm.s32 @!p2 $0x0  }
0x16: {  	s3 =	sld [smem:$0x3FDB];
	s0 =	simm.s32 @p2 $0x1  }
0x17: {  	s4 =	simm.s32 $0x1BF5;
	[smem:$0x3FAE] =	sst s0  }
0x18: {  	s0 =	sld [smem:$0x3F91];
	_ =	swait.ge [sflag:s4], $0x0  }
0x19: {  	s7 =	sld [smem:$0x3F92]  }
0x1a: {  	s8 =	sadd.s32 $0xFFFFE003, lr  }
0x1b: {  	s9 =	sadd.s32 $0xFFFFFEF7, lr;
	s5 =	simm.s32 $0xFFFFFFFF;
	p2 =	slt.u32 s8, $0xFFFFF086  }
0x1c: {  	p1 =	slt.u32 s9, $0xF7A;
	s5 =	simm.s32 @!p2 $0x0  }
0x1d: {  	s5 =	simm.s32 @p1 $0x1;
	p0 =	seq.s32 s7, s2  }
0x1e: {  	s7 =	smul.u32 @!p0 $0xF7A, s2;
	p2 =	seq.s32 @!p0 s5, $0x0  }
0x1f: {  	s9 =	smul.u32 $0xF7A, s1;
	s8 =	simm.s32 @!p0 $0x1BF5;
	p2 =	por !p2, p0  }
0x20: {  	[sflag:s8] =	ssyncset.s32 @!p0 $0xFFFFF086;
	s6 =	sadd.s32 @!p0 s3, s7;
	s7 =	simm.s32 @!p0 $0x108  }
0x21: {  	s3 =	sadd.s32 s3, s9;
	s6 =	sadd.s32 @!p0 $0x88, s6;
	s7 =	simm.s32 @p2 $0x1082  }
0x22: {  	[simem:s7], [sflag:s8] =	dma.local @!p0 [hbm:s6], $0xF7A  }
0x23: {  	s9 =	sor.u32 $0xD0000000, s2;
	s6 =	simm.s32 $0x108;
	_ =	swait.ge @!p0 [sflag:s8], $0x0  }
0x24: {  	s3 =	sadd.s32 $0x88, s3;
	s6 =	simm.s32 @!p1 $0x1082;
	[sflag:s4] =	ssyncset.s32 $0xFFFFF086  }
0x25: {  	[simem:s6], [sflag:s4] =	dma.local [hbm:s3], $0xF7A  }
0x26: {  	[smem:$0x3F92] =	sst s1;
	(tag) =	ssettag s2;
	_ =	strace s9  }
0x27: {  	s1 =	sld [smem:$0x3FA2]  }
0x28: {  	s2 =	sld [smem:$0x3FA3]  }
0x29: {  	s4 =	sld [smem:$0x3FA5]  }
0x2a: {  	p0 =	seq.s32 s5, $0x0;
	s5 =	sld [smem:$0x3FA6]  }
0x2b: {  	s6 =	sld [smem:$0x3FA7]  }
0x2c: {  	s7 =	sld [smem:$0x3FA8]  }
0x2d: {  	s3 =	simm.s32 $0x108;
	s8 =	sld [smem:$0x3FA9]  }
0x2e: {  	s3 =	simm.s32 @!p0 $0x1082;
	s9 =	sld [smem:$0x3FAA]  }
0x2f: {  	lr =	sadd.s32 s0, s3;
	s0 =	sld [smem:$0x3FA1]  }
0x30: {  	s3 =	sld [smem:$0x3FA4]  }
0x31: {  	[smem:$0x3FAD] =	sst s10  }
0x32: {  	s10 =	sld [smem:$0x3FAB];
	_ =	sdelay $0x3  }
0x33: {  	p0 =	seq.s32 s10, $0x1;
	s10 =	sld [smem:$0x3FAD];
	_ =	sdelay $0x3  }
0x34: {  	[smem:$0x3FAD] =	sst s10  }
0x35: {  	s10 =	sld [smem:$0x3FAC];
	_ =	sdelay $0x3  }
0x36: {  	p1 =	seq.s32 s10, $0x1;
	s10 =	sld [smem:$0x3FAD];
	_ =	sdelay $0x3  }
0x37: {  	[smem:$0x3FAD] =	sst s10  }
0x38: {  	s10 =	sld [smem:$0x3FAE]  }
0x39: {  	_ = 	snop;
	(pc) =	sbr.ind lr, $3  }
0x3a: {  	_ = 	snop  }
0x3b: {  	_ = 	snop  }
0x3c: {  	p2 =	seq.s32 s10, $0x1;
	s10 =	sld [smem:$0x3FAD]  }
0x3d: {  	_ =	shalt  }
0x3e: {  	_ =	shalt  }
0x3f: {  	_ =	shalt  }
0x40: {  	_ =	shalt  }
0x41: {  	_ =	shalt  }
0x42: {  	_ =	shalt  }
0x43: {  	_ =	shalt  }
0x44: {  	_ =	shalt  }
0x45: {  	_ =	shalt  }
0x46: {  	_ =	shalt  }
0x47: {  	_ =	shalt  }
0x48: {  	_ =	shalt  }
0x49: {  	_ =	shalt  }
0x4a: {  	_ =	shalt  }
0x4b: {  	_ =	shalt  }
0x4c: {  	_ =	shalt  }
0x4d: {  	_ =	shalt  }
0x4e: {  	_ =	shalt  }
0x4f: {  	_ =	shalt  }
0x50: {  	_ =	shalt  }
0x51: {  	_ =	shalt  }
0x52: {  	_ =	shalt  }
0x53: {  	_ =	shalt  }
0x54: {  	_ =	shalt  }
0x55: {  	_ =	shalt  }
0x56: {  	_ =	shalt  }
0x57: {  	_ =	shalt  }
0x58: {  	_ =	shalt  }
0x59: {  	_ =	shalt  }
0x5a: {  	_ =	shalt  }
0x5b: {  	_ =	shalt  }
0x5c: {  	_ =	shalt  }
0x5d: {  	_ =	shalt  }
0x5e: {  	_ =	shalt  }
0x5f: {  	_ =	shalt  }
0x60: {  	_ =	shalt  }
0x61: {  	_ =	shalt  }
0x62: {  	_ =	shalt  }
0x63: {  	_ =	shalt  }
0x64: {  	_ =	shalt  }
0x65: {  	_ =	shalt  }
0x66: {  	_ =	shalt  }
0x67: {  	_ =	shalt  }
0x68: {  	_ =	shalt  }
0x69: {  	_ =	shalt  }
0x6a: {  	_ =	shalt  }
0x6b: {  	_ =	shalt  }
0x6c: {  	_ =	shalt  }
0x6d: {  	_ =	shalt  }
0x6e: {  	_ =	shalt  }
0x6f: {  	_ =	shalt  }
0x70: {  	_ =	shalt  }
0x71: {  	_ =	shalt  }
0x72: {  	_ =	shalt  }
0x73: {  	_ =	shalt  }
0x74: {  	_ =	shalt  }
0x75: {  	_ =	shalt  }
0x76: {  	_ =	shalt  }
0x77: {  	_ =	shalt  }
0x78: {  	_ =	shalt  }
0x79: {  	_ =	shalt  }
0x7a: {  	_ =	shalt  }
0x7b: {  	_ =	shalt  }
0x7c: {  	_ =	shalt  }
0x7d: {  	_ =	shalt  }
0x7e: {  	_ =	shalt  }
0x7f: {  	_ =	shalt  }
0x80: {  	_ =	shalt  }
0x81: {  	_ =	shalt  }
0x82: {  	_ =	shalt  }
0x83: {  	_ =	shalt  }
0x84: {  	_ =	shalt  }
0x85: {  	_ =	shalt  }
0x86: {  	_ =	shalt  }
0x87: {  	_ =	shalt  }
.Lfunc_end0:
.L_simem_size_0:
called_computation.2_lowered:
.L_overlay_start_0:
0x88: {  	s2 =	sld [smem:$0x3FD9]  }
0x89: {  	s3 =	sld [smem:$0x3FFE];
	_ =	sdelay $0x1  }
0x8a: {  	s1 =	srdreg.scid  }
0x8b: {  	s0 =	sand.u32 $0x1, s1  }
0x8c: {  	s17 =	sshll.u32 s0, $0xA;
	s2 =	sadd.s32 s3, s2  }
0x8d: {  	s2 =	sadd.s32 s2, s17  }
0x8e: {  	[smem:$0x3FB9] =	sst s2  }
0x8f: {  	_ = 	snop  }
0x90: {  	s2 =	sld [smem:$0x3FD0];
	(tm) =	ssettm $0x1  }
0x91: {  	s18 =	sld [smem:$0x3FFB];
	_ =	sdelay $0x3  }
0x92: {  	_ =	strace s18  }
0x93: {  	s3 =	sld [smem:$0x3FFC];
	_ =	sdelay $0x3  }
0x94: {  	_ =	strace s3  }
0x95: {  	s3 =	sld [smem:$0x3FFD];
	_ =	sdelay $0x3  }
0x96: {  	_ =	strace s3  }
0x97: {  	_ =	strace $0x8FFFFFFF  }
0x98: {  	s19 =	sld [smem:$0x3FDB];
	_ =	sdelay $0x1  }
0x99: {  	s4 =	simm.s32 $_scs_section_size  }
0x9a: {  	s5 =	simm.s32 $_size__tile_overlayer_lowered;
	s6 =	simm.s32 $_tile_overlayer_lowered  }
0x9b: {  	s22 =	simm.s32 $0x1BFF;
	s21 =	sshll.u32 s6, $0x1;
	s3 =	sadd.s32 s4, s19  }
0x9c: {  	s7 =	simm.s32 $0x0;
	s20 =	sshll.u32 s5, $0x1;
	s5 =	sadd.s32 s21, s3  }
0x9d: {  	[timem:s7], [sflag:s22] =	dma.local [hbm:s5], s20  }
0x9e: {  	_ =	swait.ge [sflag:s22], s20  }
0x9f: {  	s4 =	ssub.s32 $0x0, s20;
	[sflag:s22] =	ssyncset.done $0x0  }
0xa0: {  	[sflag:s22] =	ssyncadd.s32 s4;
	_ =	sdelay $0x1  }
0xa1: {  	s23 =	simm.s32 $0x1B8B  }
0xa2: {  	_ =	swait.ge [sflag:s23], $0x1  }
0xa3: {  	[sflag:s23] =	ssyncset.done $0x0  }
0xa4: {  	s25 =	simm.s32 $0x1B8E;
	s24 =	sld [smem:$0x3FFE];
	[sflag:s23] =	ssyncadd.s32 $0xFFFFFFFF  }
0xa5: {  	s26 =	simm.s32 $execute0_lowered;
	[smem:$0x3FD2] =	sst s25  }
0xa6: {  	s5 =	sshll.u32 s26, $0x1;
	_ =	strace $0x8000004C;
	[dreg:$0x1] =	wrdreg $0xFFFFFFFF  }
0xa7: {  	s28 =	simm.s32 $_size_execute0_lowered;
	s3 =	sadd.s32 s3, s5;
	[dreg:$0x0] =	wrdreg $0x0  }
0xa8: {  	s5 =	sshll.u32 s28, $0x1;
	[dreg:$0x2] =	wrdreg s3  }
0xa9: {  	[dreg:$0x3] =	wrdreg s5  }
0xaa: {  	[dreg:$0x4] =	wrdreg $0xC0  }
0xab: {  	_ =	task [dreg:s7], $0x5FFFF  }
0xac: {  	[dreg:$0x1] =	wrdreg $0xFFFFFFFF  }
0xad: {  	[dreg:$0x0] =	wrdreg $0x60  }
0xae: {  	[dreg:$0x2] =	wrdreg s2  }
0xaf: {  	[dreg:$0x3] =	wrdreg s24  }
0xb0: {  	[dreg:$0x4] =	wrdreg $0xA7000  }
0xb1: {  	[dreg:$0x5] =	wrdreg $0x9  }
0xb2: {  	_ =	task.clear_ibuf [dreg:s7], $0x6FFFF;
	_ =	strace $0x9000004C  }
0xb3: {  	s29 =	simm.s32 $0x9;
	_ =	strace $0x8000004E  }
0xb4: {  	_ =	swait.ge [sflag:s29], $0x1  }
0xb5: {  	[sflag:s29] =	ssyncadd.s32 $0xFFFFFFFF  }
0xb6: {  	_ =	strace $0x9000004E  }
0xb7: {  	_ =	sfence  }
0xb8: {  	s30 =	sld [smem:$0x0];
	_ =	sdelay $0x2  }
0xb9: {  	s31 =	sshll.u32 s1, $0xD;
	s1 =	sshrl.u32 s1, $0x2  }
0xba: {  	s3 =	sand.u32 $0x4000, s31;
	s1 =	sadd.s32 s1, s30  }
0xbb: {  	s0 =	sor.u32 s3, s0;
	s1 =	sshll.u32 s1, $0x11  }
0xbc: {  	s0 =	sor.u32 s1, s0  }
0xbd: {  	s0 =	sadd.s32 $0x8F2B, s0  }
0xbe: {  	[sflag:s0] =	ssyncadd.remote.s32 $0x1  }
0xbf: {  	_ =	sfence.sel $0xFFFF  }
0xc0: {  	[dreg:$0x0] =	wrdreg $0xFFFFFFFF;
	(pc) =	sbr.abs _section_cstart, $3  }
0xc1: {  	[dreg:$0x1] =	wrdreg $0xFFFFFFFF  }
0xc2: {  	_ =	task.clear_ibuf [dreg:s7], $0x2FFFF;
	_ =	strace $0x9FFFFFFF  }
0xc3: {  	(tm) =	ssettm $0x7FFFFFFF  }
tec
execute0_lowered:
.L_overlay_start_1:
0x0: {  	(tag) =	ssettag $0x1  }
0x1: {  	s1 =	rddreg [dreg:$0x0]  }
0x2: {  	s0 =	rddreg [dreg:$0x1]  }
0x3: {  	s3 =	rddreg [dreg:$0x2]  }
0x4: {  	s2 =	srdreg.scid;
	s13 =	stileid.u32;
	s4 =	simm.s32 $0x0  }
0x5: {  	s21 =	simm.s32 $0x6700;
	s22 =	simm.s32 $0x2;
	s23 =	simm.s32 $0x100  }
0x6: {  	s24 =	simm.s32 $0x200;
	s25 =	simm.s32 $0xC8;
	s28 =	simm.s32 $0x1  }
0x7: {  	s29 =	simm.s32 $0x0;
	s2 =	sand.u32 $0x1, s2;
	s8 =	smul.u32 $0x280, s13  }
0x8: {  	[smem:$0x7FF] =	sst s4;
	s5 =	sadd.s32 $0x1D800, s0;
	s10 =	smul.u32 $0x50000, s13  }
0x9: {  	s6 =	sadd.s32 $0x4200, s0;
	s7 =	sadd.s32 $0x18800, s0;
	s9 =	smul.u32 $0x2800, s2  }
0xa: {  	s13 =	smul.u32 $0x2710, s13;
	_ =	strace $0x8000004D;
	s26 =	ssub.s32 $0x2, s2  }
0xb: {  	s14 =	smul.u32 $0x27100, s2;
	s11 =	sshrl.u32 s26, $0x1;
	s8 =	sadd.s32 s8, s9  }
0xc: {  	s10 =	sshrl.u32 s10, $0x2;
	s15 =	ssub.s32 s26, s11;
	s8 =	sshll.u32 s8, $0x4  }
0xd: {  	s26 =	simm.s32 $0x300;
	s0 =	sadd.s32 s8, s0;
	s8 =	sadd.s32 s10, s3  }
0xe: {  	s20 =	smax.u32 s15, $0x1;
	s9 =	sadd.s32 $0x4000, s8;
	s10 =	sadd.s32 $0x8000, s8  }
0xf: {  	s11 =	sadd.s32 $0xC000, s8;
	s12 =	sadd.s32 $0x10000, s8;
	s30 =	sadd.s32 $0x27600, s0  }
0x10: {  	s31 =	sadd.s32 $0x27E00, s0;
	s17 =	sadd.s32 $0x28600, s0;
	[dreg:$0x4] =	wrdreg s30  }
0x11: {  	v0 =	vimm.f32 $0.0e+00;
	s18 =	sadd.s32 $0x28E00, s0;
	s19 =	sadd.s32 $0x29600, s0;
	[dreg:$0x5] =	wrdreg s31  }
.LBB2_1:
0x12: {  	s0 =	sand.u32 $0xFE00, s4  }
0x13: {  	s2 =	sand.u32 $0x70, s4;
	s15 =	sshrl.u32 s0, $0x2  }
0x14: {  	s0 =	simm.s32 $0x40;
	s15 =	sor.u32 s2, s15;
	s2 =	simm.s32 $0x0  }
.LBB2_2:
0x15: {  	p0 =	sne.s32 s0, $0xFFC0  }
0x16: {  	[tilespmem:s15+$0x6700] =	vst v0;
	s2 =	sadd.s32 $0x10, s2;
	s15 =	smov.u32 s0;
	s0 =	sadd.s32 $0x40, s0  }
.Ltmp0:
0x17: {  	(pc) =	sbr.rel @p0 .LBB2_2-.Ltmp0, $4  }
0x18: {  	_ = 	snop  }
0x19: {  	s15 =	sand.u32 $0xFE00, s15  }
0x1a: {  	s30 =	sand.u32 $0x70, s2;
	s15 =	sshrl.u32 s15, $0x2  }
0x1b: {  	s15 =	sor.u32 s30, s15  }
0x1c: {  	[tilespmem:s15+$0x6700] =	vst v0  }
0x1d: {  	[spmem:s8] =	stream.linear.scatter [tilespmem:s21], [sflag:$0x2], $0x4000, $0x38;
	[tilespmem:$0x1E700] =	vst v63  }
0x1e: {  	_ =	swait.ge [sflag:s22], $0x4000  }
0x1f: {  	[sflag:s22] =	ssyncset.done $0x0  }
0x20: {  	[sflag:s22] =	ssyncadd.s32 $0xFFFFC000  }
0x21: {  	[spmem:s9] =	stream.linear.scatter [tilespmem:s21], [sflag:$0x2], $0x4000, $0x38;
	[tilespmem:$0x1E700] =	vst v63  }
0x22: {  	_ =	swait.ge [sflag:s22], $0x4000  }
0x23: {  	[sflag:s22] =	ssyncset.done $0x0  }
0x24: {  	[sflag:s22] =	ssyncadd.s32 $0xFFFFC000  }
0x25: {  	[spmem:s10] =	stream.linear.scatter [tilespmem:s21], [sflag:$0x2], $0x4000, $0x38;
	[tilespmem:$0x1E700] =	vst v63  }
0x26: {  	_ =	swait.ge [sflag:s22], $0x4000  }
0x27: {  	[sflag:s22] =	ssyncset.done $0x0  }
0x28: {  	[sflag:s22] =	ssyncadd.s32 $0xFFFFC000  }
0x29: {  	[spmem:s11] =	stream.linear.scatter [tilespmem:s21], [sflag:$0x2], $0x4000, $0x38;
	[tilespmem:$0x1E700] =	vst v63  }
0x2a: {  	_ =	swait.ge [sflag:s22], $0x4000  }
0x2b: {  	[sflag:s22] =	ssyncset.done $0x0  }
0x2c: {  	[sflag:s22] =	ssyncadd.s32 $0xFFFFC000  }
0x2d: {  	[spmem:s12] =	stream.linear.scatter [tilespmem:s21], [sflag:$0x2], $0x4000, $0x38;
	[tilespmem:$0x1E700] =	vst v63  }
0x2e: {  	_ =	swait.ge [sflag:s22], $0x4000  }
0x2f: {  	[sflag:s22] =	ssyncset.done $0x0  }
0x30: {  	[sflag:s22] =	ssyncadd.s32 $0xFFFFC000  }
0x31: {  	s30 =	simm.s32 $0x0;
	s31 =	simm.s32 $0x0;
	[bflag:$0x0] =	sbarrier.arrive $0xFFFF  }
.LBB2_4:
0x32: {  	s0 =	smul.u32 $0xC8, s31;
	_ =	sdelay $0x1  }
0x33: {  	s0 =	sadd.s32 s13, s0  }
0x34: {  	s2 =	sadd.s32 s14, s0  }
0x35: {  	s2 =	sshrl.u32 s2, $0x3  }
0x36: {  	s2 =	sadd.s32 s5, s2  }
0x37: {  	[tilespmem:s30], [sflag:$0x2] =	stream.linear.gather [hbm4b:s2+s30], $0xC8, $0x38;
	[tilespmem:$0x1E700] =	vst v63  }
0x38: {  	_ =	swait.ge [sflag:s22], $0xC8  }
0x39: {  	s0 =	sshrl.u32 s0, $0x3;
	[sflag:s22] =	ssyncset.done $0x0  }
0x3a: {  	s16 =	sadd.s32 s6, s0;
	[sflag:s22] =	ssyncadd.s32 $0xFFFFFF38  }
0x3b: {  	[tilespmem:s23], [sflag:$0x2] =	stream.linear.gather [hbm4b:s16+s30], $0xC8, $0x38;
	[tilespmem:$0x1E700] =	vst v63  }
0x3c: {  	_ =	swait.ge [sflag:s22], $0xC8  }
0x3d: {  	[sflag:s22] =	ssyncset.done $0x0  }
0x3e: {  	s0 =	sadd.s32 s7, s0;
	[sflag:s22] =	ssyncadd.s32 $0xFFFFFF38  }
0x3f: {  	[tilespmem:s24], [sflag:$0x2] =	stream.linear.gather [hbm4b:s0+s30], $0xC8, $0x38;
	[tilespmem:$0x1E700] =	vst v63  }
0x40: {  	_ =	swait.ge [sflag:s22], $0xC8  }
0x41: {  	[sflag:s22] =	ssyncset.done $0x0  }
0x42: {  	[sflag:s22] =	ssyncadd.s32 $0xFFFFFF38  }
0x43: {  	[tilespmem:s26], [sflag:$0x1] =	stream.indirect.gather [hbm4b:s1+s25], $0x80, s30, s25, $0xb8;
	[tilespmem:$0x1E700] =	vst v63  }
0x44: {  	_ =	swait.ge [sflag:s28], $0x6400  }
0x45: {  	v1 =	vmov s30;
	[sflag:s28] =	ssyncset.done $0x0  }
0x46: {  	s0 =	simm.s32 $0x340;
	[sflag:s28] =	ssyncadd.s32 $0xFFFF9C00  }
0x47: {  	v5 =	vld [tilespmem:s0+$0x30]  }
0x48: {  	v8 =	vld [tilespmem:s0+$0x10]  }
0x49: {  	v6 =	vld [tilespmem:s0+$0xFFFFFFC0]  }
0x4a: {  	v2 =	vld.idx.msk [tilespmem:v1+s24+$0x0], $0xffff  }
0x4b: {  	v10 =	vld [tilespmem:s0+$0xFFFFFFE0]  }
0x4c: {  	v1 =	vld [tilespmem:s0+$0xFFFFFFF0]  }
0x4d: {  	v3 =	vld [tilespmem:s0+$0x20]  }
0x4e: {  	v4 =	vld [tilespmem:s0+$0xFFFFFFD0]  }
0x4f: {  	v9 =	vmul.f32 v5, v2;
	v5 =	vld [tilespmem:s0+$0x0]  }
0x50: {  	v7 =	vmul.f32 v6, v2  }
0x51: {  	s15 =	simm.s32 $0x340;
	s2 =	simm.s32 $0x1;
	v6 =	vmul.f32 v10, v2;
	v8 =	vmul.f32 v8, v2  }
.LBB2_5:
0x52: {  	p0 =	sne.s32 s2, $0xC7  }
0x53: {  	v4 =	vmul.f32 v4, v2;
	v3 =	vmul.f32 v3, v2;
	[tilespmem:s0+$0x30] =	vst v9;
	s15 =	sadd.s32 $0x80, s15;
	s16 =	smov.u32 s2;
	s2 =	sadd.s32 $0x1, s2  }
0x54: {  	[tilespmem:s0+$0xFFFFFFC0] =	vst v7;
	v7 =	vmul.f32 v1, v2;
	v2 =	vmul.f32 v5, v2  }
0x55: {  	[tilespmem:s0+$0x10] =	vst v8  }
0x56: {  	v5 =	vmov s16;
	[tilespmem:s0+$0xFFFFFFE0] =	vst v6  }
0x57: {  	v1 =	vld [tilespmem:s15+$0xFFFFFFF0];
	[tilespmem:s0+$0xFFFFFFF0] =	vst v7  }
0x58: {  	v6 =	vld [tilespmem:s15+$0x30];
	[tilespmem:s0+$0x0] =	vst v2  }
0x59: {  	v8 =	vld [tilespmem:s15+$0x10];
	[tilespmem:s0+$0x20] =	vst v3  }
0x5a: {  	v7 =	vld [tilespmem:s15+$0xFFFFFFC0];
	[tilespmem:s0+$0xFFFFFFD0] =	vst v4;
	s0 =	smov.u32 s15  }
0x5b: {  	v2 =	vld.idx.msk [tilespmem:v5+s24+$0x0], $0xffff  }
0x5c: {  	v10 =	vld [tilespmem:s15+$0xFFFFFFE0]  }
0x5d: {  	v3 =	vld [tilespmem:s15+$0x20]  }
.Ltmp1:
0x5e: {  	v4 =	vld [tilespmem:s15+$0xFFFFFFD0];
	(pc) =	sbr.rel @p0 .LBB2_5-.Ltmp1, $3  }
0x5f: {  	v5 =	vld [tilespmem:s15+$0x0];
	_ =	sdelay $0x1  }
0x60: {  	v7 =	vmul.f32 v7, v2;
	v9 =	vmul.f32 v6, v2  }
0x61: {  	v8 =	vmul.f32 v8, v2;
	v6 =	vmul.f32 v10, v2  }
0x62: {  	[tilespmem:s0+$0x30] =	vst v9  }
0x63: {  	[tilespmem:s0+$0xFFFFFFC0] =	vst v7  }
0x64: {  	v1 =	vmul.f32 v1, v2;
	[tilespmem:s0+$0x10] =	vst v8  }
0x65: {  	v3 =	vmul.f32 v3, v2;
	[tilespmem:s0+$0xFFFFFFE0] =	vst v6  }
0x66: {  	v5 =	vmul.f32 v5, v2;
	[tilespmem:s0+$0xFFFFFFF0] =	vst v1  }
0x67: {  	s31 =	sadd.s32 $0x1, s31;
	v1 =	vmul.f32 v4, v2;
	[tilespmem:s0+$0x20] =	vst v3  }
0x68: {  	p0 =	sne.s32 s31, $0x32;
	[tilespmem:s0+$0x0] =	vst v5  }
.Ltmp2:
0x69: {  	[tilespmem:s0+$0xFFFFFFD0] =	vst v1;
	(pc) =	sbr.rel @p0 .LBB2_4-.Ltmp2, $4  }
0x6a: {  	[spmem:s3] =	stream.indirect.scatter.add.f32 [tilespmem:s26], [sflag:$0x2], $0x80, s23, s25, $0xb8;
	[tilespmem:$0x1E700] =	vst v63  }
0x6b: {  	_ =	swait.ge [sflag:s22], $0x6400  }
0x6c: {  	[sflag:s22] =	ssyncset.done $0x0  }
0x6d: {  	[sflag:s22] =	ssyncadd.s32 $0xFFFF9C00  }
0x6e: {  	[bflag:$0x0] =	sbarrier.arrive $0xFFFF  }
0x6f: {  	[tilespmem:s21], [sflag:$0x2] =	stream.linear.gather [spmem:s8], $0x4000, $0x38;
	[tilespmem:$0x1E700] =	vst v63  }
0x70: {  	_ =	swait.ge [sflag:s22], $0x4000  }
0x71: {  	[sflag:s22] =	ssyncset.done $0x0  }
0x72: {  	s0 =	rddreg [dreg:$0x4];
	[sflag:s22] =	ssyncadd.s32 $0xFFFFC000  }
0x73: {  	[hbm4b:s0+s4] =	stream.linear.scatter [tilespmem:s21], [sflag:$0x2], $0x4000, $0x38;
	[tilespmem:$0x1E700] =	vst v63  }
0x74: {  	_ =	swait.ge [sflag:s22], $0x4000  }
0x75: {  	[sflag:s22] =	ssyncset.done $0x0  }
0x76: {  	[sflag:s22] =	ssyncadd.s32 $0xFFFFC000  }
0x77: {  	[tilespmem:s21], [sflag:$0x2] =	stream.linear.gather [spmem:s9], $0x4000, $0x38;
	[tilespmem:$0x1E700] =	vst v63  }
0x78: {  	_ =	swait.ge [sflag:s22], $0x4000  }
0x79: {  	[sflag:s22] =	ssyncset.done $0x0  }
0x7a: {  	s31 =	rddreg [dreg:$0x5];
	[sflag:s22] =	ssyncadd.s32 $0xFFFFC000  }
0x7b: {  	[hbm4b:s31+s4] =	stream.linear.scatter [tilespmem:s21], [sflag:$0x2], $0x4000, $0x38;
	[tilespmem:$0x1E700] =	vst v63  }
0x7c: {  	_ =	swait.ge [sflag:s22], $0x4000  }
0x7d: {  	[sflag:s22] =	ssyncset.done $0x0  }
0x7e: {  	[sflag:s22] =	ssyncadd.s32 $0xFFFFC000  }
0x7f: {  	[tilespmem:s21], [sflag:$0x2] =	stream.linear.gather [spmem:s10], $0x4000, $0x38;
	[tilespmem:$0x1E700] =	vst v63  }
0x80: {  	_ =	swait.ge [sflag:s22], $0x4000  }
0x81: {  	[sflag:s22] =	ssyncset.done $0x0  }
0x82: {  	[sflag:s22] =	ssyncadd.s32 $0xFFFFC000  }
0x83: {  	[hbm4b:s17+s4] =	stream.linear.scatter [tilespmem:s21], [sflag:$0x2], $0x4000, $0x38;
	[tilespmem:$0x1E700] =	vst v63  }
0x84: {  	_ =	swait.ge [sflag:s22], $0x4000  }
0x85: {  	[sflag:s22] =	ssyncset.done $0x0  }
0x86: {  	[sflag:s22] =	ssyncadd.s32 $0xFFFFC000  }
0x87: {  	[tilespmem:s21], [sflag:$0x2] =	stream.linear.gather [spmem:s11], $0x4000, $0x38;
	[tilespmem:$0x1E700] =	vst v63  }
0x88: {  	_ =	swait.ge [sflag:s22], $0x4000  }
0x89: {  	[sflag:s22] =	ssyncset.done $0x0  }
0x8a: {  	[sflag:s22] =	ssyncadd.s32 $0xFFFFC000  }
0x8b: {  	[hbm4b:s18+s4] =	stream.linear.scatter [tilespmem:s21], [sflag:$0x2], $0x4000, $0x38;
	[tilespmem:$0x1E700] =	vst v63  }
0x8c: {  	_ =	swait.ge [sflag:s22], $0x4000  }
0x8d: {  	[sflag:s22] =	ssyncset.done $0x0  }
0x8e: {  	[sflag:s22] =	ssyncadd.s32 $0xFFFFC000  }
0x8f: {  	[tilespmem:s21], [sflag:$0x2] =	stream.linear.gather [spmem:s12], $0x4000, $0x38;
	[tilespmem:$0x1E700] =	vst v63  }
0x90: {  	s29 =	sadd.s32 $0x1, s29;
	_ =	swait.ge [sflag:s22], $0x4000  }
0x91: {  	p0 =	sne.s32 s29, s20;
	[sflag:s22] =	ssyncset.done $0x0  }
.Ltmp3:
0x92: {  	[sflag:s22] =	ssyncadd.s32 $0xFFFFC000;
	(pc) =	sbr.rel @p0 .LBB2_1-.Ltmp3, $4  }
0x93: {  	[hbm4b:s19+s4] =	stream.linear.scatter [tilespmem:s21], [sflag:$0x2], $0x4000, $0x38;
	[tilespmem:$0x1E700] =	vst v63  }
0x94: {  	_ =	swait.ge [sflag:s22], $0x4000  }
0x95: {  	[sflag:s22] =	ssyncset.done $0x0  }
0x96: {  	[sflag:s22] =	ssyncadd.s32 $0xFFFFC000  }
0x97: {  	_ =	sfence.sel $0x180000  }
0x98: {  	[bflag:$0x0] =	sbarrier.arrive $0xFFFF  }
0x99: {  	_ =	strace $0x9000004D  }
0x9a: {  	s0 =	stileid.u32;
	[bflag:$0x2] =	sbarrier.arrive $0xFFFF  }
0x9b: {  	p0 =	sne.s32 s0, $0x0;
	s0 =	rddreg [dreg:$0x3]  }
0x9c: {  	s0 =	sadd.s32 @!p0 $0x100000, s0  }
0x9d: {  	[sflag:s0] =	ssyncadd.tile.s32 @!p0 $0x1;
	_ =	shalt  }
.Lfunc_end2:
_tile_overlayer_lowered:
.L_overlay_start_2:
0x9e: {  	(tag) =	ssettag $0x2  }
0x9f: {  	s0 =	rddreg [dreg:$0x0];
	s2 =	stileid.u32  }
0xa0: {  	s1 =	rddreg [dreg:$0x1];
	p0 =	sne.s32 s2, $0x0  }
0xa1: {  	s3 =	rddreg [dreg:$0x2];
	[bflag:$0x3] =	sbarrier.arrive $0xFFFF;
	s2 =	simm.s32 @!p0 $0x1C02  }
0xa2: {  	[timem:s3], [sflag:s2] =	dma.local @!p0 [hbm:s0], s1  }
0xa3: {  	s0 =	simm.s32 @!p0 $0x2  }
0xa4: {  	_ =	swait.ge @!p0 [sflag:s0], s1  }
0xa5: {  	s1 =	ssub.s32 @!p0 $0x0, s1;
	[sflag:s0] =	ssyncset.done @!p0 $0x0  }
0xa6: {  	[sflag:s0] =	ssyncadd.s32 @!p0 s1  }
0xa7: {  	[bflag:$0x3] =	sbarrier.arrive $0xFFFF  }
0xa8: {  	_ =	shalt  }

// kernel: kernel.22.cloned.1.call-start
scs
__scs_entry_jumppad:
0x0: {  	(pc) =	sbr.rel $0x88, $3  }
0x1: {  	(tag) =	ssettag $0x0;
	lr =	simm.s32 $0x1  }
0x2: {  	[smem:$0x3F92] =	sst lr;
	_ =	strace $0xD0000000  }
0x3: {  	_ = 	snop  }
0x4: {  	_ = 	snop  }
0x5: {  	_ = 	snop  }
0x6: {  	_ = 	snop  }
0x7: {  	_ = 	snop  }
__scs_overlays_trampoline_lowered:
0x8: {  	[smem:$0x3FA1] =	sst s0  }
0x9: {  	[smem:$0x3FA2] =	sst s1  }
0xa: {  	[smem:$0x3FA3] =	sst s2  }
0xb: {  	[smem:$0x3FA4] =	sst s3  }
0xc: {  	[smem:$0x3FA5] =	sst s4  }
0xd: {  	[smem:$0x3FA6] =	sst s5  }
0xe: {  	[smem:$0x3FA7] =	sst s6  }
0xf: {  	[smem:$0x3FA8] =	sst s7  }
0x10: {  	[smem:$0x3FA9] =	sst s8  }
0x11: {  	[smem:$0x3FAA] =	sst s9;
	s0 =	simm.s32 @!p0 $0x0  }
0x12: {  	s1 =	sld [smem:$0x3F90];
	s0 =	simm.s32 @p0 $0x1  }
0x13: {  	[smem:$0x3FAB] =	sst s0;
	s0 =	simm.s32 @!p1 $0x0  }
0x14: {  	s2 =	sld [smem:$0x3F8F];
	s0 =	simm.s32 @p1 $0x1  }
0x15: {  	[smem:$0x3FAC] =	sst s0;
	s0 =	simm.s32 @!p2 $0x0  }
0x16: {  	s3 =	sld [smem:$0x3FDB];
	s0 =	simm.s32 @p2 $0x1  }
0x17: {  	s4 =	simm.s32 $0x1BF5;
	[smem:$0x3FAE] =	sst s0  }
0x18: {  	s0 =	sld [smem:$0x3F91];
	_ =	swait.ge [sflag:s4], $0x0  }
0x19: {  	s7 =	sld [smem:$0x3F92]  }
0x1a: {  	s8 =	sadd.s32 $0xFFFFE003, lr  }
0x1b: {  	s9 =	sadd.s32 $0xFFFFFEF7, lr;
	s5 =	simm.s32 $0xFFFFFFFF;
	p2 =	slt.u32 s8, $0xFFFFF086  }
0x1c: {  	p1 =	slt.u32 s9, $0xF7A;
	s5 =	simm.s32 @!p2 $0x0  }
0x1d: {  	s5 =	simm.s32 @p1 $0x1;
	p0 =	seq.s32 s7, s2  }
0x1e: {  	s7 =	smul.u32 @!p0 $0xF7A, s2;
	p2 =	seq.s32 @!p0 s5, $0x0  }
0x1f: {  	s9 =	smul.u32 $0xF7A, s1;
	s8 =	simm.s32 @!p0 $0x1BF5;
	p2 =	por !p2, p0  }
0x20: {  	[sflag:s8] =	ssyncset.s32 @!p0 $0xFFFFF086;
	s6 =	sadd.s32 @!p0 s3, s7;
	s7 =	simm.s32 @!p0 $0x108  }
0x21: {  	s3 =	sadd.s32 s3, s9;
	s6 =	sadd.s32 @!p0 $0x88, s6;
	s7 =	simm.s32 @p2 $0x1082  }
0x22: {  	[simem:s7], [sflag:s8] =	dma.local @!p0 [hbm:s6], $0xF7A  }
0x23: {  	s9 =	sor.u32 $0xD0000000, s2;
	s6 =	simm.s32 $0x108;
	_ =	swait.ge @!p0 [sflag:s8], $0x0  }
0x24: {  	s3 =	sadd.s32 $0x88, s3;
	s6 =	simm.s32 @!p1 $0x1082;
	[sflag:s4] =	ssyncset.s32 $0xFFFFF086  }
0x25: {  	[simem:s6], [sflag:s4] =	dma.local [hbm:s3], $0xF7A  }
0x26: {  	[smem:$0x3F92] =	sst s1;
	(tag) =	ssettag s2;
	_ =	strace s9  }
0x27: {  	s1 =	sld [smem:$0x3FA2]  }
0x28: {  	s2 =	sld [smem:$0x3FA3]  }
0x29: {  	s4 =	sld [smem:$0x3FA5]  }
0x2a: {  	p0 =	seq.s32 s5, $0x0;
	s5 =	sld [smem:$0x3FA6]  }
0x2b: {  	s6 =	sld [smem:$0x3FA7]  }
0x2c: {  	s7 =	sld [smem:$0x3FA8]  }
0x2d: {  	s3 =	simm.s32 $0x108;
	s8 =	sld [smem:$0x3FA9]  }
0x2e: {  	s3 =	simm.s32 @!p0 $0x1082;
	s9 =	sld [smem:$0x3FAA]  }
0x2f: {  	lr =	sadd.s32 s0, s3;
	s0 =	sld [smem:$0x3FA1]  }
0x30: {  	s3 =	sld [smem:$0x3FA4]  }
0x31: {  	[smem:$0x3FAD] =	sst s10  }
0x32: {  	s10 =	sld [smem:$0x3FAB];
	_ =	sdelay $0x3  }
0x33: {  	p0 =	seq.s32 s10, $0x1;
	s10 =	sld [smem:$0x3FAD];
	_ =	sdelay $0x3  }
0x34: {  	[smem:$0x3FAD] =	sst s10  }
0x35: {  	s10 =	sld [smem:$0x3FAC];
	_ =	sdelay $0x3  }
0x36: {  	p1 =	seq.s32 s10, $0x1;
	s10 =	sld [smem:$0x3FAD];
	_ =	sdelay $0x3  }
0x37: {  	[smem:$0x3FAD] =	sst s10  }
0x38: {  	s10 =	sld [smem:$0x3FAE]  }
0x39: {  	_ = 	snop;
	(pc) =	sbr.ind lr, $3  }
0x3a: {  	_ = 	snop  }
0x3b: {  	_ = 	snop  }
0x3c: {  	p2 =	seq.s32 s10, $0x1;
	s10 =	sld [smem:$0x3FAD]  }
0x3d: {  	_ =	shalt  }
0x3e: {  	_ =	shalt  }
0x3f: {  	_ =	shalt  }
0x40: {  	_ =	shalt  }
0x41: {  	_ =	shalt  }
0x42: {  	_ =	shalt  }
0x43: {  	_ =	shalt  }
0x44: {  	_ =	shalt  }
0x45: {  	_ =	shalt  }
0x46: {  	_ =	shalt  }
0x47: {  	_ =	shalt  }
0x48: {  	_ =	shalt  }
0x49: {  	_ =	shalt  }
0x4a: {  	_ =	shalt  }
0x4b: {  	_ =	shalt  }
0x4c: {  	_ =	shalt  }
0x4d: {  	_ =	shalt  }
0x4e: {  	_ =	shalt  }
0x4f: {  	_ =	shalt  }
0x50: {  	_ =	shalt  }
0x51: {  	_ =	shalt  }
0x52: {  	_ =	shalt  }
0x53: {  	_ =	shalt  }
0x54: {  	_ =	shalt  }
0x55: {  	_ =	shalt  }
0x56: {  	_ =	shalt  }
0x57: {  	_ =	shalt  }
0x58: {  	_ =	shalt  }
0x59: {  	_ =	shalt  }
0x5a: {  	_ =	shalt  }
0x5b: {  	_ =	shalt  }
0x5c: {  	_ =	shalt  }
0x5d: {  	_ =	shalt  }
0x5e: {  	_ =	shalt  }
0x5f: {  	_ =	shalt  }
0x60: {  	_ =	shalt  }
0x61: {  	_ =	shalt  }
0x62: {  	_ =	shalt  }
0x63: {  	_ =	shalt  }
0x64: {  	_ =	shalt  }
0x65: {  	_ =	shalt  }
0x66: {  	_ =	shalt  }
0x67: {  	_ =	shalt  }
0x68: {  	_ =	shalt  }
0x69: {  	_ =	shalt  }
0x6a: {  	_ =	shalt  }
0x6b: {  	_ =	shalt  }
0x6c: {  	_ =	shalt  }
0x6d: {  	_ =	shalt  }
0x6e: {  	_ =	shalt  }
0x6f: {  	_ =	shalt  }
0x70: {  	_ =	shalt  }
0x71: {  	_ =	shalt  }
0x72: {  	_ =	shalt  }
0x73: {  	_ =	shalt  }
0x74: {  	_ =	shalt  }
0x75: {  	_ =	shalt  }
0x76: {  	_ =	shalt  }
0x77: {  	_ =	shalt  }
0x78: {  	_ =	shalt  }
0x79: {  	_ =	shalt  }
0x7a: {  	_ =	shalt  }
0x7b: {  	_ =	shalt  }
0x7c: {  	_ =	shalt  }
0x7d: {  	_ =	shalt  }
0x7e: {  	_ =	shalt  }
0x7f: {  	_ =	shalt  }
0x80: {  	_ =	shalt  }
0x81: {  	_ =	shalt  }
0x82: {  	_ =	shalt  }
0x83: {  	_ =	shalt  }
0x84: {  	_ =	shalt  }
0x85: {  	_ =	shalt  }
0x86: {  	_ =	shalt  }
0x87: {  	_ =	shalt  }
.Lfunc_end0:
.L_simem_size_0:
called_computation.3_lowered:
.L_overlay_start_0:
0x88: {  	s2 =	sld [smem:$0x3FD9]  }
0x89: {  	s3 =	sld [smem:$0x3FFE];
	_ =	sdelay $0x1  }
0x8a: {  	s1 =	srdreg.scid  }
0x8b: {  	s0 =	sand.u32 $0x1, s1  }
0x8c: {  	s17 =	sshll.u32 s0, $0xA;
	s2 =	sadd.s32 s3, s2  }
0x8d: {  	s2 =	sadd.s32 s2, s17  }
0x8e: {  	[smem:$0x3FB9] =	sst s2  }
0x8f: {  	_ = 	snop  }
0x90: {  	s2 =	sld [smem:$0x3FD0];
	(tm) =	ssettm $0x1  }
0x91: {  	s18 =	sld [smem:$0x3FFB];
	_ =	sdelay $0x3  }
0x92: {  	_ =	strace s18  }
0x93: {  	s3 =	sld [smem:$0x3FFC];
	_ =	sdelay $0x3  }
0x94: {  	_ =	strace s3  }
0x95: {  	s3 =	sld [smem:$0x3FFD];
	_ =	sdelay $0x3  }
0x96: {  	_ =	strace s3  }
0x97: {  	_ =	strace $0x8FFFFFFF  }
0x98: {  	s19 =	sld [smem:$0x3FDB];
	_ =	sdelay $0x1  }
0x99: {  	s4 =	simm.s32 $_scs_section_size  }
0x9a: {  	s5 =	simm.s32 $_size__tile_overlayer_lowered;
	s6 =	simm.s32 $_tile_overlayer_lowered  }
0x9b: {  	s22 =	simm.s32 $0x1BFF;
	s21 =	sshll.u32 s6, $0x1;
	s3 =	sadd.s32 s4, s19  }
0x9c: {  	s7 =	simm.s32 $0x0;
	s20 =	sshll.u32 s5, $0x1;
	s5 =	sadd.s32 s21, s3  }
0x9d: {  	[timem:s7], [sflag:s22] =	dma.local [hbm:s5], s20  }
0x9e: {  	_ =	swait.ge [sflag:s22], s20  }
0x9f: {  	s4 =	ssub.s32 $0x0, s20;
	[sflag:s22] =	ssyncset.done $0x0  }
0xa0: {  	[sflag:s22] =	ssyncadd.s32 s4;
	_ =	sdelay $0x1  }
0xa1: {  	s23 =	simm.s32 $0x1B8B  }
0xa2: {  	_ =	swait.ge [sflag:s23], $0x1  }
0xa3: {  	[sflag:s23] =	ssyncset.done $0x0  }
0xa4: {  	s25 =	simm.s32 $0x1B8E;
	s24 =	sld [smem:$0x3FFE];
	[sflag:s23] =	ssyncadd.s32 $0xFFFFFFFF  }
0xa5: {  	s26 =	simm.s32 $execute0_lowered;
	[smem:$0x3FD2] =	sst s25  }
0xa6: {  	s5 =	sshll.u32 s26, $0x1;
	_ =	strace $0x8000004F;
	[dreg:$0x1] =	wrdreg $0xFFFFFFFF  }
0xa7: {  	s28 =	simm.s32 $_size_execute0_lowered;
	s3 =	sadd.s32 s3, s5;
	[dreg:$0x0] =	wrdreg $0x0  }
0xa8: {  	s5 =	sshll.u32 s28, $0x1;
	[dreg:$0x2] =	wrdreg s3  }
0xa9: {  	[dreg:$0x3] =	wrdreg s5  }
0xaa: {  	[dreg:$0x4] =	wrdreg $0xC0  }
0xab: {  	_ =	task [dreg:s7], $0x5FFFF  }
0xac: {  	[dreg:$0x1] =	wrdreg $0xFFFFFFFF  }
0xad: {  	[dreg:$0x0] =	wrdreg $0x60  }
0xae: {  	[dreg:$0x2] =	wrdreg s2  }
0xaf: {  	[dreg:$0x3] =	wrdreg s24  }
0xb0: {  	[dreg:$0x4] =	wrdreg $0xA7000  }
0xb1: {  	[dreg:$0x5] =	wrdreg $0x9  }
0xb2: {  	_ =	task.clear_ibuf [dreg:s7], $0x6FFFF;
	_ =	strace $0x9000004F  }
0xb3: {  	s29 =	simm.s32 $0x9;
	_ =	strace $0x80000051  }
0xb4: {  	_ =	swait.ge [sflag:s29], $0x1  }
0xb5: {  	[sflag:s29] =	ssyncadd.s32 $0xFFFFFFFF  }
0xb6: {  	_ =	strace $0x90000051  }
0xb7: {  	_ =	sfence  }
0xb8: {  	s30 =	sld [smem:$0x0];
	_ =	sdelay $0x2  }
0xb9: {  	s31 =	sshll.u32 s1, $0xD;
	s1 =	sshrl.u32 s1, $0x2  }
0xba: {  	s3 =	sand.u32 $0x4000, s31;
	s1 =	sadd.s32 s1, s30  }
0xbb: {  	s0 =	sor.u32 s3, s0;
	s1 =	sshll.u32 s1, $0x11  }
0xbc: {  	s0 =	sor.u32 s1, s0  }
0xbd: {  	s0 =	sadd.s32 $0x8F2B, s0  }
0xbe: {  	[sflag:s0] =	ssyncadd.remote.s32 $0x1  }
0xbf: {  	_ =	sfence.sel $0xFFFF  }
0xc0: {  	[dreg:$0x0] =	wrdreg $0xFFFFFFFF;
	(pc) =	sbr.abs _section_cstart, $3  }
0xc1: {  	[dreg:$0x1] =	wrdreg $0xFFFFFFFF  }
0xc2: {  	_ =	task.clear_ibuf [dreg:s7], $0x2FFFF;
	_ =	strace $0x9FFFFFFF  }
0xc3: {  	(tm) =	ssettm $0x7FFFFFFF  }
tec
execute0_lowered:
.L_overlay_start_1:
0x0: {  	(tag) =	ssettag $0x1  }
0x1: {  	s1 =	rddreg [dreg:$0x0]  }
0x2: {  	s0 =	rddreg [dreg:$0x1]  }
0x3: {  	s3 =	rddreg [dreg:$0x2]  }
0x4: {  	s2 =	srdreg.scid;
	s13 =	stileid.u32;
	s4 =	simm.s32 $0x0  }
0x5: {  	s21 =	simm.s32 $0x6700;
	s22 =	simm.s32 $0x2;
	s23 =	simm.s32 $0x100  }
0x6: {  	s24 =	simm.s32 $0x200;
	s25 =	simm.s32 $0xC8;
	s28 =	simm.s32 $0x1  }
0x7: {  	s29 =	simm.s32 $0x0;
	s2 =	sand.u32 $0x1, s2;
	s8 =	smul.u32 $0x280, s13  }
0x8: {  	[smem:$0x7FF] =	sst s4;
	s5 =	sadd.s32 $0x1D800, s0;
	s10 =	smul.u32 $0x50000, s13  }
0x9: {  	s6 =	sadd.s32 $0x4200, s0;
	s7 =	sadd.s32 $0x18800, s0;
	s9 =	smul.u32 $0x2800, s2  }
0xa: {  	s13 =	smul.u32 $0x2710, s13;
	_ =	strace $0x80000050;
	s26 =	ssub.s32 $0x2, s2  }
0xb: {  	s14 =	smul.u32 $0x27100, s2;
	s11 =	sshrl.u32 s26, $0x1;
	s8 =	sadd.s32 s8, s9  }
0xc: {  	s10 =	sshrl.u32 s10, $0x2;
	s15 =	ssub.s32 s26, s11;
	s8 =	sshll.u32 s8, $0x4  }
0xd: {  	s26 =	simm.s32 $0x300;
	s0 =	sadd.s32 s8, s0;
	s8 =	sadd.s32 s10, s3  }
0xe: {  	s20 =	smax.u32 s15, $0x1;
	s9 =	sadd.s32 $0x4000, s8;
	s10 =	sadd.s32 $0x8000, s8  }
0xf: {  	s11 =	sadd.s32 $0xC000, s8;
	s12 =	sadd.s32 $0x10000, s8;
	s30 =	sadd.s32 $0x27600, s0  }
0x10: {  	s31 =	sadd.s32 $0x27E00, s0;
	s17 =	sadd.s32 $0x28600, s0;
	[dreg:$0x4] =	wrdreg s30  }
0x11: {  	v0 =	vimm.f32 $0.0e+00;
	s18 =	sadd.s32 $0x28E00, s0;
	s19 =	sadd.s32 $0x29600, s0;
	[dreg:$0x5] =	wrdreg s31  }
.LBB2_1:
0x12: {  	s0 =	sand.u32 $0xFE00, s4  }
0x13: {  	s2 =	sand.u32 $0x70, s4;
	s15 =	sshrl.u32 s0, $0x2  }
0x14: {  	s0 =	simm.s32 $0x40;
	s15 =	sor.u32 s2, s15;
	s2 =	simm.s32 $0x0  }
.LBB2_2:
0x15: {  	p0 =	sne.s32 s0, $0xFFC0  }
0x16: {  	[tilespmem:s15+$0x6700] =	vst v0;
	s2 =	sadd.s32 $0x10, s2;
	s15 =	smov.u32 s0;
	s0 =	sadd.s32 $0x40, s0  }
.Ltmp0:
0x17: {  	(pc) =	sbr.rel @p0 .LBB2_2-.Ltmp0, $4  }
0x18: {  	_ = 	snop  }
0x19: {  	s15 =	sand.u32 $0xFE00, s15  }
0x1a: {  	s30 =	sand.u32 $0x70, s2;
	s15 =	sshrl.u32 s15, $0x2  }
0x1b: {  	s15 =	sor.u32 s30, s15  }
0x1c: {  	[tilespmem:s15+$0x6700] =	vst v0  }
0x1d: {  	[spmem:s8] =	stream.linear.scatter [tilespmem:s21], [sflag:$0x2], $0x4000, $0x38;
	[tilespmem:$0x1E700] =	vst v63  }
0x1e: {  	_ =	swait.ge [sflag:s22], $0x4000  }
0x1f: {  	[sflag:s22] =	ssyncset.done $0x0  }
0x20: {  	[sflag:s22] =	ssyncadd.s32 $0xFFFFC000  }
0x21: {  	[spmem:s9] =	stream.linear.scatter [tilespmem:s21], [sflag:$0x2], $0x4000, $0x38;
	[tilespmem:$0x1E700] =	vst v63  }
0x22: {  	_ =	swait.ge [sflag:s22], $0x4000  }
0x23: {  	[sflag:s22] =	ssyncset.done $0x0  }
0x24: {  	[sflag:s22] =	ssyncadd.s32 $0xFFFFC000  }
0x25: {  	[spmem:s10] =	stream.linear.scatter [tilespmem:s21], [sflag:$0x2], $0x4000, $0x38;
	[tilespmem:$0x1E700] =	vst v63  }
0x26: {  	_ =	swait.ge [sflag:s22], $0x4000  }
0x27: {  	[sflag:s22] =	ssyncset.done $0x0  }
0x28: {  	[sflag:s22] =	ssyncadd.s32 $0xFFFFC000  }
0x29: {  	[spmem:s11] =	stream.linear.scatter [tilespmem:s21], [sflag:$0x2], $0x4000, $0x38;
	[tilespmem:$0x1E700] =	vst v63  }
0x2a: {  	_ =	swait.ge [sflag:s22], $0x4000  }
0x2b: {  	[sflag:s22] =	ssyncset.done $0x0  }
0x2c: {  	[sflag:s22] =	ssyncadd.s32 $0xFFFFC000  }
0x2d: {  	[spmem:s12] =	stream.linear.scatter [tilespmem:s21], [sflag:$0x2], $0x4000, $0x38;
	[tilespmem:$0x1E700] =	vst v63  }
0x2e: {  	_ =	swait.ge [sflag:s22], $0x4000  }
0x2f: {  	[sflag:s22] =	ssyncset.done $0x0  }
0x30: {  	[sflag:s22] =	ssyncadd.s32 $0xFFFFC000  }
0x31: {  	s30 =	simm.s32 $0x0;
	s31 =	simm.s32 $0x0;
	[bflag:$0x0] =	sbarrier.arrive $0xFFFF  }
.LBB2_4:
0x32: {  	s0 =	smul.u32 $0xC8, s31;
	_ =	sdelay $0x1  }
0x33: {  	s0 =	sadd.s32 s13, s0  }
0x34: {  	s2 =	sadd.s32 s14, s0  }
0x35: {  	s2 =	sshrl.u32 s2, $0x3  }
0x36: {  	s2 =	sadd.s32 s5, s2  }
0x37: {  	[tilespmem:s30], [sflag:$0x2] =	stream.linear.gather [hbm4b:s2+s30], $0xC8, $0x38;
	[tilespmem:$0x1E700] =	vst v63  }
0x38: {  	_ =	swait.ge [sflag:s22], $0xC8  }
0x39: {  	s0 =	sshrl.u32 s0, $0x3;
	[sflag:s22] =	ssyncset.done $0x0  }
0x3a: {  	s16 =	sadd.s32 s6, s0;
	[sflag:s22] =	ssyncadd.s32 $0xFFFFFF38  }
0x3b: {  	[tilespmem:s23], [sflag:$0x2] =	stream.linear.gather [hbm4b:s16+s30], $0xC8, $0x38;
	[tilespmem:$0x1E700] =	vst v63  }
0x3c: {  	_ =	swait.ge [sflag:s22], $0xC8  }
0x3d: {  	[sflag:s22] =	ssyncset.done $0x0  }
0x3e: {  	s0 =	sadd.s32 s7, s0;
	[sflag:s22] =	ssyncadd.s32 $0xFFFFFF38  }
0x3f: {  	[tilespmem:s24], [sflag:$0x2] =	stream.linear.gather [hbm4b:s0+s30], $0xC8, $0x38;
	[tilespmem:$0x1E700] =	vst v63  }
0x40: {  	_ =	swait.ge [sflag:s22], $0xC8  }
0x41: {  	[sflag:s22] =	ssyncset.done $0x0  }
0x42: {  	[sflag:s22] =	ssyncadd.s32 $0xFFFFFF38  }
0x43: {  	[tilespmem:s26], [sflag:$0x1] =	stream.indirect.gather [hbm4b:s1+s25], $0x80, s30, s25, $0xb8;
	[tilespmem:$0x1E700] =	vst v63  }
0x44: {  	_ =	swait.ge [sflag:s28], $0x6400  }
0x45: {  	v1 =	vmov s30;
	[sflag:s28] =	ssyncset.done $0x0  }
0x46: {  	s0 =	simm.s32 $0x340;
	[sflag:s28] =	ssyncadd.s32 $0xFFFF9C00  }
0x47: {  	v5 =	vld [tilespmem:s0+$0x30]  }
0x48: {  	v8 =	vld [tilespmem:s0+$0x10]  }
0x49: {  	v6 =	vld [tilespmem:s0+$0xFFFFFFC0]  }
0x4a: {  	v2 =	vld.idx.msk [tilespmem:v1+s24+$0x0], $0xffff  }
0x4b: {  	v10 =	vld [tilespmem:s0+$0xFFFFFFE0]  }
0x4c: {  	v1 =	vld [tilespmem:s0+$0xFFFFFFF0]  }
0x4d: {  	v3 =	vld [tilespmem:s0+$0x20]  }
0x4e: {  	v4 =	vld [tilespmem:s0+$0xFFFFFFD0]  }
0x4f: {  	v9 =	vmul.f32 v5, v2;
	v5 =	vld [tilespmem:s0+$0x0]  }
0x50: {  	v7 =	vmul.f32 v6, v2  }
0x51: {  	s15 =	simm.s32 $0x340;
	s2 =	simm.s32 $0x1;
	v6 =	vmul.f32 v10, v2;
	v8 =	vmul.f32 v8, v2  }
.LBB2_5:
0x52: {  	p0 =	sne.s32 s2, $0xC7  }
0x53: {  	v4 =	vmul.f32 v4, v2;
	v3 =	vmul.f32 v3, v2;
	[tilespmem:s0+$0x30] =	vst v9;
	s15 =	sadd.s32 $0x80, s15;
	s16 =	smov.u32 s2;
	s2 =	sadd.s32 $0x1, s2  }
0x54: {  	[tilespmem:s0+$0xFFFFFFC0] =	vst v7;
	v7 =	vmul.f32 v1, v2;
	v2 =	vmul.f32 v5, v2  }
0x55: {  	[tilespmem:s0+$0x10] =	vst v8  }
0x56: {  	v5 =	vmov s16;
	[tilespmem:s0+$0xFFFFFFE0] =	vst v6  }
0x57: {  	v1 =	vld [tilespmem:s15+$0xFFFFFFF0];
	[tilespmem:s0+$0xFFFFFFF0] =	vst v7  }
0x58: {  	v6 =	vld [tilespmem:s15+$0x30];
	[tilespmem:s0+$0x0] =	vst v2  }
0x59: {  	v8 =	vld [tilespmem:s15+$0x10];
	[tilespmem:s0+$0x20] =	vst v3  }
0x5a: {  	v7 =	vld [tilespmem:s15+$0xFFFFFFC0];
	[tilespmem:s0+$0xFFFFFFD0] =	vst v4;
	s0 =	smov.u32 s15  }
0x5b: {  	v2 =	vld.idx.msk [tilespmem:v5+s24+$0x0], $0xffff  }
0x5c: {  	v10 =	vld [tilespmem:s15+$0xFFFFFFE0]  }
0x5d: {  	v3 =	vld [tilespmem:s15+$0x20]  }
.Ltmp1:
0x5e: {  	v4 =	vld [tilespmem:s15+$0xFFFFFFD0];
	(pc) =	sbr.rel @p0 .LBB2_5-.Ltmp1, $3  }
0x5f: {  	v5 =	vld [tilespmem:s15+$0x0];
	_ =	sdelay $0x1  }
0x60: {  	v7 =	vmul.f32 v7, v2;
	v9 =	vmul.f32 v6, v2  }
0x61: {  	v8 =	vmul.f32 v8, v2;
	v6 =	vmul.f32 v10, v2  }
0x62: {  	[tilespmem:s0+$0x30] =	vst v9  }
0x63: {  	[tilespmem:s0+$0xFFFFFFC0] =	vst v7  }
0x64: {  	v1 =	vmul.f32 v1, v2;
	[tilespmem:s0+$0x10] =	vst v8  }
0x65: {  	v3 =	vmul.f32 v3, v2;
	[tilespmem:s0+$0xFFFFFFE0] =	vst v6  }
0x66: {  	v5 =	vmul.f32 v5, v2;
	[tilespmem:s0+$0xFFFFFFF0] =	vst v1  }
0x67: {  	s31 =	sadd.s32 $0x1, s31;
	v1 =	vmul.f32 v4, v2;
	[tilespmem:s0+$0x20] =	vst v3  }
0x68: {  	p0 =	sne.s32 s31, $0x32;
	[tilespmem:s0+$0x0] =	vst v5  }
.Ltmp2:
0x69: {  	[tilespmem:s0+$0xFFFFFFD0] =	vst v1;
	(pc) =	sbr.rel @p0 .LBB2_4-.Ltmp2, $4  }
0x6a: {  	[spmem:s3] =	stream.indirect.scatter.add.f32 [tilespmem:s26], [sflag:$0x2], $0x80, s23, s25, $0xb8;
	[tilespmem:$0x1E700] =	vst v63  }
0x6b: {  	_ =	swait.ge [sflag:s22], $0x6400  }
0x6c: {  	[sflag:s22] =	ssyncset.done $0x0  }
0x6d: {  	[sflag:s22] =	ssyncadd.s32 $0xFFFF9C00  }
0x6e: {  	[bflag:$0x0] =	sbarrier.arrive $0xFFFF  }
0x6f: {  	[tilespmem:s21], [sflag:$0x2] =	stream.linear.gather [spmem:s8], $0x4000, $0x38;
	[tilespmem:$0x1E700] =	vst v63  }
0x70: {  	_ =	swait.ge [sflag:s22], $0x4000  }
0x71: {  	[sflag:s22] =	ssyncset.done $0x0  }
0x72: {  	s0 =	rddreg [dreg:$0x4];
	[sflag:s22] =	ssyncadd.s32 $0xFFFFC000  }
0x73: {  	[hbm4b:s0+s4] =	stream.linear.scatter [tilespmem:s21], [sflag:$0x2], $0x4000, $0x38;
	[tilespmem:$0x1E700] =	vst v63  }
0x74: {  	_ =	swait.ge [sflag:s22], $0x4000  }
0x75: {  	[sflag:s22] =	ssyncset.done $0x0  }
0x76: {  	[sflag:s22] =	ssyncadd.s32 $0xFFFFC000  }
0x77: {  	[tilespmem:s21], [sflag:$0x2] =	stream.linear.gather [spmem:s9], $0x4000, $0x38;
	[tilespmem:$0x1E700] =	vst v63  }
0x78: {  	_ =	swait.ge [sflag:s22], $0x4000  }
0x79: {  	[sflag:s22] =	ssyncset.done $0x0  }
0x7a: {  	s31 =	rddreg [dreg:$0x5];
	[sflag:s22] =	ssyncadd.s32 $0xFFFFC000  }
0x7b: {  	[hbm4b:s31+s4] =	stream.linear.scatter [tilespmem:s21], [sflag:$0x2], $0x4000, $0x38;
	[tilespmem:$0x1E700] =	vst v63  }
0x7c: {  	_ =	swait.ge [sflag:s22], $0x4000  }
0x7d: {  	[sflag:s22] =	ssyncset.done $0x0  }
0x7e: {  	[sflag:s22] =	ssyncadd.s32 $0xFFFFC000  }
0x7f: {  	[tilespmem:s21], [sflag:$0x2] =	stream.linear.gather [spmem:s10], $0x4000, $0x38;
	[tilespmem:$0x1E700] =	vst v63  }
0x80: {  	_ =	swait.ge [sflag:s22], $0x4000  }
0x81: {  	[sflag:s22] =	ssyncset.done $0x0  }
0x82: {  	[sflag:s22] =	ssyncadd.s32 $0xFFFFC000  }
0x83: {  	[hbm4b:s17+s4] =	stream.linear.scatter [tilespmem:s21], [sflag:$0x2], $0x4000, $0x38;
	[tilespmem:$0x1E700] =	vst v63  }
0x84: {  	_ =	swait.ge [sflag:s22], $0x4000  }
0x85: {  	[sflag:s22] =	ssyncset.done $0x0  }
0x86: {  	[sflag:s22] =	ssyncadd.s32 $0xFFFFC000  }
0x87: {  	[tilespmem:s21], [sflag:$0x2] =	stream.linear.gather [spmem:s11], $0x4000, $0x38;
	[tilespmem:$0x1E700] =	vst v63  }
0x88: {  	_ =	swait.ge [sflag:s22], $0x4000  }
0x89: {  	[sflag:s22] =	ssyncset.done $0x0  }
0x8a: {  	[sflag:s22] =	ssyncadd.s32 $0xFFFFC000  }
0x8b: {  	[hbm4b:s18+s4] =	stream.linear.scatter [tilespmem:s21], [sflag:$0x2], $0x4000, $0x38;
	[tilespmem:$0x1E700] =	vst v63  }
0x8c: {  	_ =	swait.ge [sflag:s22], $0x4000  }
0x8d: {  	[sflag:s22] =	ssyncset.done $0x0  }
0x8e: {  	[sflag:s22] =	ssyncadd.s32 $0xFFFFC000  }
0x8f: {  	[tilespmem:s21], [sflag:$0x2] =	stream.linear.gather [spmem:s12], $0x4000, $0x38;
	[tilespmem:$0x1E700] =	vst v63  }
0x90: {  	s29 =	sadd.s32 $0x1, s29;
	_ =	swait.ge [sflag:s22], $0x4000  }
0x91: {  	p0 =	sne.s32 s29, s20;
	[sflag:s22] =	ssyncset.done $0x0  }
.Ltmp3:
0x92: {  	[sflag:s22] =	ssyncadd.s32 $0xFFFFC000;
	(pc) =	sbr.rel @p0 .LBB2_1-.Ltmp3, $4  }
0x93: {  	[hbm4b:s19+s4] =	stream.linear.scatter [tilespmem:s21], [sflag:$0x2], $0x4000, $0x38;
	[tilespmem:$0x1E700] =	vst v63  }
0x94: {  	_ =	swait.ge [sflag:s22], $0x4000  }
0x95: {  	[sflag:s22] =	ssyncset.done $0x0  }
0x96: {  	[sflag:s22] =	ssyncadd.s32 $0xFFFFC000  }
0x97: {  	_ =	sfence.sel $0x180000  }
0x98: {  	[bflag:$0x0] =	sbarrier.arrive $0xFFFF  }
0x99: {  	_ =	strace $0x90000050  }
0x9a: {  	s0 =	stileid.u32;
	[bflag:$0x2] =	sbarrier.arrive $0xFFFF  }
0x9b: {  	p0 =	sne.s32 s0, $0x0;
	s0 =	rddreg [dreg:$0x3]  }
0x9c: {  	s0 =	sadd.s32 @!p0 $0x100000, s0  }
0x9d: {  	[sflag:s0] =	ssyncadd.tile.s32 @!p0 $0x1;
	_ =	shalt  }
.Lfunc_end2:
_tile_overlayer_lowered:
.L_overlay_start_2:
0x9e: {  	(tag) =	ssettag $0x2  }
0x9f: {  	s0 =	rddreg [dreg:$0x0];
	s2 =	stileid.u32  }
0xa0: {  	s1 =	rddreg [dreg:$0x1];
	p0 =	sne.s32 s2, $0x0  }
0xa1: {  	s3 =	rddreg [dreg:$0x2];
	[bflag:$0x3] =	sbarrier.arrive $0xFFFF;
	s2 =	simm.s32 @!p0 $0x1C02  }
0xa2: {  	[timem:s3], [sflag:s2] =	dma.local @!p0 [hbm:s0], s1  }
0xa3: {  	s0 =	simm.s32 @!p0 $0x2  }
0xa4: {  	_ =	swait.ge @!p0 [sflag:s0], s1  }
0xa5: {  	s1 =	ssub.s32 @!p0 $0x0, s1;
	[sflag:s0] =	ssyncset.done @!p0 $0x0  }
0xa6: {  	[sflag:s0] =	ssyncadd.s32 @!p0 s1  }
0xa7: {  	[bflag:$0x3] =	sbarrier.arrive $0xFFFF  }
0xa8: {  	_ =	shalt  }

</sc_bundles>
